<compile_context>
chip_gen: v7x
topology: tpu7x:2x2x1
jax: 0.10.2.dev20260603
libtpu: 0.0.44.dev20260713+nightly
codegen_flags: <defaults>
</compile_context>

<pallas_src>
import functools

import jax
import jax.numpy as jnp
from jax import lax
from jax.experimental import pallas as pl
from jax.experimental.pallas import tpu as pltpu
from jax.experimental.pallas import tpu_sc as plsc

NC = 2
NS = 16
NW = NC * NS
CHUNK = 128
GPB = 1
OCHUNK = GPB * CHUNK
NBUF = 7


def _gather_body(nb, b, feat_hbm, idx_hbm, out_hbm, idx_v, *scratch):
    bufs = scratch[:NBUF]
    gsems = scratch[NBUF:2 * NBUF]
    osems = scratch[2 * NBUF:3 * NBUF]

    rows_per_w = nb * OCHUNK
    last_rows = b - (NW - 1) * rows_per_w
    last_full = last_rows // OCHUNK
    tail = last_rows - last_full * OCHUNK

    wid = lax.axis_index("s") * NC + lax.axis_index("c")
    out_base = wid * rows_per_w
    is_last = wid == NW - 1

    @pl.when(jnp.logical_not(is_last))
    def _():
        pltpu.sync_copy(idx_hbm.at[pl.ds(wid * rows_per_w, rows_per_w)], idx_v)

    @pl.when(is_last)
    def _():
        pltpu.sync_copy(idx_hbm.at[pl.ds((NW - 1) * rows_per_w, last_rows)],
                        idx_v.at[pl.ds(0, last_rows)])
        if rows_per_w > last_rows and last_rows % 16 == 0:
            lanes = lax.iota(jnp.int32, 16)
            for t in range(last_rows, rows_per_w, 16):
                idx_v[pl.ds(t, 16)] = lanes + (t - last_rows)
        elif rows_per_w > last_rows:
            pltpu.sync_copy(idx_hbm.at[pl.ds(0, rows_per_w - last_rows)],
                            idx_v.at[pl.ds(last_rows, rows_per_w - last_rows)])

    def start_gathers(c, j):
        for h in range(GPB):
            dst = bufs[j].at[pl.ds(h * CHUNK, CHUNK)]
            idx = idx_v.at[pl.ds((GPB * c + h) * CHUNK, CHUNK)]
            pltpu.make_async_copy(feat_hbm.at[idx], dst, gsems[j]).start()

    def wait_gathers(j):
        for h in range(GPB):
            dst = bufs[j].at[pl.ds(h * CHUNK, CHUNK)]
            idx = idx_v.at[pl.ds(0, CHUNK)]
            pltpu.make_async_copy(feat_hbm.at[idx], dst, gsems[j]).wait()

    def full_out(c, j):
        dst = out_hbm.at[pl.ds(out_base + c * OCHUNK, OCHUNK)]
        return pltpu.make_async_copy(bufs[j], dst, osems[j])

    def tail_out(j):
        dst = out_hbm.at[pl.ds((NW - 1) * rows_per_w + last_full * OCHUNK, tail)]
        return pltpu.make_async_copy(bufs[j].at[pl.ds(0, tail)], dst, osems[j])

    def start_out(c, j):
        @pl.when(jnp.logical_or(jnp.logical_not(is_last), c < last_full))
        def _():
            full_out(c, j).start()

        if tail > 0:
            @pl.when(jnp.logical_and(is_last, c == last_full))
            def _():
                tail_out(j).start()

    def wait_out(c, j):
        @pl.when(jnp.logical_or(jnp.logical_not(is_last), c < last_full))
        def _():
            full_out(0, j).wait()

        if tail > 0:
            @pl.when(jnp.logical_and(is_last, c == last_full))
            def _():
                tail_out(j).wait()

    for c in range(min(NBUF - 1, nb)):
        start_gathers(c, c)

    def step(c, j):
        wait_gathers(j)
        start_out(c, j)

    def feed(c, f, k2, guard_prev):
        if guard_prev:
            wait_out(c - 1, k2)
        start_gathers(f, k2)

    head_end = min(NBUF, nb)
    for c in range(head_end):
        step(c, c % NBUF)
        f = c + NBUF - 1
        if f < nb:
            feed(c, f, f % NBUF, c >= 1)

    m_end = ((nb - (NBUF - 1)) // NBUF) * NBUF if nb > NBUF else head_end
    m_end = max(m_end, head_end)

    def grp(g, _):
        base = NBUF + g * NBUF
        for j in range(NBUF):
            c = base + j
            step(c, j)
            k2 = (j + NBUF - 1) % NBUF
            wait_out(c - 1, k2)
            start_gathers(c + NBUF - 1, k2)
        return 0

    if m_end > head_end:
        lax.fori_loop(0, (m_end - NBUF) // NBUF, grp, 0)

    for c in range(m_end, nb):
        step(c, c % NBUF)
        f = c + NBUF - 1
        if f < nb:
            feed(c, f, f % NBUF, True)

    for c in range(max(0, nb - NBUF), nb):
        wait_out(c, c % NBUF)


@functools.partial(jax.jit, static_argnames=("nb", "b"))
def _gather(features, rev, nb, b):
    d = features.shape[1]
    mesh = plsc.VectorSubcoreMesh(
        core_axis_name="c", subcore_axis_name="s",
        num_cores=NC, num_subcores=NS)
    return pl.kernel(
        functools.partial(_gather_body, nb, b),
        out_type=jax.ShapeDtypeStruct((b, d), features.dtype),
        mesh=mesh,
        scratch_types=(
            [pltpu.VMEM((nb * OCHUNK,), jnp.int32)]
            + [pltpu.VMEM((OCHUNK, d), features.dtype) for _ in range(NBUF)]
            + [pltpu.SemaphoreType.DMA for _ in range(2 * NBUF)]
        ),
    )(features, rev)


def kernel(features, rev):
    b = rev.shape[0]
    rev = rev.astype(jnp.int32)
    unit = NW * OCHUNK
    b_pad = ((b + unit - 1) // unit) * unit
    nb = b_pad // (NW * OCHUNK)
    return _gather(features, rev, nb, b)

# --- scband reference (transcript-rebuilt; emitter-appended) ---
"""Pipeline reference for scband-output-layer-44581760532905 (READ-ONLY COPY).

The authoritative reference and input builder live on the scoring server;
editing this copy changes nothing except your own understanding.
"""

import jax, jax.numpy as jnp
import numpy as np


def setup_inputs(seed: int = 0) -> dict:
    key = jax.random.key(seed)
    k1, k2 = jax.random.split(key)
    features = jax.random.normal(k1, (100000, 128), dtype=jnp.float32)
    rev = jax.random.randint(k2, (200000,), 0, 100000, dtype=jnp.int64)
    return {"features": features, "rev": rev}


def reference(features, rev):
    # OutputLayer.forward: return features[rev]  (pure gather)
    return jnp.take(features, rev, axis=0)

if __name__ == "__main__":
    import jax
    _d = setup_inputs()
    print(jax.jit(kernel)(*tuple(_d.values())))

</pallas_src>

<mosaic_0001>
#map = affine_map<(d0, d1) -> (0, 0)>
#map1 = affine_map<(d0, d1) -> (0)>
module attributes {stable_mosaic.version = 14 : i64} {
  func.func @_gather_body(%arg0: i32, %arg1: i32, %arg2: memref<100000x128xf32, #tpu.memory_space<hbm>>, %arg3: memref<200000xi32, #tpu.memory_space<hbm>>, %arg4: memref<200000x128xf32, #tpu.memory_space<hbm>>, %arg5: memref<6272xi32, #tpu.memory_space<vmem>>, %arg6: memref<128x128xf32, #tpu.memory_space<vmem>>, %arg7: memref<128x128xf32, #tpu.memory_space<vmem>>, %arg8: memref<128x128xf32, #tpu.memory_space<vmem>>, %arg9: memref<128x128xf32, #tpu.memory_space<vmem>>, %arg10: memref<128x128xf32, #tpu.memory_space<vmem>>, %arg11: memref<128x128xf32, #tpu.memory_space<vmem>>, %arg12: memref<128x128xf32, #tpu.memory_space<vmem>>, %arg13: memref<!tpu.dma_semaphore, #tpu.memory_space<semaphore_mem>>, %arg14: memref<!tpu.dma_semaphore, #tpu.memory_space<semaphore_mem>>, %arg15: memref<!tpu.dma_semaphore, #tpu.memory_space<semaphore_mem>>, %arg16: memref<!tpu.dma_semaphore, #tpu.memory_space<semaphore_mem>>, %arg17: memref<!tpu.dma_semaphore, #tpu.memory_space<semaphore_mem>>, %arg18: memref<!tpu.dma_semaphore, #tpu.memory_space<semaphore_mem>>, %arg19: memref<!tpu.dma_semaphore, #tpu.memory_space<semaphore_mem>>, %arg20: memref<!tpu.dma_semaphore, #tpu.memory_space<semaphore_mem>>, %arg21: memref<!tpu.dma_semaphore, #tpu.memory_space<semaphore_mem>>, %arg22: memref<!tpu.dma_semaphore, #tpu.memory_space<semaphore_mem>>, %arg23: memref<!tpu.dma_semaphore, #tpu.memory_space<semaphore_mem>>, %arg24: memref<!tpu.dma_semaphore, #tpu.memory_space<semaphore_mem>>, %arg25: memref<!tpu.dma_semaphore, #tpu.memory_space<semaphore_mem>>, %arg26: memref<!tpu.dma_semaphore, #tpu.memory_space<semaphore_mem>>) attributes {dimension_semantics = [#tpu.dimension_semantics<core_parallel>, #tpu.dimension_semantics<subcore_parallel>], iteration_bounds = array<i64: 2, 16>, scalar_prefetch = 0 : i64, scratch_operands = 22 : i64, tpu.core_type = #tpu.core_type<sc_vector_subcore>, window_params = [{transform_indices = #map}, {transform_indices = #map1}, {transform_indices = #map}]} {
    %mul3A = arith.constant 2 : i32
    %mul3A_0 = arith.muli %arg1, %mul3A : i32
    %add3A = arith.addi %mul3A_0, %arg0 : i32
    %mul3A_1 = arith.constant 6272 : i32
    %mul3A_2 = arith.muli %add3A, %mul3A_1 : i32
    %eq3A = arith.constant 31 : i32
    %eq3A_3 = arith.cmpi eq, %add3A, %eq3A : i32
    %not3A = arith.constant true
    %not3A_4 = arith.xori %eq3A_3, %not3A : i1
    %convert_element_type3A = arith.extui %not3A_4 : i1 to i32
    %cond3A = arith.constant 0 : i32
    %cond3A_5 = arith.cmpi ne, %convert_element_type3A, %cond3A : i32
    scf.if %cond3A_5 {
      %mul3A_571 = arith.constant 6272 : i32
      %mul3A_572 = arith.muli %add3A, %mul3A_571 : i32
      "tpu.region"() ({
        %run_scoped3A = tpu.sem_alloc : memref<!tpu.dma_semaphore, #tpu.memory_space<semaphore_mem>>
        %dma_start3A_573 = tpu.memref_slice %arg3[%mul3A_572] : memref<200000xi32, #tpu.memory_space<hbm>> -> memref<6272xi32, #tpu.memory_space<hbm>>
        %dma_start3A_574 = tpu.memref_slice %arg3[%mul3A_572] : memref<200000xi32, #tpu.memory_space<hbm>> -> memref<6272xi32, #tpu.memory_space<hbm>>
        tpu.enqueue_dma source(%dma_start3A_574 : memref<6272xi32, #tpu.memory_space<hbm>>) target(%arg5 : memref<6272xi32, #tpu.memory_space<vmem>>) target_semaphore(%run_scoped3A : memref<!tpu.dma_semaphore, #tpu.memory_space<semaphore_mem>>)
        %dma_wait3A_575 = tpu.memref_slice %arg3[%mul3A_572] : memref<200000xi32, #tpu.memory_space<hbm>> -> memref<6272xi32, #tpu.memory_space<hbm>>
        %dma_wait3A_576 = tpu.memref_slice %arg3[%mul3A_572] : memref<200000xi32, #tpu.memory_space<hbm>> -> memref<6272xi32, #tpu.memory_space<hbm>>
        tpu.wait_dma2 semaphore(%run_scoped3A : memref<!tpu.dma_semaphore, #tpu.memory_space<semaphore_mem>>) src(%dma_wait3A_576 : memref<6272xi32, #tpu.memory_space<hbm>>) dst(%arg5 : memref<6272xi32, #tpu.memory_space<vmem>>)
        tpu.yield
      }) : () -> ()
    } else {
    }
    %convert_element_type3A_6 = arith.extui %eq3A_3 : i1 to i32
    %cond3A_7 = arith.constant 0 : i32
    %cond3A_8 = arith.cmpi ne, %convert_element_type3A_6, %cond3A_7 : i32
    scf.if %cond3A_8 {
      "tpu.region"() ({
        %run_scoped3A = tpu.sem_alloc : memref<!tpu.dma_semaphore, #tpu.memory_space<semaphore_mem>>
        %dma_start3A_878 = arith.constant 0 : i32
        %dma_start3A_879 = tpu.memref_slice %arg5[%dma_start3A_878] : memref<6272xi32, #tpu.memory_space<vmem>> -> memref<5568xi32, #tpu.memory_space<vmem>>
        %dma_start3A_880 = arith.constant 194432 : i32
        %dma_start3A_881 = tpu.memref_slice %arg3[%dma_start3A_880] : memref<200000xi32, #tpu.memory_space<hbm>> -> memref<5568xi32, #tpu.memory_space<hbm>>
        %dma_start3A_882 = arith.constant 0 : i32
        %dma_start3A_883 = tpu.memref_slice %arg5[%dma_start3A_882] : memref<6272xi32, #tpu.memory_space<vmem>> -> memref<5568xi32, #tpu.memory_space<vmem>>
        %dma_start3A_884 = arith.constant 194432 : i32
        %dma_start3A_885 = tpu.memref_slice %arg3[%dma_start3A_884] : memref<200000xi32, #tpu.memory_space<hbm>> -> memref<5568xi32, #tpu.memory_space<hbm>>
        tpu.enqueue_dma source(%dma_start3A_885 : memref<5568xi32, #tpu.memory_space<hbm>>) target(%dma_start3A_883 : memref<5568xi32, #tpu.memory_space<vmem>>) target_semaphore(%run_scoped3A : memref<!tpu.dma_semaphore, #tpu.memory_space<semaphore_mem>>)
        %dma_wait3A_886 = arith.constant 0 : i32
        %dma_wait3A_887 = tpu.memref_slice %arg5[%dma_wait3A_886] : memref<6272xi32, #tpu.memory_space<vmem>> -> memref<5568xi32, #tpu.memory_space<vmem>>
        %dma_wait3A_888 = arith.constant 194432 : i32
        %dma_wait3A_889 = tpu.memref_slice %arg3[%dma_wait3A_888] : memref<200000xi32, #tpu.memory_space<hbm>> -> memref<5568xi32, #tpu.memory_space<hbm>>
        %dma_wait3A_890 = arith.constant 0 : i32
        %dma_wait3A_891 = tpu.memref_slice %arg5[%dma_wait3A_890] : memref<6272xi32, #tpu.memory_space<vmem>> -> memref<5568xi32, #tpu.memory_space<vmem>>
        %dma_wait3A_892 = arith.constant 194432 : i32
        %dma_wait3A_893 = tpu.memref_slice %arg3[%dma_wait3A_892] : memref<200000xi32, #tpu.memory_space<hbm>> -> memref<5568xi32, #tpu.memory_space<hbm>>
        tpu.wait_dma2 semaphore(%run_scoped3A : memref<!tpu.dma_semaphore, #tpu.memory_space<semaphore_mem>>) src(%dma_wait3A_893 : memref<5568xi32, #tpu.memory_space<hbm>>) dst(%dma_wait3A_891 : memref<5568xi32, #tpu.memory_space<vmem>>)
        tpu.yield
      }) : () -> ()
      %iota3A = tpu.iota {dimensions = array<i32: 0>} : vector<16xi32>
      %add3A_571 = arith.constant 0 : i32
      %add3A_572 = vector.broadcast %add3A_571 : i32 to vector<16xi32>
      %add3A_573 = arith.addi %iota3A, %add3A_572 : vector<16xi32>
      %swap3A = arith.constant 5568 : index
      %swap3A_574 = tpu.vector_load %arg5[%swap3A] {strides = array<i32>} : memref<6272xi32, #tpu.memory_space<vmem>>, vector<16xi32>,
      %swap3A_575 = vector.shape_cast %swap3A_574 : vector<16xi32> to vector<16xi32>
      %swap3A_576 = vector.shape_cast %add3A_573 : vector<16xi32> to vector<16xi32>
      tpu.vector_store %arg5[%swap3A], %swap3A_576 {strides = array<i32>} : memref<6272xi32, #tpu.memory_space<vmem>>, vector<16xi32>,
      %add3A_577 = arith.constant 16 : i32
      %add3A_578 = vector.broadcast %add3A_577 : i32 to vector<16xi32>
      %add3A_579 = arith.addi %iota3A, %add3A_578 : vector<16xi32>
      %swap3A_580 = arith.constant 5584 : index
      %swap3A_581 = tpu.vector_load %arg5[%swap3A_580] {strides = array<i32>} : memref<6272xi32, #tpu.memory_space<vmem>>, vector<16xi32>,
      %swap3A_582 = vector.shape_cast %swap3A_581 : vector<16xi32> to vector<16xi32>
      %swap3A_583 = vector.shape_cast %add3A_579 : vector<16xi32> to vector<16xi32>
      tpu.vector_store %arg5[%swap3A_580], %swap3A_583 {strides = array<i32>} : memref<6272xi32, #tpu.memory_space<vmem>>, vector<16xi32>,
      %add3A_584 = arith.constant 32 : i32
      %add3A_585 = vector.broadcast %add3A_584 : i32 to vector<16xi32>
      %add3A_586 = arith.addi %iota3A, %add3A_585 : vector<16xi32>
      %swap3A_587 = arith.constant 5600 : index
      %swap3A_588 = tpu.vector_load %arg5[%swap3A_587] {strides = array<i32>} : memref<6272xi32, #tpu.memory_space<vmem>>, vector<16xi32>,
      %swap3A_589 = vector.shape_cast %swap3A_588 : vector<16xi32> to vector<16xi32>
      %swap3A_590 = vector.shape_cast %add3A_586 : vector<16xi32> to vector<16xi32>
      tpu.vector_store %arg5[%swap3A_587], %swap3A_590 {strides = array<i32>} : memref<6272xi32, #tpu.memory_space<vmem>>, vector<16xi32>,
      %add3A_591 = arith.constant 48 : i32
      %add3A_592 = vector.broadcast %add3A_591 : i32 to vector<16xi32>
      %add3A_593 = arith.addi %iota3A, %add3A_592 : vector<16xi32>
      %swap3A_594 = arith.constant 5616 : index
      %swap3A_595 = tpu.vector_load %arg5[%swap3A_594] {strides = array<i32>} : memref<6272xi32, #tpu.memory_space<vmem>>, vector<16xi32>,
      %swap3A_596 = vector.shape_cast %swap3A_595 : vector<16xi32> to vector<16xi32>
      %swap3A_597 = vector.shape_cast %add3A_593 : vector<16xi32> to vector<16xi32>
      tpu.vector_store %arg5[%swap3A_594], %swap3A_597 {strides = array<i32>} : memref<6272xi32, #tpu.memory_space<vmem>>, vector<16xi32>,
      %add3A_598 = arith.constant 64 : i32
      %add3A_599 = vector.broadcast %add3A_598 : i32 to vector<16xi32>
      %add3A_600 = arith.addi %iota3A, %add3A_599 : vector<16xi32>
      %swap3A_601 = arith.constant 5632 : index
      %swap3A_602 = tpu.vector_load %arg5[%swap3A_601] {strides = array<i32>} : memref<6272xi32, #tpu.memory_space<vmem>>, vector<16xi32>,
      %swap3A_603 = vector.shape_cast %swap3A_602 : vector<16xi32> to vector<16xi32>
      %swap3A_604 = vector.shape_cast %add3A_600 : vector<16xi32> to vector<16xi32>
      tpu.vector_store %arg5[%swap3A_601], %swap3A_604 {strides = array<i32>} : memref<6272xi32, #tpu.memory_space<vmem>>, vector<16xi32>,
      %add3A_605 = arith.constant 80 : i32
      %add3A_606 = vector.broadcast %add3A_605 : i32 to vector<16xi32>
      %add3A_607 = arith.addi %iota3A, %add3A_606 : vector<16xi32>
      %swap3A_608 = arith.constant 5648 : index
      %swap3A_609 = tpu.vector_load %arg5[%swap3A_608] {strides = array<i32>} : memref<6272xi32, #tpu.memory_space<vmem>>, vector<16xi32>,
      %swap3A_610 = vector.shape_cast %swap3A_609 : vector<16xi32> to vector<16xi32>
      %swap3A_611 = vector.shape_cast %add3A_607 : vector<16xi32> to vector<16xi32>
      tpu.vector_store %arg5[%swap3A_608], %swap3A_611 {strides = array<i32>} : memref<6272xi32, #tpu.memory_space<vmem>>, vector<16xi32>,
      %add3A_612 = arith.constant 96 : i32
      %add3A_613 = vector.broadcast %add3A_612 : i32 to vector<16xi32>
      %add3A_614 = arith.addi %iota3A, %add3A_613 : vector<16xi32>
      %swap3A_615 = arith.constant 5664 : index
      %swap3A_616 = tpu.vector_load %arg5[%swap3A_615] {strides = array<i32>} : memref<6272xi32, #tpu.memory_space<vmem>>, vector<16xi32>,
      %swap3A_617 = vector.shape_cast %swap3A_616 : vector<16xi32> to vector<16xi32>
      %swap3A_618 = vector.shape_cast %add3A_614 : vector<16xi32> to vector<16xi32>
      tpu.vector_store %arg5[%swap3A_615], %swap3A_618 {strides = array<i32>} : memref<6272xi32, #tpu.memory_space<vmem>>, vector<16xi32>,
      %add3A_619 = arith.constant 112 : i32
      %add3A_620 = vector.broadcast %add3A_619 : i32 to vector<16xi32>
      %add3A_621 = arith.addi %iota3A, %add3A_620 : vector<16xi32>
      %swap3A_622 = arith.constant 5680 : index
      %swap3A_623 = tpu.vector_load %arg5[%swap3A_622] {strides = array<i32>} : memref<6272xi32, #tpu.memory_space<vmem>>, vector<16xi32>,
      %swap3A_624 = vector.shape_cast %swap3A_623 : vector<16xi32> to vector<16xi32>
      %swap3A_625 = vector.shape_cast %add3A_621 : vector<16xi32> to vector<16xi32>
      tpu.vector_store %arg5[%swap3A_622], %swap3A_625 {strides = array<i32>} : memref<6272xi32, #tpu.memory_space<vmem>>, vector<16xi32>,
      %add3A_626 = arith.constant 128 : i32
      %add3A_627 = vector.broadcast %add3A_626 : i32 to vector<16xi32>
      %add3A_628 = arith.addi %iota3A, %add3A_627 : vector<16xi32>
      %swap3A_629 = arith.constant 5696 : index
      %swap3A_630 = tpu.vector_load %arg5[%swap3A_629] {strides = array<i32>} : memref<6272xi32, #tpu.memory_space<vmem>>, vector<16xi32>,
      %swap3A_631 = vector.shape_cast %swap3A_630 : vector<16xi32> to vector<16xi32>
      %swap3A_632 = vector.shape_cast %add3A_628 : vector<16xi32> to vector<16xi32>
      tpu.vector_store %arg5[%swap3A_629], %swap3A_632 {strides = array<i32>} : memref<6272xi32, #tpu.memory_space<vmem>>, vector<16xi32>,
      %add3A_633 = arith.constant 144 : i32
      %add3A_634 = vector.broadcast %add3A_633 : i32 to vector<16xi32>
      %add3A_635 = arith.addi %iota3A, %add3A_634 : vector<16xi32>
      %swap3A_636 = arith.constant 5712 : index
      %swap3A_637 = tpu.vector_load %arg5[%swap3A_636] {strides = array<i32>} : memref<6272xi32, #tpu.memory_space<vmem>>, vector<16xi32>,
      %swap3A_638 = vector.shape_cast %swap3A_637 : vector<16xi32> to vector<16xi32>
      %swap3A_639 = vector.shape_cast %add3A_635 : vector<16xi32> to vector<16xi32>
      tpu.vector_store %arg5[%swap3A_636], %swap3A_639 {strides = array<i32>} : memref<6272xi32, #tpu.memory_space<vmem>>, vector<16xi32>,
      %add3A_640 = arith.constant 160 : i32
      %add3A_641 = vector.broadcast %add3A_640 : i32 to vector<16xi32>
      %add3A_642 = arith.addi %iota3A, %add3A_641 : vector<16xi32>
      %swap3A_643 = arith.constant 5728 : index
      %swap3A_644 = tpu.vector_load %arg5[%swap3A_643] {strides = array<i32>} : memref<6272xi32, #tpu.memory_space<vmem>>, vector<16xi32>,
      %swap3A_645 = vector.shape_cast %swap3A_644 : vector<16xi32> to vector<16xi32>
      %swap3A_646 = vector.shape_cast %add3A_642 : vector<16xi32> to vector<16xi32>
      tpu.vector_store %arg5[%swap3A_643], %swap3A_646 {strides = array<i32>} : memref<6272xi32, #tpu.memory_space<vmem>>, vector<16xi32>,
      %add3A_647 = arith.constant 176 : i32
      %add3A_648 = vector.broadcast %add3A_647 : i32 to vector<16xi32>
      %add3A_649 = arith.addi %iota3A, %add3A_648 : vector<16xi32>
      %swap3A_650 = arith.constant 5744 : index
      %swap3A_651 = tpu.vector_load %arg5[%swap3A_650] {strides = array<i32>} : memref<6272xi32, #tpu.memory_space<vmem>>, vector<16xi32>,
      %swap3A_652 = vector.shape_cast %swap3A_651 : vector<16xi32> to vector<16xi32>
      %swap3A_653 = vector.shape_cast %add3A_649 : vector<16xi32> to vector<16xi32>
      tpu.vector_store %arg5[%swap3A_650], %swap3A_653 {strides = array<i32>} : memref<6272xi32, #tpu.memory_space<vmem>>, vector<16xi32>,
      %add3A_654 = arith.constant 192 : i32
      %add3A_655 = vector.broadcast %add3A_654 : i32 to vector<16xi32>
      %add3A_656 = arith.addi %iota3A, %add3A_655 : vector<16xi32>
      %swap3A_657 = arith.constant 5760 : index
      %swap3A_658 = tpu.vector_load %arg5[%swap3A_657] {strides = array<i32>} : memref<6272xi32, #tpu.memory_space<vmem>>, vector<16xi32>,
      %swap3A_659 = vector.shape_cast %swap3A_658 : vector<16xi32> to vector<16xi32>
      %swap3A_660 = vector.shape_cast %add3A_656 : vector<16xi32> to vector<16xi32>
      tpu.vector_store %arg5[%swap3A_657], %swap3A_660 {strides = array<i32>} : memref<6272xi32, #tpu.memory_space<vmem>>, vector<16xi32>,
      %add3A_661 = arith.constant 208 : i32
      %add3A_662 = vector.broadcast %add3A_661 : i32 to vector<16xi32>
      %add3A_663 = arith.addi %iota3A, %add3A_662 : vector<16xi32>
      %swap3A_664 = arith.constant 5776 : index
      %swap3A_665 = tpu.vector_load %arg5[%swap3A_664] {strides = array<i32>} : memref<6272xi32, #tpu.memory_space<vmem>>, vector<16xi32>,
      %swap3A_666 = vector.shape_cast %swap3A_665 : vector<16xi32> to vector<16xi32>
      %swap3A_667 = vector.shape_cast %add3A_663 : vector<16xi32> to vector<16xi32>
      tpu.vector_store %arg5[%swap3A_664], %swap3A_667 {strides = array<i32>} : memref<6272xi32, #tpu.memory_space<vmem>>, vector<16xi32>,
      %add3A_668 = arith.constant 224 : i32
      %add3A_669 = vector.broadcast %add3A_668 : i32 to vector<16xi32>
      %add3A_670 = arith.addi %iota3A, %add3A_669 : vector<16xi32>
      %swap3A_671 = arith.constant 5792 : index
      %swap3A_672 = tpu.vector_load %arg5[%swap3A_671] {strides = array<i32>} : memref<6272xi32, #tpu.memory_space<vmem>>, vector<16xi32>,
      %swap3A_673 = vector.shape_cast %swap3A_672 : vector<16xi32> to vector<16xi32>
      %swap3A_674 = vector.shape_cast %add3A_670 : vector<16xi32> to vector<16xi32>
      tpu.vector_store %arg5[%swap3A_671], %swap3A_674 {strides = array<i32>} : memref<6272xi32, #tpu.memory_space<vmem>>, vector<16xi32>,
      %add3A_675 = arith.constant 240 : i32
      %add3A_676 = vector.broadcast %add3A_675 : i32 to vector<16xi32>
      %add3A_677 = arith.addi %iota3A, %add3A_676 : vector<16xi32>
      %swap3A_678 = arith.constant 5808 : index
      %swap3A_679 = tpu.vector_load %arg5[%swap3A_678] {strides = array<i32>} : memref<6272xi32, #tpu.memory_space<vmem>>, vector<16xi32>,
      %swap3A_680 = vector.shape_cast %swap3A_679 : vector<16xi32> to vector<16xi32>
      %swap3A_681 = vector.shape_cast %add3A_677 : vector<16xi32> to vector<16xi32>
      tpu.vector_store %arg5[%swap3A_678], %swap3A_681 {strides = array<i32>} : memref<6272xi32, #tpu.memory_space<vmem>>, vector<16xi32>,
      %add3A_682 = arith.constant 256 : i32
      %add3A_683 = vector.broadcast %add3A_682 : i32 to vector<16xi32>
      %add3A_684 = arith.addi %iota3A, %add3A_683 : vector<16xi32>
      %swap3A_685 = arith.constant 5824 : index
      %swap3A_686 = tpu.vector_load %arg5[%swap3A_685] {strides = array<i32>} : memref<6272xi32, #tpu.memory_space<vmem>>, vector<16xi32>,
      %swap3A_687 = vector.shape_cast %swap3A_686 : vector<16xi32> to vector<16xi32>
      %swap3A_688 = vector.shape_cast %add3A_684 : vector<16xi32> to vector<16xi32>
      tpu.vector_store %arg5[%swap3A_685], %swap3A_688 {strides = array<i32>} : memref<6272xi32, #tpu.memory_space<vmem>>, vector<16xi32>,
      %add3A_689 = arith.constant 272 : i32
      %add3A_690 = vector.broadcast %add3A_689 : i32 to vector<16xi32>
      %add3A_691 = arith.addi %iota3A, %add3A_690 : vector<16xi32>
      %swap3A_692 = arith.constant 5840 : index
      %swap3A_693 = tpu.vector_load %arg5[%swap3A_692] {strides = array<i32>} : memref<6272xi32, #tpu.memory_space<vmem>>, vector<16xi32>,
      %swap3A_694 = vector.shape_cast %swap3A_693 : vector<16xi32> to vector<16xi32>
      %swap3A_695 = vector.shape_cast %add3A_691 : vector<16xi32> to vector<16xi32>
      tpu.vector_store %arg5[%swap3A_692], %swap3A_695 {strides = array<i32>} : memref<6272xi32, #tpu.memory_space<vmem>>, vector<16xi32>,
      %add3A_696 = arith.constant 288 : i32
      %add3A_697 = vector.broadcast %add3A_696 : i32 to vector<16xi32>
      %add3A_698 = arith.addi %iota3A, %add3A_697 : vector<16xi32>
      %swap3A_699 = arith.constant 5856 : index
      %swap3A_700 = tpu.vector_load %arg5[%swap3A_699] {strides = array<i32>} : memref<6272xi32, #tpu.memory_space<vmem>>, vector<16xi32>,
      %swap3A_701 = vector.shape_cast %swap3A_700 : vector<16xi32> to vector<16xi32>
      %swap3A_702 = vector.shape_cast %add3A_698 : vector<16xi32> to vector<16xi32>
      tpu.vector_store %arg5[%swap3A_699], %swap3A_702 {strides = array<i32>} : memref<6272xi32, #tpu.memory_space<vmem>>, vector<16xi32>,
      %add3A_703 = arith.constant 304 : i32
      %add3A_704 = vector.broadcast %add3A_703 : i32 to vector<16xi32>
      %add3A_705 = arith.addi %iota3A, %add3A_704 : vector<16xi32>
      %swap3A_706 = arith.constant 5872 : index
      %swap3A_707 = tpu.vector_load %arg5[%swap3A_706] {strides = array<i32>} : memref<6272xi32, #tpu.memory_space<vmem>>, vector<16xi32>,
      %swap3A_708 = vector.shape_cast %swap3A_707 : vector<16xi32> to vector<16xi32>
      %swap3A_709 = vector.shape_cast %add3A_705 : vector<16xi32> to vector<16xi32>
      tpu.vector_store %arg5[%swap3A_706], %swap3A_709 {strides = array<i32>} : memref<6272xi32, #tpu.memory_space<vmem>>, vector<16xi32>,
      %add3A_710 = arith.constant 320 : i32
      %add3A_711 = vector.broadcast %add3A_710 : i32 to vector<16xi32>
      %add3A_712 = arith.addi %iota3A, %add3A_711 : vector<16xi32>
      %swap3A_713 = arith.constant 5888 : index
      %swap3A_714 = tpu.vector_load %arg5[%swap3A_713] {strides = array<i32>} : memref<6272xi32, #tpu.memory_space<vmem>>, vector<16xi32>,
      %swap3A_715 = vector.shape_cast %swap3A_714 : vector<16xi32> to vector<16xi32>
      %swap3A_716 = vector.shape_cast %add3A_712 : vector<16xi32> to vector<16xi32>
      tpu.vector_store %arg5[%swap3A_713], %swap3A_716 {strides = array<i32>} : memref<6272xi32, #tpu.memory_space<vmem>>, vector<16xi32>,
      %add3A_717 = arith.constant 336 : i32
      %add3A_718 = vector.broadcast %add3A_717 : i32 to vector<16xi32>
      %add3A_719 = arith.addi %iota3A, %add3A_718 : vector<16xi32>
      %swap3A_720 = arith.constant 5904 : index
      %swap3A_721 = tpu.vector_load %arg5[%swap3A_720] {strides = array<i32>} : memref<6272xi32, #tpu.memory_space<vmem>>, vector<16xi32>,
      %swap3A_722 = vector.shape_cast %swap3A_721 : vector<16xi32> to vector<16xi32>
      %swap3A_723 = vector.shape_cast %add3A_719 : vector<16xi32> to vector<16xi32>
      tpu.vector_store %arg5[%swap3A_720], %swap3A_723 {strides = array<i32>} : memref<6272xi32, #tpu.memory_space<vmem>>, vector<16xi32>,
      %add3A_724 = arith.constant 352 : i32
      %add3A_725 = vector.broadcast %add3A_724 : i32 to vector<16xi32>
      %add3A_726 = arith.addi %iota3A, %add3A_725 : vector<16xi32>
      %swap3A_727 = arith.constant 5920 : index
      %swap3A_728 = tpu.vector_load %arg5[%swap3A_727] {strides = array<i32>} : memref<6272xi32, #tpu.memory_space<vmem>>, vector<16xi32>,
      %swap3A_729 = vector.shape_cast %swap3A_728 : vector<16xi32> to vector<16xi32>
      %swap3A_730 = vector.shape_cast %add3A_726 : vector<16xi32> to vector<16xi32>
      tpu.vector_store %arg5[%swap3A_727], %swap3A_730 {strides = array<i32>} : memref<6272xi32, #tpu.memory_space<vmem>>, vector<16xi32>,
      %add3A_731 = arith.constant 368 : i32
      %add3A_732 = vector.broadcast %add3A_731 : i32 to vector<16xi32>
      %add3A_733 = arith.addi %iota3A, %add3A_732 : vector<16xi32>
      %swap3A_734 = arith.constant 5936 : index
      %swap3A_735 = tpu.vector_load %arg5[%swap3A_734] {strides = array<i32>} : memref<6272xi32, #tpu.memory_space<vmem>>, vector<16xi32>,
      %swap3A_736 = vector.shape_cast %swap3A_735 : vector<16xi32> to vector<16xi32>
      %swap3A_737 = vector.shape_cast %add3A_733 : vector<16xi32> to vector<16xi32>
      tpu.vector_store %arg5[%swap3A_734], %swap3A_737 {strides = array<i32>} : memref<6272xi32, #tpu.memory_space<vmem>>, vector<16xi32>,
      %add3A_738 = arith.constant 384 : i32
      %add3A_739 = vector.broadcast %add3A_738 : i32 to vector<16xi32>
      %add3A_740 = arith.addi %iota3A, %add3A_739 : vector<16xi32>
      %swap3A_741 = arith.constant 5952 : index
      %swap3A_742 = tpu.vector_load %arg5[%swap3A_741] {strides = array<i32>} : memref<6272xi32, #tpu.memory_space<vmem>>, vector<16xi32>,
      %swap3A_743 = vector.shape_cast %swap3A_742 : vector<16xi32> to vector<16xi32>
      %swap3A_744 = vector.shape_cast %add3A_740 : vector<16xi32> to vector<16xi32>
      tpu.vector_store %arg5[%swap3A_741], %swap3A_744 {strides = array<i32>} : memref<6272xi32, #tpu.memory_space<vmem>>, vector<16xi32>,
      %add3A_745 = arith.constant 400 : i32
      %add3A_746 = vector.broadcast %add3A_745 : i32 to vector<16xi32>
      %add3A_747 = arith.addi %iota3A, %add3A_746 : vector<16xi32>
      %swap3A_748 = arith.constant 5968 : index
      %swap3A_749 = tpu.vector_load %arg5[%swap3A_748] {strides = array<i32>} : memref<6272xi32, #tpu.memory_space<vmem>>, vector<16xi32>,
      %swap3A_750 = vector.shape_cast %swap3A_749 : vector<16xi32> to vector<16xi32>
      %swap3A_751 = vector.shape_cast %add3A_747 : vector<16xi32> to vector<16xi32>
      tpu.vector_store %arg5[%swap3A_748], %swap3A_751 {strides = array<i32>} : memref<6272xi32, #tpu.memory_space<vmem>>, vector<16xi32>,
      %add3A_752 = arith.constant 416 : i32
      %add3A_753 = vector.broadcast %add3A_752 : i32 to vector<16xi32>
      %add3A_754 = arith.addi %iota3A, %add3A_753 : vector<16xi32>
      %swap3A_755 = arith.constant 5984 : index
      %swap3A_756 = tpu.vector_load %arg5[%swap3A_755] {strides = array<i32>} : memref<6272xi32, #tpu.memory_space<vmem>>, vector<16xi32>,
      %swap3A_757 = vector.shape_cast %swap3A_756 : vector<16xi32> to vector<16xi32>
      %swap3A_758 = vector.shape_cast %add3A_754 : vector<16xi32> to vector<16xi32>
      tpu.vector_store %arg5[%swap3A_755], %swap3A_758 {strides = array<i32>} : memref<6272xi32, #tpu.memory_space<vmem>>, vector<16xi32>,
      %add3A_759 = arith.constant 432 : i32
      %add3A_760 = vector.broadcast %add3A_759 : i32 to vector<16xi32>
      %add3A_761 = arith.addi %iota3A, %add3A_760 : vector<16xi32>
      %swap3A_762 = arith.constant 6000 : index
      %swap3A_763 = tpu.vector_load %arg5[%swap3A_762] {strides = array<i32>} : memref<6272xi32, #tpu.memory_space<vmem>>, vector<16xi32>,
      %swap3A_764 = vector.shape_cast %swap3A_763 : vector<16xi32> to vector<16xi32>
      %swap3A_765 = vector.shape_cast %add3A_761 : vector<16xi32> to vector<16xi32>
      tpu.vector_store %arg5[%swap3A_762], %swap3A_765 {strides = array<i32>} : memref<6272xi32, #tpu.memory_space<vmem>>, vector<16xi32>,
      %add3A_766 = arith.constant 448 : i32
      %add3A_767 = vector.broadcast %add3A_766 : i32 to vector<16xi32>
      %add3A_768 = arith.addi %iota3A, %add3A_767 : vector<16xi32>
      %swap3A_769 = arith.constant 6016 : index
      %swap3A_770 = tpu.vector_load %arg5[%swap3A_769] {strides = array<i32>} : memref<6272xi32, #tpu.memory_space<vmem>>, vector<16xi32>,
      %swap3A_771 = vector.shape_cast %swap3A_770 : vector<16xi32> to vector<16xi32>
      %swap3A_772 = vector.shape_cast %add3A_768 : vector<16xi32> to vector<16xi32>
      tpu.vector_store %arg5[%swap3A_769], %swap3A_772 {strides = array<i32>} : memref<6272xi32, #tpu.memory_space<vmem>>, vector<16xi32>,
      %add3A_773 = arith.constant 464 : i32
      %add3A_774 = vector.broadcast %add3A_773 : i32 to vector<16xi32>
      %add3A_775 = arith.addi %iota3A, %add3A_774 : vector<16xi32>
      %swap3A_776 = arith.constant 6032 : index
      %swap3A_777 = tpu.vector_load %arg5[%swap3A_776] {strides = array<i32>} : memref<6272xi32, #tpu.memory_space<vmem>>, vector<16xi32>,
      %swap3A_778 = vector.shape_cast %swap3A_777 : vector<16xi32> to vector<16xi32>
      %swap3A_779 = vector.shape_cast %add3A_775 : vector<16xi32> to vector<16xi32>
      tpu.vector_store %arg5[%swap3A_776], %swap3A_779 {strides = array<i32>} : memref<6272xi32, #tpu.memory_space<vmem>>, vector<16xi32>,
      %add3A_780 = arith.constant 480 : i32
      %add3A_781 = vector.broadcast %add3A_780 : i32 to vector<16xi32>
      %add3A_782 = arith.addi %iota3A, %add3A_781 : vector<16xi32>
      %swap3A_783 = arith.constant 6048 : index
      %swap3A_784 = tpu.vector_load %arg5[%swap3A_783] {strides = array<i32>} : memref<6272xi32, #tpu.memory_space<vmem>>, vector<16xi32>,
      %swap3A_785 = vector.shape_cast %swap3A_784 : vector<16xi32> to vector<16xi32>
      %swap3A_786 = vector.shape_cast %add3A_782 : vector<16xi32> to vector<16xi32>
      tpu.vector_store %arg5[%swap3A_783], %swap3A_786 {strides = array<i32>} : memref<6272xi32, #tpu.memory_space<vmem>>, vector<16xi32>,
      %add3A_787 = arith.constant 496 : i32
      %add3A_788 = vector.broadcast %add3A_787 : i32 to vector<16xi32>
      %add3A_789 = arith.addi %iota3A, %add3A_788 : vector<16xi32>
      %swap3A_790 = arith.constant 6064 : index
      %swap3A_791 = tpu.vector_load %arg5[%swap3A_790] {strides = array<i32>} : memref<6272xi32, #tpu.memory_space<vmem>>, vector<16xi32>,
      %swap3A_792 = vector.shape_cast %swap3A_791 : vector<16xi32> to vector<16xi32>
      %swap3A_793 = vector.shape_cast %add3A_789 : vector<16xi32> to vector<16xi32>
      tpu.vector_store %arg5[%swap3A_790], %swap3A_793 {strides = array<i32>} : memref<6272xi32, #tpu.memory_space<vmem>>, vector<16xi32>,
      %add3A_794 = arith.constant 512 : i32
      %add3A_795 = vector.broadcast %add3A_794 : i32 to vector<16xi32>
      %add3A_796 = arith.addi %iota3A, %add3A_795 : vector<16xi32>
      %swap3A_797 = arith.constant 6080 : index
      %swap3A_798 = tpu.vector_load %arg5[%swap3A_797] {strides = array<i32>} : memref<6272xi32, #tpu.memory_space<vmem>>, vector<16xi32>,
      %swap3A_799 = vector.shape_cast %swap3A_798 : vector<16xi32> to vector<16xi32>
      %swap3A_800 = vector.shape_cast %add3A_796 : vector<16xi32> to vector<16xi32>
      tpu.vector_store %arg5[%swap3A_797], %swap3A_800 {strides = array<i32>} : memref<6272xi32, #tpu.memory_space<vmem>>, vector<16xi32>,
      %add3A_801 = arith.constant 528 : i32
      %add3A_802 = vector.broadcast %add3A_801 : i32 to vector<16xi32>
      %add3A_803 = arith.addi %iota3A, %add3A_802 : vector<16xi32>
      %swap3A_804 = arith.constant 6096 : index
      %swap3A_805 = tpu.vector_load %arg5[%swap3A_804] {strides = array<i32>} : memref<6272xi32, #tpu.memory_space<vmem>>, vector<16xi32>,
      %swap3A_806 = vector.shape_cast %swap3A_805 : vector<16xi32> to vector<16xi32>
      %swap3A_807 = vector.shape_cast %add3A_803 : vector<16xi32> to vector<16xi32>
      tpu.vector_store %arg5[%swap3A_804], %swap3A_807 {strides = array<i32>} : memref<6272xi32, #tpu.memory_space<vmem>>, vector<16xi32>,
      %add3A_808 = arith.constant 544 : i32
      %add3A_809 = vector.broadcast %add3A_808 : i32 to vector<16xi32>
      %add3A_810 = arith.addi %iota3A, %add3A_809 : vector<16xi32>
      %swap3A_811 = arith.constant 6112 : index
      %swap3A_812 = tpu.vector_load %arg5[%swap3A_811] {strides = array<i32>} : memref<6272xi32, #tpu.memory_space<vmem>>, vector<16xi32>,
      %swap3A_813 = vector.shape_cast %swap3A_812 : vector<16xi32> to vector<16xi32>
      %swap3A_814 = vector.shape_cast %add3A_810 : vector<16xi32> to vector<16xi32>
      tpu.vector_store %arg5[%swap3A_811], %swap3A_814 {strides = array<i32>} : memref<6272xi32, #tpu.memory_space<vmem>>, vector<16xi32>,
      %add3A_815 = arith.constant 560 : i32
      %add3A_816 = vector.broadcast %add3A_815 : i32 to vector<16xi32>
      %add3A_817 = arith.addi %iota3A, %add3A_816 : vector<16xi32>
      %swap3A_818 = arith.constant 6128 : index
      %swap3A_819 = tpu.vector_load %arg5[%swap3A_818] {strides = array<i32>} : memref<6272xi32, #tpu.memory_space<vmem>>, vector<16xi32>,
      %swap3A_820 = vector.shape_cast %swap3A_819 : vector<16xi32> to vector<16xi32>
      %swap3A_821 = vector.shape_cast %add3A_817 : vector<16xi32> to vector<16xi32>
      tpu.vector_store %arg5[%swap3A_818], %swap3A_821 {strides = array<i32>} : memref<6272xi32, #tpu.memory_space<vmem>>, vector<16xi32>,
      %add3A_822 = arith.constant 576 : i32
      %add3A_823 = vector.broadcast %add3A_822 : i32 to vector<16xi32>
      %add3A_824 = arith.addi %iota3A, %add3A_823 : vector<16xi32>
      %swap3A_825 = arith.constant 6144 : index
      %swap3A_826 = tpu.vector_load %arg5[%swap3A_825] {strides = array<i32>} : memref<6272xi32, #tpu.memory_space<vmem>>, vector<16xi32>,
      %swap3A_827 = vector.shape_cast %swap3A_826 : vector<16xi32> to vector<16xi32>
      %swap3A_828 = vector.shape_cast %add3A_824 : vector<16xi32> to vector<16xi32>
      tpu.vector_store %arg5[%swap3A_825], %swap3A_828 {strides = array<i32>} : memref<6272xi32, #tpu.memory_space<vmem>>, vector<16xi32>,
      %add3A_829 = arith.constant 592 : i32
      %add3A_830 = vector.broadcast %add3A_829 : i32 to vector<16xi32>
      %add3A_831 = arith.addi %iota3A, %add3A_830 : vector<16xi32>
      %swap3A_832 = arith.constant 6160 : index
      %swap3A_833 = tpu.vector_load %arg5[%swap3A_832] {strides = array<i32>} : memref<6272xi32, #tpu.memory_space<vmem>>, vector<16xi32>,
      %swap3A_834 = vector.shape_cast %swap3A_833 : vector<16xi32> to vector<16xi32>
      %swap3A_835 = vector.shape_cast %add3A_831 : vector<16xi32> to vector<16xi32>
      tpu.vector_store %arg5[%swap3A_832], %swap3A_835 {strides = array<i32>} : memref<6272xi32, #tpu.memory_space<vmem>>, vector<16xi32>,
      %add3A_836 = arith.constant 608 : i32
      %add3A_837 = vector.broadcast %add3A_836 : i32 to vector<16xi32>
      %add3A_838 = arith.addi %iota3A, %add3A_837 : vector<16xi32>
      %swap3A_839 = arith.constant 6176 : index
      %swap3A_840 = tpu.vector_load %arg5[%swap3A_839] {strides = array<i32>} : memref<6272xi32, #tpu.memory_space<vmem>>, vector<16xi32>,
      %swap3A_841 = vector.shape_cast %swap3A_840 : vector<16xi32> to vector<16xi32>
      %swap3A_842 = vector.shape_cast %add3A_838 : vector<16xi32> to vector<16xi32>
      tpu.vector_store %arg5[%swap3A_839], %swap3A_842 {strides = array<i32>} : memref<6272xi32, #tpu.memory_space<vmem>>, vector<16xi32>,
      %add3A_843 = arith.constant 624 : i32
      %add3A_844 = vector.broadcast %add3A_843 : i32 to vector<16xi32>
      %add3A_845 = arith.addi %iota3A, %add3A_844 : vector<16xi32>
      %swap3A_846 = arith.constant 6192 : index
      %swap3A_847 = tpu.vector_load %arg5[%swap3A_846] {strides = array<i32>} : memref<6272xi32, #tpu.memory_space<vmem>>, vector<16xi32>,
      %swap3A_848 = vector.shape_cast %swap3A_847 : vector<16xi32> to vector<16xi32>
      %swap3A_849 = vector.shape_cast %add3A_845 : vector<16xi32> to vector<16xi32>
      tpu.vector_store %arg5[%swap3A_846], %swap3A_849 {strides = array<i32>} : memref<6272xi32, #tpu.memory_space<vmem>>, vector<16xi32>,
      %add3A_850 = arith.constant 640 : i32
      %add3A_851 = vector.broadcast %add3A_850 : i32 to vector<16xi32>
      %add3A_852 = arith.addi %iota3A, %add3A_851 : vector<16xi32>
      %swap3A_853 = arith.constant 6208 : index
      %swap3A_854 = tpu.vector_load %arg5[%swap3A_853] {strides = array<i32>} : memref<6272xi32, #tpu.memory_space<vmem>>, vector<16xi32>,
      %swap3A_855 = vector.shape_cast %swap3A_854 : vector<16xi32> to vector<16xi32>
      %swap3A_856 = vector.shape_cast %add3A_852 : vector<16xi32> to vector<16xi32>
      tpu.vector_store %arg5[%swap3A_853], %swap3A_856 {strides = array<i32>} : memref<6272xi32, #tpu.memory_space<vmem>>, vector<16xi32>,
      %add3A_857 = arith.constant 656 : i32
      %add3A_858 = vector.broadcast %add3A_857 : i32 to vector<16xi32>
      %add3A_859 = arith.addi %iota3A, %add3A_858 : vector<16xi32>
      %swap3A_860 = arith.constant 6224 : index
      %swap3A_861 = tpu.vector_load %arg5[%swap3A_860] {strides = array<i32>} : memref<6272xi32, #tpu.memory_space<vmem>>, vector<16xi32>,
      %swap3A_862 = vector.shape_cast %swap3A_861 : vector<16xi32> to vector<16xi32>
      %swap3A_863 = vector.shape_cast %add3A_859 : vector<16xi32> to vector<16xi32>
      tpu.vector_store %arg5[%swap3A_860], %swap3A_863 {strides = array<i32>} : memref<6272xi32, #tpu.memory_space<vmem>>, vector<16xi32>,
      %add3A_864 = arith.constant 672 : i32
      %add3A_865 = vector.broadcast %add3A_864 : i32 to vector<16xi32>
      %add3A_866 = arith.addi %iota3A, %add3A_865 : vector<16xi32>
      %swap3A_867 = arith.constant 6240 : index
      %swap3A_868 = tpu.vector_load %arg5[%swap3A_867] {strides = array<i32>} : memref<6272xi32, #tpu.memory_space<vmem>>, vector<16xi32>,
      %swap3A_869 = vector.shape_cast %swap3A_868 : vector<16xi32> to vector<16xi32>
      %swap3A_870 = vector.shape_cast %add3A_866 : vector<16xi32> to vector<16xi32>
      tpu.vector_store %arg5[%swap3A_867], %swap3A_870 {strides = array<i32>} : memref<6272xi32, #tpu.memory_space<vmem>>, vector<16xi32>,
      %add3A_871 = arith.constant 688 : i32
      %add3A_872 = vector.broadcast %add3A_871 : i32 to vector<16xi32>
      %add3A_873 = arith.addi %iota3A, %add3A_872 : vector<16xi32>
      %swap3A_874 = arith.constant 6256 : index
      %swap3A_875 = tpu.vector_load %arg5[%swap3A_874] {strides = array<i32>} : memref<6272xi32, #tpu.memory_space<vmem>>, vector<16xi32>,
      %swap3A_876 = vector.shape_cast %swap3A_875 : vector<16xi32> to vector<16xi32>
      %swap3A_877 = vector.shape_cast %add3A_873 : vector<16xi32> to vector<16xi32>
      tpu.vector_store %arg5[%swap3A_874], %swap3A_877 {strides = array<i32>} : memref<6272xi32, #tpu.memory_space<vmem>>, vector<16xi32>,
    } else {
    }
    %dma_start3A = arith.constant 0 : i32
    %dma_start3A_9 = arith.constant 0 : i32
    %dma_start3A_10 = tpu.memref_slice %arg6[%dma_start3A, %dma_start3A_9] : memref<128x128xf32, #tpu.memory_space<vmem>> -> memref<128x128xf32, #tpu.memory_space<vmem>>
    %dma_start3A_11 = arith.constant 0 : i32
    %dma_start3A_12 = tpu.memref_slice %arg5[%dma_start3A_11] : memref<6272xi32, #tpu.memory_space<vmem>> -> memref<128xi32, #tpu.memory_space<vmem>>
    %dma_start3A_13 = arith.constant 0 : i32
    %dma_start3A_14 = arith.constant 0 : i32
    %dma_start3A_15 = tpu.memref_slice %arg2[%dma_start3A_13, %dma_start3A_14] : memref<100000x128xf32, #tpu.memory_space<hbm>> -> memref<100000x128xf32, #tpu.memory_space<hbm>>
    tpu.enqueue_indirect_dma source(%dma_start3A_15 : memref<100000x128xf32, #tpu.memory_space<hbm>>) target(%dma_start3A_10 : memref<128x128xf32, #tpu.memory_space<vmem>>) offsets(%dma_start3A_12 : memref<128xi32, #tpu.memory_space<vmem>>) semaphore(%arg13 : memref<!tpu.dma_semaphore, #tpu.memory_space<semaphore_mem>>)
    %dma_start3A_16 = arith.constant 0 : i32
    %dma_start3A_17 = arith.constant 0 : i32
    %dma_start3A_18 = tpu.memref_slice %arg7[%dma_start3A_16, %dma_start3A_17] : memref<128x128xf32, #tpu.memory_space<vmem>> -> memref<128x128xf32, #tpu.memory_space<vmem>>
    %dma_start3A_19 = arith.constant 128 : i32
    %dma_start3A_20 = tpu.memref_slice %arg5[%dma_start3A_19] : memref<6272xi32, #tpu.memory_space<vmem>> -> memref<128xi32, #tpu.memory_space<vmem>>
    %dma_start3A_21 = arith.constant 0 : i32
    %dma_start3A_22 = arith.constant 0 : i32
    %dma_start3A_23 = tpu.memref_slice %arg2[%dma_start3A_21, %dma_start3A_22] : memref<100000x128xf32, #tpu.memory_space<hbm>> -> memref<100000x128xf32, #tpu.memory_space<hbm>>
    tpu.enqueue_indirect_dma source(%dma_start3A_23 : memref<100000x128xf32, #tpu.memory_space<hbm>>) target(%dma_start3A_18 : memref<128x128xf32, #tpu.memory_space<vmem>>) offsets(%dma_start3A_20 : memref<128xi32, #tpu.memory_space<vmem>>) semaphore(%arg14 : memref<!tpu.dma_semaphore, #tpu.memory_space<semaphore_mem>>)
    %dma_start3A_24 = arith.constant 0 : i32
    %dma_start3A_25 = arith.constant 0 : i32
    %dma_start3A_26 = tpu.memref_slice %arg8[%dma_start3A_24, %dma_start3A_25] : memref<128x128xf32, #tpu.memory_space<vmem>> -> memref<128x128xf32, #tpu.memory_space<vmem>>
    %dma_start3A_27 = arith.constant 256 : i32
    %dma_start3A_28 = tpu.memref_slice %arg5[%dma_start3A_27] : memref<6272xi32, #tpu.memory_space<vmem>> -> memref<128xi32, #tpu.memory_space<vmem>>
    %dma_start3A_29 = arith.constant 0 : i32
    %dma_start3A_30 = arith.constant 0 : i32
    %dma_start3A_31 = tpu.memref_slice %arg2[%dma_start3A_29, %dma_start3A_30] : memref<100000x128xf32, #tpu.memory_space<hbm>> -> memref<100000x128xf32, #tpu.memory_space<hbm>>
    tpu.enqueue_indirect_dma source(%dma_start3A_31 : memref<100000x128xf32, #tpu.memory_space<hbm>>) target(%dma_start3A_26 : memref<128x128xf32, #tpu.memory_space<vmem>>) offsets(%dma_start3A_28 : memref<128xi32, #tpu.memory_space<vmem>>) semaphore(%arg15 : memref<!tpu.dma_semaphore, #tpu.memory_space<semaphore_mem>>)
    %dma_start3A_32 = arith.constant 0 : i32
    %dma_start3A_33 = arith.constant 0 : i32
    %dma_start3A_34 = tpu.memref_slice %arg9[%dma_start3A_32, %dma_start3A_33] : memref<128x128xf32, #tpu.memory_space<vmem>> -> memref<128x128xf32, #tpu.memory_space<vmem>>
    %dma_start3A_35 = arith.constant 384 : i32
    %dma_start3A_36 = tpu.memref_slice %arg5[%dma_start3A_35] : memref<6272xi32, #tpu.memory_space<vmem>> -> memref<128xi32, #tpu.memory_space<vmem>>
    %dma_start3A_37 = arith.constant 0 : i32
    %dma_start3A_38 = arith.constant 0 : i32
    %dma_start3A_39 = tpu.memref_slice %arg2[%dma_start3A_37, %dma_start3A_38] : memref<100000x128xf32, #tpu.memory_space<hbm>> -> memref<100000x128xf32, #tpu.memory_space<hbm>>
    tpu.enqueue_indirect_dma source(%dma_start3A_39 : memref<100000x128xf32, #tpu.memory_space<hbm>>) target(%dma_start3A_34 : memref<128x128xf32, #tpu.memory_space<vmem>>) offsets(%dma_start3A_36 : memref<128xi32, #tpu.memory_space<vmem>>) semaphore(%arg16 : memref<!tpu.dma_semaphore, #tpu.memory_space<semaphore_mem>>)
    %dma_start3A_40 = arith.constant 0 : i32
    %dma_start3A_41 = arith.constant 0 : i32
    %dma_start3A_42 = tpu.memref_slice %arg10[%dma_start3A_40, %dma_start3A_41] : memref<128x128xf32, #tpu.memory_space<vmem>> -> memref<128x128xf32, #tpu.memory_space<vmem>>
    %dma_start3A_43 = arith.constant 512 : i32
    %dma_start3A_44 = tpu.memref_slice %arg5[%dma_start3A_43] : memref<6272xi32, #tpu.memory_space<vmem>> -> memref<128xi32, #tpu.memory_space<vmem>>
    %dma_start3A_45 = arith.constant 0 : i32
    %dma_start3A_46 = arith.constant 0 : i32
    %dma_start3A_47 = tpu.memref_slice %arg2[%dma_start3A_45, %dma_start3A_46] : memref<100000x128xf32, #tpu.memory_space<hbm>> -> memref<100000x128xf32, #tpu.memory_space<hbm>>
    tpu.enqueue_indirect_dma source(%dma_start3A_47 : memref<100000x128xf32, #tpu.memory_space<hbm>>) target(%dma_start3A_42 : memref<128x128xf32, #tpu.memory_space<vmem>>) offsets(%dma_start3A_44 : memref<128xi32, #tpu.memory_space<vmem>>) semaphore(%arg17 : memref<!tpu.dma_semaphore, #tpu.memory_space<semaphore_mem>>)
    %dma_start3A_48 = arith.constant 0 : i32
    %dma_start3A_49 = arith.constant 0 : i32
    %dma_start3A_50 = tpu.memref_slice %arg11[%dma_start3A_48, %dma_start3A_49] : memref<128x128xf32, #tpu.memory_space<vmem>> -> memref<128x128xf32, #tpu.memory_space<vmem>>
    %dma_start3A_51 = arith.constant 640 : i32
    %dma_start3A_52 = tpu.memref_slice %arg5[%dma_start3A_51] : memref<6272xi32, #tpu.memory_space<vmem>> -> memref<128xi32, #tpu.memory_space<vmem>>
    %dma_start3A_53 = arith.constant 0 : i32
    %dma_start3A_54 = arith.constant 0 : i32
    %dma_start3A_55 = tpu.memref_slice %arg2[%dma_start3A_53, %dma_start3A_54] : memref<100000x128xf32, #tpu.memory_space<hbm>> -> memref<100000x128xf32, #tpu.memory_space<hbm>>
    tpu.enqueue_indirect_dma source(%dma_start3A_55 : memref<100000x128xf32, #tpu.memory_space<hbm>>) target(%dma_start3A_50 : memref<128x128xf32, #tpu.memory_space<vmem>>) offsets(%dma_start3A_52 : memref<128xi32, #tpu.memory_space<vmem>>) semaphore(%arg18 : memref<!tpu.dma_semaphore, #tpu.memory_space<semaphore_mem>>)
    %dma_wait3A = arith.constant 0 : i32
    %dma_wait3A_56 = arith.constant 0 : i32
    %dma_wait3A_57 = tpu.memref_slice %arg6[%dma_wait3A, %dma_wait3A_56] : memref<128x128xf32, #tpu.memory_space<vmem>> -> memref<128x128xf32, #tpu.memory_space<vmem>>
    %dma_wait3A_58 = arith.constant 0 : i32
    %dma_wait3A_59 = tpu.memref_slice %arg5[%dma_wait3A_58] : memref<6272xi32, #tpu.memory_space<vmem>> -> memref<128xi32, #tpu.memory_space<vmem>>
    %dma_wait3A_60 = arith.constant 0 : i32
    %dma_wait3A_61 = arith.constant 0 : i32
    %dma_wait3A_62 = tpu.memref_slice %arg2[%dma_wait3A_60, %dma_wait3A_61] : memref<100000x128xf32, #tpu.memory_space<hbm>> -> memref<100000x128xf32, #tpu.memory_space<hbm>>
    tpu.wait_indirect_dma semaphore(%arg13 : memref<!tpu.dma_semaphore, #tpu.memory_space<semaphore_mem>>) src(%dma_wait3A_62 : memref<100000x128xf32, #tpu.memory_space<hbm>>) dst(%dma_wait3A_57 : memref<128x128xf32, #tpu.memory_space<vmem>>)
    %not3A_63 = arith.constant true
    %not3A_64 = arith.xori %eq3A_3, %not3A_63 : i1
    %or3A = arith.constant true
    %or3A_65 = arith.ori %not3A_64, %or3A : i1
    %convert_element_type3A_66 = arith.extui %or3A_65 : i1 to i32
    %cond3A_67 = arith.constant 0 : i32
    %cond3A_68 = arith.cmpi ne, %convert_element_type3A_66, %cond3A_67 : i32
    scf.if %cond3A_68 {
      %add3A_571 = arith.constant 0 : i32
      %add3A_572 = arith.addi %mul3A_2, %add3A_571 : i32
      %dma_start3A_573 = arith.constant 0 : i32
      %dma_start3A_574 = tpu.memref_slice %arg4[%add3A_572, %dma_start3A_573] : memref<200000x128xf32, #tpu.memory_space<hbm>> -> memref<128x128xf32, #tpu.memory_space<hbm>>
      %dma_start3A_575 = arith.constant 0 : i32
      %dma_start3A_576 = tpu.memref_slice %arg4[%add3A_572, %dma_start3A_575] : memref<200000x128xf32, #tpu.memory_space<hbm>> -> memref<128x128xf32, #tpu.memory_space<hbm>>
      tpu.enqueue_dma source(%arg6 : memref<128x128xf32, #tpu.memory_space<vmem>>) target(%dma_start3A_576 : memref<128x128xf32, #tpu.memory_space<hbm>>) target_semaphore(%arg20 : memref<!tpu.dma_semaphore, #tpu.memory_space<semaphore_mem>>)
    } else {
    }
    %and3A = arith.constant false
    %and3A_69 = arith.andi %eq3A_3, %and3A : i1
    %convert_element_type3A_70 = arith.extui %and3A_69 : i1 to i32
    %cond3A_71 = arith.constant 0 : i32
    %cond3A_72 = arith.cmpi ne, %convert_element_type3A_70, %cond3A_71 : i32
    scf.if %cond3A_72 {
      %dma_start3A_571 = arith.constant 0 : i32
      %dma_start3A_572 = arith.constant 0 : i32
      %dma_start3A_573 = tpu.memref_slice %arg6[%dma_start3A_571, %dma_start3A_572] : memref<128x128xf32, #tpu.memory_space<vmem>> -> memref<64x128xf32, #tpu.memory_space<vmem>>
      %dma_start3A_574 = arith.constant 199936 : i32
      %dma_start3A_575 = arith.constant 0 : i32
      %dma_start3A_576 = tpu.memref_slice %arg4[%dma_start3A_574, %dma_start3A_575] : memref<200000x128xf32, #tpu.memory_space<hbm>> -> memref<64x128xf32, #tpu.memory_space<hbm>>
      %dma_start3A_577 = arith.constant 199936 : i32
      %dma_start3A_578 = arith.constant 0 : i32
      %dma_start3A_579 = tpu.memref_slice %arg4[%dma_start3A_577, %dma_start3A_578] : memref<200000x128xf32, #tpu.memory_space<hbm>> -> memref<64x128xf32, #tpu.memory_space<hbm>>
      %dma_start3A_580 = arith.constant 0 : i32
      %dma_start3A_581 = arith.constant 0 : i32
      %dma_start3A_582 = tpu.memref_slice %arg6[%dma_start3A_580, %dma_start3A_581] : memref<128x128xf32, #tpu.memory_space<vmem>> -> memref<64x128xf32, #tpu.memory_space<vmem>>
      tpu.enqueue_dma source(%dma_start3A_582 : memref<64x128xf32, #tpu.memory_space<vmem>>) target(%dma_start3A_579 : memref<64x128xf32, #tpu.memory_space<hbm>>) target_semaphore(%arg20 : memref<!tpu.dma_semaphore, #tpu.memory_space<semaphore_mem>>)
    } else {
    }
    %dma_start3A_73 = arith.constant 0 : i32
    %dma_start3A_74 = arith.constant 0 : i32
    %dma_start3A_75 = tpu.memref_slice %arg12[%dma_start3A_73, %dma_start3A_74] : memref<128x128xf32, #tpu.memory_space<vmem>> -> memref<128x128xf32, #tpu.memory_space<vmem>>
    %dma_start3A_76 = arith.constant 768 : i32
    %dma_start3A_77 = tpu.memref_slice %arg5[%dma_start3A_76] : memref<6272xi32, #tpu.memory_space<vmem>> -> memref<128xi32, #tpu.memory_space<vmem>>
    %dma_start3A_78 = arith.constant 0 : i32
    %dma_start3A_79 = arith.constant 0 : i32
    %dma_start3A_80 = tpu.memref_slice %arg2[%dma_start3A_78, %dma_start3A_79] : memref<100000x128xf32, #tpu.memory_space<hbm>> -> memref<100000x128xf32, #tpu.memory_space<hbm>>
    tpu.enqueue_indirect_dma source(%dma_start3A_80 : memref<100000x128xf32, #tpu.memory_space<hbm>>) target(%dma_start3A_75 : memref<128x128xf32, #tpu.memory_space<vmem>>) offsets(%dma_start3A_77 : memref<128xi32, #tpu.memory_space<vmem>>) semaphore(%arg19 : memref<!tpu.dma_semaphore, #tpu.memory_space<semaphore_mem>>)
    %dma_wait3A_81 = arith.constant 0 : i32
    %dma_wait3A_82 = arith.constant 0 : i32
    %dma_wait3A_83 = tpu.memref_slice %arg7[%dma_wait3A_81, %dma_wait3A_82] : memref<128x128xf32, #tpu.memory_space<vmem>> -> memref<128x128xf32, #tpu.memory_space<vmem>>
    %dma_wait3A_84 = arith.constant 0 : i32
    %dma_wait3A_85 = tpu.memref_slice %arg5[%dma_wait3A_84] : memref<6272xi32, #tpu.memory_space<vmem>> -> memref<128xi32, #tpu.memory_space<vmem>>
    %dma_wait3A_86 = arith.constant 0 : i32
    %dma_wait3A_87 = arith.constant 0 : i32
    %dma_wait3A_88 = tpu.memref_slice %arg2[%dma_wait3A_86, %dma_wait3A_87] : memref<100000x128xf32, #tpu.memory_space<hbm>> -> memref<100000x128xf32, #tpu.memory_space<hbm>>
    tpu.wait_indirect_dma semaphore(%arg14 : memref<!tpu.dma_semaphore, #tpu.memory_space<semaphore_mem>>) src(%dma_wait3A_88 : memref<100000x128xf32, #tpu.memory_space<hbm>>) dst(%dma_wait3A_83 : memref<128x128xf32, #tpu.memory_space<vmem>>)
    %not3A_89 = arith.constant true
    %not3A_90 = arith.xori %eq3A_3, %not3A_89 : i1
    %or3A_91 = arith.constant true
    %or3A_92 = arith.ori %not3A_90, %or3A_91 : i1
    %convert_element_type3A_93 = arith.extui %or3A_92 : i1 to i32
    %cond3A_94 = arith.constant 0 : i32
    %cond3A_95 = arith.cmpi ne, %convert_element_type3A_93, %cond3A_94 : i32
    scf.if %cond3A_95 {
      %add3A_571 = arith.constant 128 : i32
      %add3A_572 = arith.addi %mul3A_2, %add3A_571 : i32
      %dma_start3A_573 = arith.constant 0 : i32
      %dma_start3A_574 = tpu.memref_slice %arg4[%add3A_572, %dma_start3A_573] : memref<200000x128xf32, #tpu.memory_space<hbm>> -> memref<128x128xf32, #tpu.memory_space<hbm>>
      %dma_start3A_575 = arith.constant 0 : i32
      %dma_start3A_576 = tpu.memref_slice %arg4[%add3A_572, %dma_start3A_575] : memref<200000x128xf32, #tpu.memory_space<hbm>> -> memref<128x128xf32, #tpu.memory_space<hbm>>
      tpu.enqueue_dma source(%arg7 : memref<128x128xf32, #tpu.memory_space<vmem>>) target(%dma_start3A_576 : memref<128x128xf32, #tpu.memory_space<hbm>>) target_semaphore(%arg21 : memref<!tpu.dma_semaphore, #tpu.memory_space<semaphore_mem>>)
    } else {
    }
    %and3A_96 = arith.constant false
    %and3A_97 = arith.andi %eq3A_3, %and3A_96 : i1
    %convert_element_type3A_98 = arith.extui %and3A_97 : i1 to i32
    %cond3A_99 = arith.constant 0 : i32
    %cond3A_100 = arith.cmpi ne, %convert_element_type3A_98, %cond3A_99 : i32
    scf.if %cond3A_100 {
      %dma_start3A_571 = arith.constant 0 : i32
      %dma_start3A_572 = arith.constant 0 : i32
      %dma_start3A_573 = tpu.memref_slice %arg7[%dma_start3A_571, %dma_start3A_572] : memref<128x128xf32, #tpu.memory_space<vmem>> -> memref<64x128xf32, #tpu.memory_space<vmem>>
      %dma_start3A_574 = arith.constant 199936 : i32
      %dma_start3A_575 = arith.constant 0 : i32
      %dma_start3A_576 = tpu.memref_slice %arg4[%dma_start3A_574, %dma_start3A_575] : memref<200000x128xf32, #tpu.memory_space<hbm>> -> memref<64x128xf32, #tpu.memory_space<hbm>>
      %dma_start3A_577 = arith.constant 199936 : i32
      %dma_start3A_578 = arith.constant 0 : i32
      %dma_start3A_579 = tpu.memref_slice %arg4[%dma_start3A_577, %dma_start3A_578] : memref<200000x128xf32, #tpu.memory_space<hbm>> -> memref<64x128xf32, #tpu.memory_space<hbm>>
      %dma_start3A_580 = arith.constant 0 : i32
      %dma_start3A_581 = arith.constant 0 : i32
      %dma_start3A_582 = tpu.memref_slice %arg7[%dma_start3A_580, %dma_start3A_581] : memref<128x128xf32, #tpu.memory_space<vmem>> -> memref<64x128xf32, #tpu.memory_space<vmem>>
      tpu.enqueue_dma source(%dma_start3A_582 : memref<64x128xf32, #tpu.memory_space<vmem>>) target(%dma_start3A_579 : memref<64x128xf32, #tpu.memory_space<hbm>>) target_semaphore(%arg21 : memref<!tpu.dma_semaphore, #tpu.memory_space<semaphore_mem>>)
    } else {
    }
    %not3A_101 = arith.constant true
    %not3A_102 = arith.xori %eq3A_3, %not3A_101 : i1
    %or3A_103 = arith.constant true
    %or3A_104 = arith.ori %not3A_102, %or3A_103 : i1
    %convert_element_type3A_105 = arith.extui %or3A_104 : i1 to i32
    %cond3A_106 = arith.constant 0 : i32
    %cond3A_107 = arith.cmpi ne, %convert_element_type3A_105, %cond3A_106 : i32
    scf.if %cond3A_107 {
      %add3A_571 = arith.constant 0 : i32
      %add3A_572 = arith.addi %mul3A_2, %add3A_571 : i32
      %dma_wait3A_573 = arith.constant 0 : i32
      %dma_wait3A_574 = tpu.memref_slice %arg4[%add3A_572, %dma_wait3A_573] : memref<200000x128xf32, #tpu.memory_space<hbm>> -> memref<128x128xf32, #tpu.memory_space<hbm>>
      %dma_wait3A_575 = arith.constant 0 : i32
      %dma_wait3A_576 = tpu.memref_slice %arg4[%add3A_572, %dma_wait3A_575] : memref<200000x128xf32, #tpu.memory_space<hbm>> -> memref<128x128xf32, #tpu.memory_space<hbm>>
      tpu.wait_dma2 semaphore(%arg20 : memref<!tpu.dma_semaphore, #tpu.memory_space<semaphore_mem>>) src(%arg6 : memref<128x128xf32, #tpu.memory_space<vmem>>) dst(%dma_wait3A_576 : memref<128x128xf32, #tpu.memory_space<hbm>>)
    } else {
    }
    %and3A_108 = arith.constant false
    %and3A_109 = arith.andi %eq3A_3, %and3A_108 : i1
    %convert_element_type3A_110 = arith.extui %and3A_109 : i1 to i32
    %cond3A_111 = arith.constant 0 : i32
    %cond3A_112 = arith.cmpi ne, %convert_element_type3A_110, %cond3A_111 : i32
    scf.if %cond3A_112 {
      %dma_wait3A_571 = arith.constant 0 : i32
      %dma_wait3A_572 = arith.constant 0 : i32
      %dma_wait3A_573 = tpu.memref_slice %arg6[%dma_wait3A_571, %dma_wait3A_572] : memref<128x128xf32, #tpu.memory_space<vmem>> -> memref<64x128xf32, #tpu.memory_space<vmem>>
      %dma_wait3A_574 = arith.constant 199936 : i32
      %dma_wait3A_575 = arith.constant 0 : i32
      %dma_wait3A_576 = tpu.memref_slice %arg4[%dma_wait3A_574, %dma_wait3A_575] : memref<200000x128xf32, #tpu.memory_space<hbm>> -> memref<64x128xf32, #tpu.memory_space<hbm>>
      %dma_wait3A_577 = arith.constant 199936 : i32
      %dma_wait3A_578 = arith.constant 0 : i32
      %dma_wait3A_579 = tpu.memref_slice %arg4[%dma_wait3A_577, %dma_wait3A_578] : memref<200000x128xf32, #tpu.memory_space<hbm>> -> memref<64x128xf32, #tpu.memory_space<hbm>>
      %dma_wait3A_580 = arith.constant 0 : i32
      %dma_wait3A_581 = arith.constant 0 : i32
      %dma_wait3A_582 = tpu.memref_slice %arg6[%dma_wait3A_580, %dma_wait3A_581] : memref<128x128xf32, #tpu.memory_space<vmem>> -> memref<64x128xf32, #tpu.memory_space<vmem>>
      tpu.wait_dma2 semaphore(%arg20 : memref<!tpu.dma_semaphore, #tpu.memory_space<semaphore_mem>>) src(%dma_wait3A_582 : memref<64x128xf32, #tpu.memory_space<vmem>>) dst(%dma_wait3A_579 : memref<64x128xf32, #tpu.memory_space<hbm>>)
    } else {
    }
    %dma_start3A_113 = arith.constant 0 : i32
    %dma_start3A_114 = arith.constant 0 : i32
    %dma_start3A_115 = tpu.memref_slice %arg6[%dma_start3A_113, %dma_start3A_114] : memref<128x128xf32, #tpu.memory_space<vmem>> -> memref<128x128xf32, #tpu.memory_space<vmem>>
    %dma_start3A_116 = arith.constant 896 : i32
    %dma_start3A_117 = tpu.memref_slice %arg5[%dma_start3A_116] : memref<6272xi32, #tpu.memory_space<vmem>> -> memref<128xi32, #tpu.memory_space<vmem>>
    %dma_start3A_118 = arith.constant 0 : i32
    %dma_start3A_119 = arith.constant 0 : i32
    %dma_start3A_120 = tpu.memref_slice %arg2[%dma_start3A_118, %dma_start3A_119] : memref<100000x128xf32, #tpu.memory_space<hbm>> -> memref<100000x128xf32, #tpu.memory_space<hbm>>
    tpu.enqueue_indirect_dma source(%dma_start3A_120 : memref<100000x128xf32, #tpu.memory_space<hbm>>) target(%dma_start3A_115 : memref<128x128xf32, #tpu.memory_space<vmem>>) offsets(%dma_start3A_117 : memref<128xi32, #tpu.memory_space<vmem>>) semaphore(%arg13 : memref<!tpu.dma_semaphore, #tpu.memory_space<semaphore_mem>>)
    %dma_wait3A_121 = arith.constant 0 : i32
    %dma_wait3A_122 = arith.constant 0 : i32
    %dma_wait3A_123 = tpu.memref_slice %arg8[%dma_wait3A_121, %dma_wait3A_122] : memref<128x128xf32, #tpu.memory_space<vmem>> -> memref<128x128xf32, #tpu.memory_space<vmem>>
    %dma_wait3A_124 = arith.constant 0 : i32
    %dma_wait3A_125 = tpu.memref_slice %arg5[%dma_wait3A_124] : memref<6272xi32, #tpu.memory_space<vmem>> -> memref<128xi32, #tpu.memory_space<vmem>>
    %dma_wait3A_126 = arith.constant 0 : i32
    %dma_wait3A_127 = arith.constant 0 : i32
    %dma_wait3A_128 = tpu.memref_slice %arg2[%dma_wait3A_126, %dma_wait3A_127] : memref<100000x128xf32, #tpu.memory_space<hbm>> -> memref<100000x128xf32, #tpu.memory_space<hbm>>
    tpu.wait_indirect_dma semaphore(%arg15 : memref<!tpu.dma_semaphore, #tpu.memory_space<semaphore_mem>>) src(%dma_wait3A_128 : memref<100000x128xf32, #tpu.memory_space<hbm>>) dst(%dma_wait3A_123 : memref<128x128xf32, #tpu.memory_space<vmem>>)
    %not3A_129 = arith.constant true
    %not3A_130 = arith.xori %eq3A_3, %not3A_129 : i1
    %or3A_131 = arith.constant true
    %or3A_132 = arith.ori %not3A_130, %or3A_131 : i1
    %convert_element_type3A_133 = arith.extui %or3A_132 : i1 to i32
    %cond3A_134 = arith.constant 0 : i32
    %cond3A_135 = arith.cmpi ne, %convert_element_type3A_133, %cond3A_134 : i32
    scf.if %cond3A_135 {
      %add3A_571 = arith.constant 256 : i32
      %add3A_572 = arith.addi %mul3A_2, %add3A_571 : i32
      %dma_start3A_573 = arith.constant 0 : i32
      %dma_start3A_574 = tpu.memref_slice %arg4[%add3A_572, %dma_start3A_573] : memref<200000x128xf32, #tpu.memory_space<hbm>> -> memref<128x128xf32, #tpu.memory_space<hbm>>
      %dma_start3A_575 = arith.constant 0 : i32
      %dma_start3A_576 = tpu.memref_slice %arg4[%add3A_572, %dma_start3A_575] : memref<200000x128xf32, #tpu.memory_space<hbm>> -> memref<128x128xf32, #tpu.memory_space<hbm>>
      tpu.enqueue_dma source(%arg8 : memref<128x128xf32, #tpu.memory_space<vmem>>) target(%dma_start3A_576 : memref<128x128xf32, #tpu.memory_space<hbm>>) target_semaphore(%arg22 : memref<!tpu.dma_semaphore, #tpu.memory_space<semaphore_mem>>)
    } else {
    }
    %and3A_136 = arith.constant false
    %and3A_137 = arith.andi %eq3A_3, %and3A_136 : i1
    %convert_element_type3A_138 = arith.extui %and3A_137 : i1 to i32
    %cond3A_139 = arith.constant 0 : i32
    %cond3A_140 = arith.cmpi ne, %convert_element_type3A_138, %cond3A_139 : i32
    scf.if %cond3A_140 {
      %dma_start3A_571 = arith.constant 0 : i32
      %dma_start3A_572 = arith.constant 0 : i32
      %dma_start3A_573 = tpu.memref_slice %arg8[%dma_start3A_571, %dma_start3A_572] : memref<128x128xf32, #tpu.memory_space<vmem>> -> memref<64x128xf32, #tpu.memory_space<vmem>>
      %dma_start3A_574 = arith.constant 199936 : i32
      %dma_start3A_575 = arith.constant 0 : i32
      %dma_start3A_576 = tpu.memref_slice %arg4[%dma_start3A_574, %dma_start3A_575] : memref<200000x128xf32, #tpu.memory_space<hbm>> -> memref<64x128xf32, #tpu.memory_space<hbm>>
      %dma_start3A_577 = arith.constant 199936 : i32
      %dma_start3A_578 = arith.constant 0 : i32
      %dma_start3A_579 = tpu.memref_slice %arg4[%dma_start3A_577, %dma_start3A_578] : memref<200000x128xf32, #tpu.memory_space<hbm>> -> memref<64x128xf32, #tpu.memory_space<hbm>>
      %dma_start3A_580 = arith.constant 0 : i32
      %dma_start3A_581 = arith.constant 0 : i32
      %dma_start3A_582 = tpu.memref_slice %arg8[%dma_start3A_580, %dma_start3A_581] : memref<128x128xf32, #tpu.memory_space<vmem>> -> memref<64x128xf32, #tpu.memory_space<vmem>>
      tpu.enqueue_dma source(%dma_start3A_582 : memref<64x128xf32, #tpu.memory_space<vmem>>) target(%dma_start3A_579 : memref<64x128xf32, #tpu.memory_space<hbm>>) target_semaphore(%arg22 : memref<!tpu.dma_semaphore, #tpu.memory_space<semaphore_mem>>)
    } else {
    }
    %not3A_141 = arith.constant true
    %not3A_142 = arith.xori %eq3A_3, %not3A_141 : i1
    %or3A_143 = arith.constant true
    %or3A_144 = arith.ori %not3A_142, %or3A_143 : i1
    %convert_element_type3A_145 = arith.extui %or3A_144 : i1 to i32
    %cond3A_146 = arith.constant 0 : i32
    %cond3A_147 = arith.cmpi ne, %convert_element_type3A_145, %cond3A_146 : i32
    scf.if %cond3A_147 {
      %add3A_571 = arith.constant 0 : i32
      %add3A_572 = arith.addi %mul3A_2, %add3A_571 : i32
      %dma_wait3A_573 = arith.constant 0 : i32
      %dma_wait3A_574 = tpu.memref_slice %arg4[%add3A_572, %dma_wait3A_573] : memref<200000x128xf32, #tpu.memory_space<hbm>> -> memref<128x128xf32, #tpu.memory_space<hbm>>
      %dma_wait3A_575 = arith.constant 0 : i32
      %dma_wait3A_576 = tpu.memref_slice %arg4[%add3A_572, %dma_wait3A_575] : memref<200000x128xf32, #tpu.memory_space<hbm>> -> memref<128x128xf32, #tpu.memory_space<hbm>>
      tpu.wait_dma2 semaphore(%arg21 : memref<!tpu.dma_semaphore, #tpu.memory_space<semaphore_mem>>) src(%arg7 : memref<128x128xf32, #tpu.memory_space<vmem>>) dst(%dma_wait3A_576 : memref<128x128xf32, #tpu.memory_space<hbm>>)
    } else {
    }
    %and3A_148 = arith.constant false
    %and3A_149 = arith.andi %eq3A_3, %and3A_148 : i1
    %convert_element_type3A_150 = arith.extui %and3A_149 : i1 to i32
    %cond3A_151 = arith.constant 0 : i32
    %cond3A_152 = arith.cmpi ne, %convert_element_type3A_150, %cond3A_151 : i32
    scf.if %cond3A_152 {
      %dma_wait3A_571 = arith.constant 0 : i32
      %dma_wait3A_572 = arith.constant 0 : i32
      %dma_wait3A_573 = tpu.memref_slice %arg7[%dma_wait3A_571, %dma_wait3A_572] : memref<128x128xf32, #tpu.memory_space<vmem>> -> memref<64x128xf32, #tpu.memory_space<vmem>>
      %dma_wait3A_574 = arith.constant 199936 : i32
      %dma_wait3A_575 = arith.constant 0 : i32
      %dma_wait3A_576 = tpu.memref_slice %arg4[%dma_wait3A_574, %dma_wait3A_575] : memref<200000x128xf32, #tpu.memory_space<hbm>> -> memref<64x128xf32, #tpu.memory_space<hbm>>
      %dma_wait3A_577 = arith.constant 199936 : i32
      %dma_wait3A_578 = arith.constant 0 : i32
      %dma_wait3A_579 = tpu.memref_slice %arg4[%dma_wait3A_577, %dma_wait3A_578] : memref<200000x128xf32, #tpu.memory_space<hbm>> -> memref<64x128xf32, #tpu.memory_space<hbm>>
      %dma_wait3A_580 = arith.constant 0 : i32
      %dma_wait3A_581 = arith.constant 0 : i32
      %dma_wait3A_582 = tpu.memref_slice %arg7[%dma_wait3A_580, %dma_wait3A_581] : memref<128x128xf32, #tpu.memory_space<vmem>> -> memref<64x128xf32, #tpu.memory_space<vmem>>
      tpu.wait_dma2 semaphore(%arg21 : memref<!tpu.dma_semaphore, #tpu.memory_space<semaphore_mem>>) src(%dma_wait3A_582 : memref<64x128xf32, #tpu.memory_space<vmem>>) dst(%dma_wait3A_579 : memref<64x128xf32, #tpu.memory_space<hbm>>)
    } else {
    }
    %dma_start3A_153 = arith.constant 0 : i32
    %dma_start3A_154 = arith.constant 0 : i32
    %dma_start3A_155 = tpu.memref_slice %arg7[%dma_start3A_153, %dma_start3A_154] : memref<128x128xf32, #tpu.memory_space<vmem>> -> memref<128x128xf32, #tpu.memory_space<vmem>>
    %dma_start3A_156 = arith.constant 1024 : i32
    %dma_start3A_157 = tpu.memref_slice %arg5[%dma_start3A_156] : memref<6272xi32, #tpu.memory_space<vmem>> -> memref<128xi32, #tpu.memory_space<vmem>>
    %dma_start3A_158 = arith.constant 0 : i32
    %dma_start3A_159 = arith.constant 0 : i32
    %dma_start3A_160 = tpu.memref_slice %arg2[%dma_start3A_158, %dma_start3A_159] : memref<100000x128xf32, #tpu.memory_space<hbm>> -> memref<100000x128xf32, #tpu.memory_space<hbm>>
    tpu.enqueue_indirect_dma source(%dma_start3A_160 : memref<100000x128xf32, #tpu.memory_space<hbm>>) target(%dma_start3A_155 : memref<128x128xf32, #tpu.memory_space<vmem>>) offsets(%dma_start3A_157 : memref<128xi32, #tpu.memory_space<vmem>>) semaphore(%arg14 : memref<!tpu.dma_semaphore, #tpu.memory_space<semaphore_mem>>)
    %dma_wait3A_161 = arith.constant 0 : i32
    %dma_wait3A_162 = arith.constant 0 : i32
    %dma_wait3A_163 = tpu.memref_slice %arg9[%dma_wait3A_161, %dma_wait3A_162] : memref<128x128xf32, #tpu.memory_space<vmem>> -> memref<128x128xf32, #tpu.memory_space<vmem>>
    %dma_wait3A_164 = arith.constant 0 : i32
    %dma_wait3A_165 = tpu.memref_slice %arg5[%dma_wait3A_164] : memref<6272xi32, #tpu.memory_space<vmem>> -> memref<128xi32, #tpu.memory_space<vmem>>
    %dma_wait3A_166 = arith.constant 0 : i32
    %dma_wait3A_167 = arith.constant 0 : i32
    %dma_wait3A_168 = tpu.memref_slice %arg2[%dma_wait3A_166, %dma_wait3A_167] : memref<100000x128xf32, #tpu.memory_space<hbm>> -> memref<100000x128xf32, #tpu.memory_space<hbm>>
    tpu.wait_indirect_dma semaphore(%arg16 : memref<!tpu.dma_semaphore, #tpu.memory_space<semaphore_mem>>) src(%dma_wait3A_168 : memref<100000x128xf32, #tpu.memory_space<hbm>>) dst(%dma_wait3A_163 : memref<128x128xf32, #tpu.memory_space<vmem>>)
    %not3A_169 = arith.constant true
    %not3A_170 = arith.xori %eq3A_3, %not3A_169 : i1
    %or3A_171 = arith.constant true
    %or3A_172 = arith.ori %not3A_170, %or3A_171 : i1
    %convert_element_type3A_173 = arith.extui %or3A_172 : i1 to i32
    %cond3A_174 = arith.constant 0 : i32
    %cond3A_175 = arith.cmpi ne, %convert_element_type3A_173, %cond3A_174 : i32
    scf.if %cond3A_175 {
      %add3A_571 = arith.constant 384 : i32
      %add3A_572 = arith.addi %mul3A_2, %add3A_571 : i32
      %dma_start3A_573 = arith.constant 0 : i32
      %dma_start3A_574 = tpu.memref_slice %arg4[%add3A_572, %dma_start3A_573] : memref<200000x128xf32, #tpu.memory_space<hbm>> -> memref<128x128xf32, #tpu.memory_space<hbm>>
      %dma_start3A_575 = arith.constant 0 : i32
      %dma_start3A_576 = tpu.memref_slice %arg4[%add3A_572, %dma_start3A_575] : memref<200000x128xf32, #tpu.memory_space<hbm>> -> memref<128x128xf32, #tpu.memory_space<hbm>>
      tpu.enqueue_dma source(%arg9 : memref<128x128xf32, #tpu.memory_space<vmem>>) target(%dma_start3A_576 : memref<128x128xf32, #tpu.memory_space<hbm>>) target_semaphore(%arg23 : memref<!tpu.dma_semaphore, #tpu.memory_space<semaphore_mem>>)
    } else {
    }
    %and3A_176 = arith.constant false
    %and3A_177 = arith.andi %eq3A_3, %and3A_176 : i1
    %convert_element_type3A_178 = arith.extui %and3A_177 : i1 to i32
    %cond3A_179 = arith.constant 0 : i32
    %cond3A_180 = arith.cmpi ne, %convert_element_type3A_178, %cond3A_179 : i32
    scf.if %cond3A_180 {
      %dma_start3A_571 = arith.constant 0 : i32
      %dma_start3A_572 = arith.constant 0 : i32
      %dma_start3A_573 = tpu.memref_slice %arg9[%dma_start3A_571, %dma_start3A_572] : memref<128x128xf32, #tpu.memory_space<vmem>> -> memref<64x128xf32, #tpu.memory_space<vmem>>
      %dma_start3A_574 = arith.constant 199936 : i32
      %dma_start3A_575 = arith.constant 0 : i32
      %dma_start3A_576 = tpu.memref_slice %arg4[%dma_start3A_574, %dma_start3A_575] : memref<200000x128xf32, #tpu.memory_space<hbm>> -> memref<64x128xf32, #tpu.memory_space<hbm>>
      %dma_start3A_577 = arith.constant 199936 : i32
      %dma_start3A_578 = arith.constant 0 : i32
      %dma_start3A_579 = tpu.memref_slice %arg4[%dma_start3A_577, %dma_start3A_578] : memref<200000x128xf32, #tpu.memory_space<hbm>> -> memref<64x128xf32, #tpu.memory_space<hbm>>
      %dma_start3A_580 = arith.constant 0 : i32
      %dma_start3A_581 = arith.constant 0 : i32
      %dma_start3A_582 = tpu.memref_slice %arg9[%dma_start3A_580, %dma_start3A_581] : memref<128x128xf32, #tpu.memory_space<vmem>> -> memref<64x128xf32, #tpu.memory_space<vmem>>
      tpu.enqueue_dma source(%dma_start3A_582 : memref<64x128xf32, #tpu.memory_space<vmem>>) target(%dma_start3A_579 : memref<64x128xf32, #tpu.memory_space<hbm>>) target_semaphore(%arg23 : memref<!tpu.dma_semaphore, #tpu.memory_space<semaphore_mem>>)
    } else {
    }
    %not3A_181 = arith.constant true
    %not3A_182 = arith.xori %eq3A_3, %not3A_181 : i1
    %or3A_183 = arith.constant true
    %or3A_184 = arith.ori %not3A_182, %or3A_183 : i1
    %convert_element_type3A_185 = arith.extui %or3A_184 : i1 to i32
    %cond3A_186 = arith.constant 0 : i32
    %cond3A_187 = arith.cmpi ne, %convert_element_type3A_185, %cond3A_186 : i32
    scf.if %cond3A_187 {
      %add3A_571 = arith.constant 0 : i32
      %add3A_572 = arith.addi %mul3A_2, %add3A_571 : i32
      %dma_wait3A_573 = arith.constant 0 : i32
      %dma_wait3A_574 = tpu.memref_slice %arg4[%add3A_572, %dma_wait3A_573] : memref<200000x128xf32, #tpu.memory_space<hbm>> -> memref<128x128xf32, #tpu.memory_space<hbm>>
      %dma_wait3A_575 = arith.constant 0 : i32
      %dma_wait3A_576 = tpu.memref_slice %arg4[%add3A_572, %dma_wait3A_575] : memref<200000x128xf32, #tpu.memory_space<hbm>> -> memref<128x128xf32, #tpu.memory_space<hbm>>
      tpu.wait_dma2 semaphore(%arg22 : memref<!tpu.dma_semaphore, #tpu.memory_space<semaphore_mem>>) src(%arg8 : memref<128x128xf32, #tpu.memory_space<vmem>>) dst(%dma_wait3A_576 : memref<128x128xf32, #tpu.memory_space<hbm>>)
    } else {
    }
    %and3A_188 = arith.constant false
    %and3A_189 = arith.andi %eq3A_3, %and3A_188 : i1
    %convert_element_type3A_190 = arith.extui %and3A_189 : i1 to i32
    %cond3A_191 = arith.constant 0 : i32
    %cond3A_192 = arith.cmpi ne, %convert_element_type3A_190, %cond3A_191 : i32
    scf.if %cond3A_192 {
      %dma_wait3A_571 = arith.constant 0 : i32
      %dma_wait3A_572 = arith.constant 0 : i32
      %dma_wait3A_573 = tpu.memref_slice %arg8[%dma_wait3A_571, %dma_wait3A_572] : memref<128x128xf32, #tpu.memory_space<vmem>> -> memref<64x128xf32, #tpu.memory_space<vmem>>
      %dma_wait3A_574 = arith.constant 199936 : i32
      %dma_wait3A_575 = arith.constant 0 : i32
      %dma_wait3A_576 = tpu.memref_slice %arg4[%dma_wait3A_574, %dma_wait3A_575] : memref<200000x128xf32, #tpu.memory_space<hbm>> -> memref<64x128xf32, #tpu.memory_space<hbm>>
      %dma_wait3A_577 = arith.constant 199936 : i32
      %dma_wait3A_578 = arith.constant 0 : i32
      %dma_wait3A_579 = tpu.memref_slice %arg4[%dma_wait3A_577, %dma_wait3A_578] : memref<200000x128xf32, #tpu.memory_space<hbm>> -> memref<64x128xf32, #tpu.memory_space<hbm>>
      %dma_wait3A_580 = arith.constant 0 : i32
      %dma_wait3A_581 = arith.constant 0 : i32
      %dma_wait3A_582 = tpu.memref_slice %arg8[%dma_wait3A_580, %dma_wait3A_581] : memref<128x128xf32, #tpu.memory_space<vmem>> -> memref<64x128xf32, #tpu.memory_space<vmem>>
      tpu.wait_dma2 semaphore(%arg22 : memref<!tpu.dma_semaphore, #tpu.memory_space<semaphore_mem>>) src(%dma_wait3A_582 : memref<64x128xf32, #tpu.memory_space<vmem>>) dst(%dma_wait3A_579 : memref<64x128xf32, #tpu.memory_space<hbm>>)
    } else {
    }
    %dma_start3A_193 = arith.constant 0 : i32
    %dma_start3A_194 = arith.constant 0 : i32
    %dma_start3A_195 = tpu.memref_slice %arg8[%dma_start3A_193, %dma_start3A_194] : memref<128x128xf32, #tpu.memory_space<vmem>> -> memref<128x128xf32, #tpu.memory_space<vmem>>
    %dma_start3A_196 = arith.constant 1152 : i32
    %dma_start3A_197 = tpu.memref_slice %arg5[%dma_start3A_196] : memref<6272xi32, #tpu.memory_space<vmem>> -> memref<128xi32, #tpu.memory_space<vmem>>
    %dma_start3A_198 = arith.constant 0 : i32
    %dma_start3A_199 = arith.constant 0 : i32
    %dma_start3A_200 = tpu.memref_slice %arg2[%dma_start3A_198, %dma_start3A_199] : memref<100000x128xf32, #tpu.memory_space<hbm>> -> memref<100000x128xf32, #tpu.memory_space<hbm>>
    tpu.enqueue_indirect_dma source(%dma_start3A_200 : memref<100000x128xf32, #tpu.memory_space<hbm>>) target(%dma_start3A_195 : memref<128x128xf32, #tpu.memory_space<vmem>>) offsets(%dma_start3A_197 : memref<128xi32, #tpu.memory_space<vmem>>) semaphore(%arg15 : memref<!tpu.dma_semaphore, #tpu.memory_space<semaphore_mem>>)
    %dma_wait3A_201 = arith.constant 0 : i32
    %dma_wait3A_202 = arith.constant 0 : i32
    %dma_wait3A_203 = tpu.memref_slice %arg10[%dma_wait3A_201, %dma_wait3A_202] : memref<128x128xf32, #tpu.memory_space<vmem>> -> memref<128x128xf32, #tpu.memory_space<vmem>>
    %dma_wait3A_204 = arith.constant 0 : i32
    %dma_wait3A_205 = tpu.memref_slice %arg5[%dma_wait3A_204] : memref<6272xi32, #tpu.memory_space<vmem>> -> memref<128xi32, #tpu.memory_space<vmem>>
    %dma_wait3A_206 = arith.constant 0 : i32
    %dma_wait3A_207 = arith.constant 0 : i32
    %dma_wait3A_208 = tpu.memref_slice %arg2[%dma_wait3A_206, %dma_wait3A_207] : memref<100000x128xf32, #tpu.memory_space<hbm>> -> memref<100000x128xf32, #tpu.memory_space<hbm>>
    tpu.wait_indirect_dma semaphore(%arg17 : memref<!tpu.dma_semaphore, #tpu.memory_space<semaphore_mem>>) src(%dma_wait3A_208 : memref<100000x128xf32, #tpu.memory_space<hbm>>) dst(%dma_wait3A_203 : memref<128x128xf32, #tpu.memory_space<vmem>>)
    %not3A_209 = arith.constant true
    %not3A_210 = arith.xori %eq3A_3, %not3A_209 : i1
    %or3A_211 = arith.constant true
    %or3A_212 = arith.ori %not3A_210, %or3A_211 : i1
    %convert_element_type3A_213 = arith.extui %or3A_212 : i1 to i32
    %cond3A_214 = arith.constant 0 : i32
    %cond3A_215 = arith.cmpi ne, %convert_element_type3A_213, %cond3A_214 : i32
    scf.if %cond3A_215 {
      %add3A_571 = arith.constant 512 : i32
      %add3A_572 = arith.addi %mul3A_2, %add3A_571 : i32
      %dma_start3A_573 = arith.constant 0 : i32
      %dma_start3A_574 = tpu.memref_slice %arg4[%add3A_572, %dma_start3A_573] : memref<200000x128xf32, #tpu.memory_space<hbm>> -> memref<128x128xf32, #tpu.memory_space<hbm>>
      %dma_start3A_575 = arith.constant 0 : i32
      %dma_start3A_576 = tpu.memref_slice %arg4[%add3A_572, %dma_start3A_575] : memref<200000x128xf32, #tpu.memory_space<hbm>> -> memref<128x128xf32, #tpu.memory_space<hbm>>
      tpu.enqueue_dma source(%arg10 : memref<128x128xf32, #tpu.memory_space<vmem>>) target(%dma_start3A_576 : memref<128x128xf32, #tpu.memory_space<hbm>>) target_semaphore(%arg24 : memref<!tpu.dma_semaphore, #tpu.memory_space<semaphore_mem>>)
    } else {
    }
    %and3A_216 = arith.constant false
    %and3A_217 = arith.andi %eq3A_3, %and3A_216 : i1
    %convert_element_type3A_218 = arith.extui %and3A_217 : i1 to i32
    %cond3A_219 = arith.constant 0 : i32
    %cond3A_220 = arith.cmpi ne, %convert_element_type3A_218, %cond3A_219 : i32
    scf.if %cond3A_220 {
      %dma_start3A_571 = arith.constant 0 : i32
      %dma_start3A_572 = arith.constant 0 : i32
      %dma_start3A_573 = tpu.memref_slice %arg10[%dma_start3A_571, %dma_start3A_572] : memref<128x128xf32, #tpu.memory_space<vmem>> -> memref<64x128xf32, #tpu.memory_space<vmem>>
      %dma_start3A_574 = arith.constant 199936 : i32
      %dma_start3A_575 = arith.constant 0 : i32
      %dma_start3A_576 = tpu.memref_slice %arg4[%dma_start3A_574, %dma_start3A_575] : memref<200000x128xf32, #tpu.memory_space<hbm>> -> memref<64x128xf32, #tpu.memory_space<hbm>>
      %dma_start3A_577 = arith.constant 199936 : i32
      %dma_start3A_578 = arith.constant 0 : i32
      %dma_start3A_579 = tpu.memref_slice %arg4[%dma_start3A_577, %dma_start3A_578] : memref<200000x128xf32, #tpu.memory_space<hbm>> -> memref<64x128xf32, #tpu.memory_space<hbm>>
      %dma_start3A_580 = arith.constant 0 : i32
      %dma_start3A_581 = arith.constant 0 : i32
      %dma_start3A_582 = tpu.memref_slice %arg10[%dma_start3A_580, %dma_start3A_581] : memref<128x128xf32, #tpu.memory_space<vmem>> -> memref<64x128xf32, #tpu.memory_space<vmem>>
      tpu.enqueue_dma source(%dma_start3A_582 : memref<64x128xf32, #tpu.memory_space<vmem>>) target(%dma_start3A_579 : memref<64x128xf32, #tpu.memory_space<hbm>>) target_semaphore(%arg24 : memref<!tpu.dma_semaphore, #tpu.memory_space<semaphore_mem>>)
    } else {
    }
    %not3A_221 = arith.constant true
    %not3A_222 = arith.xori %eq3A_3, %not3A_221 : i1
    %or3A_223 = arith.constant true
    %or3A_224 = arith.ori %not3A_222, %or3A_223 : i1
    %convert_element_type3A_225 = arith.extui %or3A_224 : i1 to i32
    %cond3A_226 = arith.constant 0 : i32
    %cond3A_227 = arith.cmpi ne, %convert_element_type3A_225, %cond3A_226 : i32
    scf.if %cond3A_227 {
      %add3A_571 = arith.constant 0 : i32
      %add3A_572 = arith.addi %mul3A_2, %add3A_571 : i32
      %dma_wait3A_573 = arith.constant 0 : i32
      %dma_wait3A_574 = tpu.memref_slice %arg4[%add3A_572, %dma_wait3A_573] : memref<200000x128xf32, #tpu.memory_space<hbm>> -> memref<128x128xf32, #tpu.memory_space<hbm>>
      %dma_wait3A_575 = arith.constant 0 : i32
      %dma_wait3A_576 = tpu.memref_slice %arg4[%add3A_572, %dma_wait3A_575] : memref<200000x128xf32, #tpu.memory_space<hbm>> -> memref<128x128xf32, #tpu.memory_space<hbm>>
      tpu.wait_dma2 semaphore(%arg23 : memref<!tpu.dma_semaphore, #tpu.memory_space<semaphore_mem>>) src(%arg9 : memref<128x128xf32, #tpu.memory_space<vmem>>) dst(%dma_wait3A_576 : memref<128x128xf32, #tpu.memory_space<hbm>>)
    } else {
    }
    %and3A_228 = arith.constant false
    %and3A_229 = arith.andi %eq3A_3, %and3A_228 : i1
    %convert_element_type3A_230 = arith.extui %and3A_229 : i1 to i32
    %cond3A_231 = arith.constant 0 : i32
    %cond3A_232 = arith.cmpi ne, %convert_element_type3A_230, %cond3A_231 : i32
    scf.if %cond3A_232 {
      %dma_wait3A_571 = arith.constant 0 : i32
      %dma_wait3A_572 = arith.constant 0 : i32
      %dma_wait3A_573 = tpu.memref_slice %arg9[%dma_wait3A_571, %dma_wait3A_572] : memref<128x128xf32, #tpu.memory_space<vmem>> -> memref<64x128xf32, #tpu.memory_space<vmem>>
      %dma_wait3A_574 = arith.constant 199936 : i32
      %dma_wait3A_575 = arith.constant 0 : i32
      %dma_wait3A_576 = tpu.memref_slice %arg4[%dma_wait3A_574, %dma_wait3A_575] : memref<200000x128xf32, #tpu.memory_space<hbm>> -> memref<64x128xf32, #tpu.memory_space<hbm>>
      %dma_wait3A_577 = arith.constant 199936 : i32
      %dma_wait3A_578 = arith.constant 0 : i32
      %dma_wait3A_579 = tpu.memref_slice %arg4[%dma_wait3A_577, %dma_wait3A_578] : memref<200000x128xf32, #tpu.memory_space<hbm>> -> memref<64x128xf32, #tpu.memory_space<hbm>>
      %dma_wait3A_580 = arith.constant 0 : i32
      %dma_wait3A_581 = arith.constant 0 : i32
      %dma_wait3A_582 = tpu.memref_slice %arg9[%dma_wait3A_580, %dma_wait3A_581] : memref<128x128xf32, #tpu.memory_space<vmem>> -> memref<64x128xf32, #tpu.memory_space<vmem>>
      tpu.wait_dma2 semaphore(%arg23 : memref<!tpu.dma_semaphore, #tpu.memory_space<semaphore_mem>>) src(%dma_wait3A_582 : memref<64x128xf32, #tpu.memory_space<vmem>>) dst(%dma_wait3A_579 : memref<64x128xf32, #tpu.memory_space<hbm>>)
    } else {
    }
    %dma_start3A_233 = arith.constant 0 : i32
    %dma_start3A_234 = arith.constant 0 : i32
    %dma_start3A_235 = tpu.memref_slice %arg9[%dma_start3A_233, %dma_start3A_234] : memref<128x128xf32, #tpu.memory_space<vmem>> -> memref<128x128xf32, #tpu.memory_space<vmem>>
    %dma_start3A_236 = arith.constant 1280 : i32
    %dma_start3A_237 = tpu.memref_slice %arg5[%dma_start3A_236] : memref<6272xi32, #tpu.memory_space<vmem>> -> memref<128xi32, #tpu.memory_space<vmem>>
    %dma_start3A_238 = arith.constant 0 : i32
    %dma_start3A_239 = arith.constant 0 : i32
    %dma_start3A_240 = tpu.memref_slice %arg2[%dma_start3A_238, %dma_start3A_239] : memref<100000x128xf32, #tpu.memory_space<hbm>> -> memref<100000x128xf32, #tpu.memory_space<hbm>>
    tpu.enqueue_indirect_dma source(%dma_start3A_240 : memref<100000x128xf32, #tpu.memory_space<hbm>>) target(%dma_start3A_235 : memref<128x128xf32, #tpu.memory_space<vmem>>) offsets(%dma_start3A_237 : memref<128xi32, #tpu.memory_space<vmem>>) semaphore(%arg16 : memref<!tpu.dma_semaphore, #tpu.memory_space<semaphore_mem>>)
    %dma_wait3A_241 = arith.constant 0 : i32
    %dma_wait3A_242 = arith.constant 0 : i32
    %dma_wait3A_243 = tpu.memref_slice %arg11[%dma_wait3A_241, %dma_wait3A_242] : memref<128x128xf32, #tpu.memory_space<vmem>> -> memref<128x128xf32, #tpu.memory_space<vmem>>
    %dma_wait3A_244 = arith.constant 0 : i32
    %dma_wait3A_245 = tpu.memref_slice %arg5[%dma_wait3A_244] : memref<6272xi32, #tpu.memory_space<vmem>> -> memref<128xi32, #tpu.memory_space<vmem>>
    %dma_wait3A_246 = arith.constant 0 : i32
    %dma_wait3A_247 = arith.constant 0 : i32
    %dma_wait3A_248 = tpu.memref_slice %arg2[%dma_wait3A_246, %dma_wait3A_247] : memref<100000x128xf32, #tpu.memory_space<hbm>> -> memref<100000x128xf32, #tpu.memory_space<hbm>>
    tpu.wait_indirect_dma semaphore(%arg18 : memref<!tpu.dma_semaphore, #tpu.memory_space<semaphore_mem>>) src(%dma_wait3A_248 : memref<100000x128xf32, #tpu.memory_space<hbm>>) dst(%dma_wait3A_243 : memref<128x128xf32, #tpu.memory_space<vmem>>)
    %not3A_249 = arith.constant true
    %not3A_250 = arith.xori %eq3A_3, %not3A_249 : i1
    %or3A_251 = arith.constant true
    %or3A_252 = arith.ori %not3A_250, %or3A_251 : i1
    %convert_element_type3A_253 = arith.extui %or3A_252 : i1 to i32
    %cond3A_254 = arith.constant 0 : i32
    %cond3A_255 = arith.cmpi ne, %convert_element_type3A_253, %cond3A_254 : i32
    scf.if %cond3A_255 {
      %add3A_571 = arith.constant 640 : i32
      %add3A_572 = arith.addi %mul3A_2, %add3A_571 : i32
      %dma_start3A_573 = arith.constant 0 : i32
      %dma_start3A_574 = tpu.memref_slice %arg4[%add3A_572, %dma_start3A_573] : memref<200000x128xf32, #tpu.memory_space<hbm>> -> memref<128x128xf32, #tpu.memory_space<hbm>>
      %dma_start3A_575 = arith.constant 0 : i32
      %dma_start3A_576 = tpu.memref_slice %arg4[%add3A_572, %dma_start3A_575] : memref<200000x128xf32, #tpu.memory_space<hbm>> -> memref<128x128xf32, #tpu.memory_space<hbm>>
      tpu.enqueue_dma source(%arg11 : memref<128x128xf32, #tpu.memory_space<vmem>>) target(%dma_start3A_576 : memref<128x128xf32, #tpu.memory_space<hbm>>) target_semaphore(%arg25 : memref<!tpu.dma_semaphore, #tpu.memory_space<semaphore_mem>>)
    } else {
    }
    %and3A_256 = arith.constant false
    %and3A_257 = arith.andi %eq3A_3, %and3A_256 : i1
    %convert_element_type3A_258 = arith.extui %and3A_257 : i1 to i32
    %cond3A_259 = arith.constant 0 : i32
    %cond3A_260 = arith.cmpi ne, %convert_element_type3A_258, %cond3A_259 : i32
    scf.if %cond3A_260 {
      %dma_start3A_571 = arith.constant 0 : i32
      %dma_start3A_572 = arith.constant 0 : i32
      %dma_start3A_573 = tpu.memref_slice %arg11[%dma_start3A_571, %dma_start3A_572] : memref<128x128xf32, #tpu.memory_space<vmem>> -> memref<64x128xf32, #tpu.memory_space<vmem>>
      %dma_start3A_574 = arith.constant 199936 : i32
      %dma_start3A_575 = arith.constant 0 : i32
      %dma_start3A_576 = tpu.memref_slice %arg4[%dma_start3A_574, %dma_start3A_575] : memref<200000x128xf32, #tpu.memory_space<hbm>> -> memref<64x128xf32, #tpu.memory_space<hbm>>
      %dma_start3A_577 = arith.constant 199936 : i32
      %dma_start3A_578 = arith.constant 0 : i32
      %dma_start3A_579 = tpu.memref_slice %arg4[%dma_start3A_577, %dma_start3A_578] : memref<200000x128xf32, #tpu.memory_space<hbm>> -> memref<64x128xf32, #tpu.memory_space<hbm>>
      %dma_start3A_580 = arith.constant 0 : i32
      %dma_start3A_581 = arith.constant 0 : i32
      %dma_start3A_582 = tpu.memref_slice %arg11[%dma_start3A_580, %dma_start3A_581] : memref<128x128xf32, #tpu.memory_space<vmem>> -> memref<64x128xf32, #tpu.memory_space<vmem>>
      tpu.enqueue_dma source(%dma_start3A_582 : memref<64x128xf32, #tpu.memory_space<vmem>>) target(%dma_start3A_579 : memref<64x128xf32, #tpu.memory_space<hbm>>) target_semaphore(%arg25 : memref<!tpu.dma_semaphore, #tpu.memory_space<semaphore_mem>>)
    } else {
    }
    %not3A_261 = arith.constant true
    %not3A_262 = arith.xori %eq3A_3, %not3A_261 : i1
    %or3A_263 = arith.constant true
    %or3A_264 = arith.ori %not3A_262, %or3A_263 : i1
    %convert_element_type3A_265 = arith.extui %or3A_264 : i1 to i32
    %cond3A_266 = arith.constant 0 : i32
    %cond3A_267 = arith.cmpi ne, %convert_element_type3A_265, %cond3A_266 : i32
    scf.if %cond3A_267 {
      %add3A_571 = arith.constant 0 : i32
      %add3A_572 = arith.addi %mul3A_2, %add3A_571 : i32
      %dma_wait3A_573 = arith.constant 0 : i32
      %dma_wait3A_574 = tpu.memref_slice %arg4[%add3A_572, %dma_wait3A_573] : memref<200000x128xf32, #tpu.memory_space<hbm>> -> memref<128x128xf32, #tpu.memory_space<hbm>>
      %dma_wait3A_575 = arith.constant 0 : i32
      %dma_wait3A_576 = tpu.memref_slice %arg4[%add3A_572, %dma_wait3A_575] : memref<200000x128xf32, #tpu.memory_space<hbm>> -> memref<128x128xf32, #tpu.memory_space<hbm>>
      tpu.wait_dma2 semaphore(%arg24 : memref<!tpu.dma_semaphore, #tpu.memory_space<semaphore_mem>>) src(%arg10 : memref<128x128xf32, #tpu.memory_space<vmem>>) dst(%dma_wait3A_576 : memref<128x128xf32, #tpu.memory_space<hbm>>)
    } else {
    }
    %and3A_268 = arith.constant false
    %and3A_269 = arith.andi %eq3A_3, %and3A_268 : i1
    %convert_element_type3A_270 = arith.extui %and3A_269 : i1 to i32
    %cond3A_271 = arith.constant 0 : i32
    %cond3A_272 = arith.cmpi ne, %convert_element_type3A_270, %cond3A_271 : i32
    scf.if %cond3A_272 {
      %dma_wait3A_571 = arith.constant 0 : i32
      %dma_wait3A_572 = arith.constant 0 : i32
      %dma_wait3A_573 = tpu.memref_slice %arg10[%dma_wait3A_571, %dma_wait3A_572] : memref<128x128xf32, #tpu.memory_space<vmem>> -> memref<64x128xf32, #tpu.memory_space<vmem>>
      %dma_wait3A_574 = arith.constant 199936 : i32
      %dma_wait3A_575 = arith.constant 0 : i32
      %dma_wait3A_576 = tpu.memref_slice %arg4[%dma_wait3A_574, %dma_wait3A_575] : memref<200000x128xf32, #tpu.memory_space<hbm>> -> memref<64x128xf32, #tpu.memory_space<hbm>>
      %dma_wait3A_577 = arith.constant 199936 : i32
      %dma_wait3A_578 = arith.constant 0 : i32
      %dma_wait3A_579 = tpu.memref_slice %arg4[%dma_wait3A_577, %dma_wait3A_578] : memref<200000x128xf32, #tpu.memory_space<hbm>> -> memref<64x128xf32, #tpu.memory_space<hbm>>
      %dma_wait3A_580 = arith.constant 0 : i32
      %dma_wait3A_581 = arith.constant 0 : i32
      %dma_wait3A_582 = tpu.memref_slice %arg10[%dma_wait3A_580, %dma_wait3A_581] : memref<128x128xf32, #tpu.memory_space<vmem>> -> memref<64x128xf32, #tpu.memory_space<vmem>>
      tpu.wait_dma2 semaphore(%arg24 : memref<!tpu.dma_semaphore, #tpu.memory_space<semaphore_mem>>) src(%dma_wait3A_582 : memref<64x128xf32, #tpu.memory_space<vmem>>) dst(%dma_wait3A_579 : memref<64x128xf32, #tpu.memory_space<hbm>>)
    } else {
    }
    %dma_start3A_273 = arith.constant 0 : i32
    %dma_start3A_274 = arith.constant 0 : i32
    %dma_start3A_275 = tpu.memref_slice %arg10[%dma_start3A_273, %dma_start3A_274] : memref<128x128xf32, #tpu.memory_space<vmem>> -> memref<128x128xf32, #tpu.memory_space<vmem>>
    %dma_start3A_276 = arith.constant 1408 : i32
    %dma_start3A_277 = tpu.memref_slice %arg5[%dma_start3A_276] : memref<6272xi32, #tpu.memory_space<vmem>> -> memref<128xi32, #tpu.memory_space<vmem>>
    %dma_start3A_278 = arith.constant 0 : i32
    %dma_start3A_279 = arith.constant 0 : i32
    %dma_start3A_280 = tpu.memref_slice %arg2[%dma_start3A_278, %dma_start3A_279] : memref<100000x128xf32, #tpu.memory_space<hbm>> -> memref<100000x128xf32, #tpu.memory_space<hbm>>
    tpu.enqueue_indirect_dma source(%dma_start3A_280 : memref<100000x128xf32, #tpu.memory_space<hbm>>) target(%dma_start3A_275 : memref<128x128xf32, #tpu.memory_space<vmem>>) offsets(%dma_start3A_277 : memref<128xi32, #tpu.memory_space<vmem>>) semaphore(%arg17 : memref<!tpu.dma_semaphore, #tpu.memory_space<semaphore_mem>>)
    %dma_wait3A_281 = arith.constant 0 : i32
    %dma_wait3A_282 = arith.constant 0 : i32
    %dma_wait3A_283 = tpu.memref_slice %arg12[%dma_wait3A_281, %dma_wait3A_282] : memref<128x128xf32, #tpu.memory_space<vmem>> -> memref<128x128xf32, #tpu.memory_space<vmem>>
    %dma_wait3A_284 = arith.constant 0 : i32
    %dma_wait3A_285 = tpu.memref_slice %arg5[%dma_wait3A_284] : memref<6272xi32, #tpu.memory_space<vmem>> -> memref<128xi32, #tpu.memory_space<vmem>>
    %dma_wait3A_286 = arith.constant 0 : i32
    %dma_wait3A_287 = arith.constant 0 : i32
    %dma_wait3A_288 = tpu.memref_slice %arg2[%dma_wait3A_286, %dma_wait3A_287] : memref<100000x128xf32, #tpu.memory_space<hbm>> -> memref<100000x128xf32, #tpu.memory_space<hbm>>
    tpu.wait_indirect_dma semaphore(%arg19 : memref<!tpu.dma_semaphore, #tpu.memory_space<semaphore_mem>>) src(%dma_wait3A_288 : memref<100000x128xf32, #tpu.memory_space<hbm>>) dst(%dma_wait3A_283 : memref<128x128xf32, #tpu.memory_space<vmem>>)
    %not3A_289 = arith.constant true
    %not3A_290 = arith.xori %eq3A_3, %not3A_289 : i1
    %or3A_291 = arith.constant true
    %or3A_292 = arith.ori %not3A_290, %or3A_291 : i1
    %convert_element_type3A_293 = arith.extui %or3A_292 : i1 to i32
    %cond3A_294 = arith.constant 0 : i32
    %cond3A_295 = arith.cmpi ne, %convert_element_type3A_293, %cond3A_294 : i32
    scf.if %cond3A_295 {
      %add3A_571 = arith.constant 768 : i32
      %add3A_572 = arith.addi %mul3A_2, %add3A_571 : i32
      %dma_start3A_573 = arith.constant 0 : i32
      %dma_start3A_574 = tpu.memref_slice %arg4[%add3A_572, %dma_start3A_573] : memref<200000x128xf32, #tpu.memory_space<hbm>> -> memref<128x128xf32, #tpu.memory_space<hbm>>
      %dma_start3A_575 = arith.constant 0 : i32
      %dma_start3A_576 = tpu.memref_slice %arg4[%add3A_572, %dma_start3A_575] : memref<200000x128xf32, #tpu.memory_space<hbm>> -> memref<128x128xf32, #tpu.memory_space<hbm>>
      tpu.enqueue_dma source(%arg12 : memref<128x128xf32, #tpu.memory_space<vmem>>) target(%dma_start3A_576 : memref<128x128xf32, #tpu.memory_space<hbm>>) target_semaphore(%arg26 : memref<!tpu.dma_semaphore, #tpu.memory_space<semaphore_mem>>)
    } else {
    }
    %and3A_296 = arith.constant false
    %and3A_297 = arith.andi %eq3A_3, %and3A_296 : i1
    %convert_element_type3A_298 = arith.extui %and3A_297 : i1 to i32
    %cond3A_299 = arith.constant 0 : i32
    %cond3A_300 = arith.cmpi ne, %convert_element_type3A_298, %cond3A_299 : i32
    scf.if %cond3A_300 {
      %dma_start3A_571 = arith.constant 0 : i32
      %dma_start3A_572 = arith.constant 0 : i32
      %dma_start3A_573 = tpu.memref_slice %arg12[%dma_start3A_571, %dma_start3A_572] : memref<128x128xf32, #tpu.memory_space<vmem>> -> memref<64x128xf32, #tpu.memory_space<vmem>>
      %dma_start3A_574 = arith.constant 199936 : i32
      %dma_start3A_575 = arith.constant 0 : i32
      %dma_start3A_576 = tpu.memref_slice %arg4[%dma_start3A_574, %dma_start3A_575] : memref<200000x128xf32, #tpu.memory_space<hbm>> -> memref<64x128xf32, #tpu.memory_space<hbm>>
      %dma_start3A_577 = arith.constant 199936 : i32
      %dma_start3A_578 = arith.constant 0 : i32
      %dma_start3A_579 = tpu.memref_slice %arg4[%dma_start3A_577, %dma_start3A_578] : memref<200000x128xf32, #tpu.memory_space<hbm>> -> memref<64x128xf32, #tpu.memory_space<hbm>>
      %dma_start3A_580 = arith.constant 0 : i32
      %dma_start3A_581 = arith.constant 0 : i32
      %dma_start3A_582 = tpu.memref_slice %arg12[%dma_start3A_580, %dma_start3A_581] : memref<128x128xf32, #tpu.memory_space<vmem>> -> memref<64x128xf32, #tpu.memory_space<vmem>>
      tpu.enqueue_dma source(%dma_start3A_582 : memref<64x128xf32, #tpu.memory_space<vmem>>) target(%dma_start3A_579 : memref<64x128xf32, #tpu.memory_space<hbm>>) target_semaphore(%arg26 : memref<!tpu.dma_semaphore, #tpu.memory_space<semaphore_mem>>)
    } else {
    }
    %not3A_301 = arith.constant true
    %not3A_302 = arith.xori %eq3A_3, %not3A_301 : i1
    %or3A_303 = arith.constant true
    %or3A_304 = arith.ori %not3A_302, %or3A_303 : i1
    %convert_element_type3A_305 = arith.extui %or3A_304 : i1 to i32
    %cond3A_306 = arith.constant 0 : i32
    %cond3A_307 = arith.cmpi ne, %convert_element_type3A_305, %cond3A_306 : i32
    scf.if %cond3A_307 {
      %add3A_571 = arith.constant 0 : i32
      %add3A_572 = arith.addi %mul3A_2, %add3A_571 : i32
      %dma_wait3A_573 = arith.constant 0 : i32
      %dma_wait3A_574 = tpu.memref_slice %arg4[%add3A_572, %dma_wait3A_573] : memref<200000x128xf32, #tpu.memory_space<hbm>> -> memref<128x128xf32, #tpu.memory_space<hbm>>
      %dma_wait3A_575 = arith.constant 0 : i32
      %dma_wait3A_576 = tpu.memref_slice %arg4[%add3A_572, %dma_wait3A_575] : memref<200000x128xf32, #tpu.memory_space<hbm>> -> memref<128x128xf32, #tpu.memory_space<hbm>>
      tpu.wait_dma2 semaphore(%arg25 : memref<!tpu.dma_semaphore, #tpu.memory_space<semaphore_mem>>) src(%arg11 : memref<128x128xf32, #tpu.memory_space<vmem>>) dst(%dma_wait3A_576 : memref<128x128xf32, #tpu.memory_space<hbm>>)
    } else {
    }
    %and3A_308 = arith.constant false
    %and3A_309 = arith.andi %eq3A_3, %and3A_308 : i1
    %convert_element_type3A_310 = arith.extui %and3A_309 : i1 to i32
    %cond3A_311 = arith.constant 0 : i32
    %cond3A_312 = arith.cmpi ne, %convert_element_type3A_310, %cond3A_311 : i32
    scf.if %cond3A_312 {
      %dma_wait3A_571 = arith.constant 0 : i32
      %dma_wait3A_572 = arith.constant 0 : i32
      %dma_wait3A_573 = tpu.memref_slice %arg11[%dma_wait3A_571, %dma_wait3A_572] : memref<128x128xf32, #tpu.memory_space<vmem>> -> memref<64x128xf32, #tpu.memory_space<vmem>>
      %dma_wait3A_574 = arith.constant 199936 : i32
      %dma_wait3A_575 = arith.constant 0 : i32
      %dma_wait3A_576 = tpu.memref_slice %arg4[%dma_wait3A_574, %dma_wait3A_575] : memref<200000x128xf32, #tpu.memory_space<hbm>> -> memref<64x128xf32, #tpu.memory_space<hbm>>
      %dma_wait3A_577 = arith.constant 199936 : i32
      %dma_wait3A_578 = arith.constant 0 : i32
      %dma_wait3A_579 = tpu.memref_slice %arg4[%dma_wait3A_577, %dma_wait3A_578] : memref<200000x128xf32, #tpu.memory_space<hbm>> -> memref<64x128xf32, #tpu.memory_space<hbm>>
      %dma_wait3A_580 = arith.constant 0 : i32
      %dma_wait3A_581 = arith.constant 0 : i32
      %dma_wait3A_582 = tpu.memref_slice %arg11[%dma_wait3A_580, %dma_wait3A_581] : memref<128x128xf32, #tpu.memory_space<vmem>> -> memref<64x128xf32, #tpu.memory_space<vmem>>
      tpu.wait_dma2 semaphore(%arg25 : memref<!tpu.dma_semaphore, #tpu.memory_space<semaphore_mem>>) src(%dma_wait3A_582 : memref<64x128xf32, #tpu.memory_space<vmem>>) dst(%dma_wait3A_579 : memref<64x128xf32, #tpu.memory_space<hbm>>)
    } else {
    }
    %dma_start3A_313 = arith.constant 0 : i32
    %dma_start3A_314 = arith.constant 0 : i32
    %dma_start3A_315 = tpu.memref_slice %arg11[%dma_start3A_313, %dma_start3A_314] : memref<128x128xf32, #tpu.memory_space<vmem>> -> memref<128x128xf32, #tpu.memory_space<vmem>>
    %dma_start3A_316 = arith.constant 1536 : i32
    %dma_start3A_317 = tpu.memref_slice %arg5[%dma_start3A_316] : memref<6272xi32, #tpu.memory_space<vmem>> -> memref<128xi32, #tpu.memory_space<vmem>>
    %dma_start3A_318 = arith.constant 0 : i32
    %dma_start3A_319 = arith.constant 0 : i32
    %dma_start3A_320 = tpu.memref_slice %arg2[%dma_start3A_318, %dma_start3A_319] : memref<100000x128xf32, #tpu.memory_space<hbm>> -> memref<100000x128xf32, #tpu.memory_space<hbm>>
    tpu.enqueue_indirect_dma source(%dma_start3A_320 : memref<100000x128xf32, #tpu.memory_space<hbm>>) target(%dma_start3A_315 : memref<128x128xf32, #tpu.memory_space<vmem>>) offsets(%dma_start3A_317 : memref<128xi32, #tpu.memory_space<vmem>>) semaphore(%arg18 : memref<!tpu.dma_semaphore, #tpu.memory_space<semaphore_mem>>)
    %scan3A = arith.constant 0 : i32
    %scan3A_321 = arith.constant 0 : i32
    %scan3A_322 = arith.constant 5 : i32
    %scan3A_323 = arith.addi %scan3A_321, %scan3A_322 : i32
    %scan3A_324 = arith.constant 1 : i32
    %scan3A_325 = scf.for %scan3A_571 = %scan3A_321 to %scan3A_323 step %scan3A_324 iter_args(%scan3A_572 = %scan3A) -> (i32)  : i32 {
      %mul3A_573 = arith.constant 7 : i32
      %mul3A_574 = arith.muli %scan3A_571, %mul3A_573 : i32
      %add3A_575 = arith.constant 7 : i32
      %add3A_576 = arith.addi %add3A_575, %mul3A_574 : i32
      %add3A_577 = arith.constant 0 : i32
      %add3A_578 = arith.addi %add3A_576, %add3A_577 : i32
      %dma_wait3A_579 = arith.constant 0 : i32
      %dma_wait3A_580 = arith.constant 0 : i32
      %dma_wait3A_581 = tpu.memref_slice %arg6[%dma_wait3A_579, %dma_wait3A_580] : memref<128x128xf32, #tpu.memory_space<vmem>> -> memref<128x128xf32, #tpu.memory_space<vmem>>
      %dma_wait3A_582 = arith.constant 0 : i32
      %dma_wait3A_583 = tpu.memref_slice %arg5[%dma_wait3A_582] : memref<6272xi32, #tpu.memory_space<vmem>> -> memref<128xi32, #tpu.memory_space<vmem>>
      %dma_wait3A_584 = arith.constant 0 : i32
      %dma_wait3A_585 = arith.constant 0 : i32
      %dma_wait3A_586 = tpu.memref_slice %arg2[%dma_wait3A_584, %dma_wait3A_585] : memref<100000x128xf32, #tpu.memory_space<hbm>> -> memref<100000x128xf32, #tpu.memory_space<hbm>>
      tpu.wait_indirect_dma semaphore(%arg13 : memref<!tpu.dma_semaphore, #tpu.memory_space<semaphore_mem>>) src(%dma_wait3A_586 : memref<100000x128xf32, #tpu.memory_space<hbm>>) dst(%dma_wait3A_581 : memref<128x128xf32, #tpu.memory_space<vmem>>)
      %not3A_587 = arith.constant true
      %not3A_588 = arith.xori %eq3A_3, %not3A_587 : i1
      %lt3A = arith.constant 43 : i32
      %lt3A_589 = arith.cmpi slt, %add3A_578, %lt3A : i32
      %or3A_590 = arith.ori %not3A_588, %lt3A_589 : i1
      %convert_element_type3A_591 = arith.extui %or3A_590 : i1 to i32
      %cond3A_592 = arith.constant 0 : i32
      %cond3A_593 = arith.cmpi ne, %convert_element_type3A_591, %cond3A_592 : i32
      scf.if %cond3A_593 {
        %mul3A_975 = arith.constant 128 : i32
        %mul3A_976 = arith.muli %add3A_578, %mul3A_975 : i32
        %add3A_977 = arith.addi %mul3A_2, %mul3A_976 : i32
        %dma_start3A_978 = arith.constant 0 : i32
        %dma_start3A_979 = tpu.memref_slice %arg4[%add3A_977, %dma_start3A_978] : memref<200000x128xf32, #tpu.memory_space<hbm>> -> memref<128x128xf32, #tpu.memory_space<hbm>>
        %dma_start3A_980 = arith.constant 0 : i32
        %dma_start3A_981 = tpu.memref_slice %arg4[%add3A_977, %dma_start3A_980] : memref<200000x128xf32, #tpu.memory_space<hbm>> -> memref<128x128xf32, #tpu.memory_space<hbm>>
        tpu.enqueue_dma source(%arg6 : memref<128x128xf32, #tpu.memory_space<vmem>>) target(%dma_start3A_981 : memref<128x128xf32, #tpu.memory_space<hbm>>) target_semaphore(%arg20 : memref<!tpu.dma_semaphore, #tpu.memory_space<semaphore_mem>>)
      } else {
      }
      %eq3A_594 = arith.constant 43 : i32
      %eq3A_595 = arith.cmpi eq, %add3A_578, %eq3A_594 : i32
      %and3A_596 = arith.andi %eq3A_3, %eq3A_595 : i1
      %convert_element_type3A_597 = arith.extui %and3A_596 : i1 to i32
      %cond3A_598 = arith.constant 0 : i32
      %cond3A_599 = arith.cmpi ne, %convert_element_type3A_597, %cond3A_598 : i32
      scf.if %cond3A_599 {
        %dma_start3A_975 = arith.constant 0 : i32
        %dma_start3A_976 = arith.constant 0 : i32
        %dma_start3A_977 = tpu.memref_slice %arg6[%dma_start3A_975, %dma_start3A_976] : memref<128x128xf32, #tpu.memory_space<vmem>> -> memref<64x128xf32, #tpu.memory_space<vmem>>
        %dma_start3A_978 = arith.constant 199936 : i32
        %dma_start3A_979 = arith.constant 0 : i32
        %dma_start3A_980 = tpu.memref_slice %arg4[%dma_start3A_978, %dma_start3A_979] : memref<200000x128xf32, #tpu.memory_space<hbm>> -> memref<64x128xf32, #tpu.memory_space<hbm>>
        %dma_start3A_981 = arith.constant 199936 : i32
        %dma_start3A_982 = arith.constant 0 : i32
        %dma_start3A_983 = tpu.memref_slice %arg4[%dma_start3A_981, %dma_start3A_982] : memref<200000x128xf32, #tpu.memory_space<hbm>> -> memref<64x128xf32, #tpu.memory_space<hbm>>
        %dma_start3A_984 = arith.constant 0 : i32
        %dma_start3A_985 = arith.constant 0 : i32
        %dma_start3A_986 = tpu.memref_slice %arg6[%dma_start3A_984, %dma_start3A_985] : memref<128x128xf32, #tpu.memory_space<vmem>> -> memref<64x128xf32, #tpu.memory_space<vmem>>
        tpu.enqueue_dma source(%dma_start3A_986 : memref<64x128xf32, #tpu.memory_space<vmem>>) target(%dma_start3A_983 : memref<64x128xf32, #tpu.memory_space<hbm>>) target_semaphore(%arg20 : memref<!tpu.dma_semaphore, #tpu.memory_space<semaphore_mem>>)
      } else {
      }
      %sub3A = arith.constant 1 : i32
      %sub3A_600 = arith.subi %add3A_578, %sub3A : i32
      %not3A_601 = arith.constant true
      %not3A_602 = arith.xori %eq3A_3, %not3A_601 : i1
      %lt3A_603 = arith.constant 43 : i32
      %lt3A_604 = arith.cmpi slt, %sub3A_600, %lt3A_603 : i32
      %or3A_605 = arith.ori %not3A_602, %lt3A_604 : i1
      %convert_element_type3A_606 = arith.extui %or3A_605 : i1 to i32
      %cond3A_607 = arith.constant 0 : i32
      %cond3A_608 = arith.cmpi ne, %convert_element_type3A_606, %cond3A_607 : i32
      scf.if %cond3A_608 {
        %add3A_975 = arith.constant 0 : i32
        %add3A_976 = arith.addi %mul3A_2, %add3A_975 : i32
        %dma_wait3A_977 = arith.constant 0 : i32
        %dma_wait3A_978 = tpu.memref_slice %arg4[%add3A_976, %dma_wait3A_977] : memref<200000x128xf32, #tpu.memory_space<hbm>> -> memref<128x128xf32, #tpu.memory_space<hbm>>
        %dma_wait3A_979 = arith.constant 0 : i32
        %dma_wait3A_980 = tpu.memref_slice %arg4[%add3A_976, %dma_wait3A_979] : memref<200000x128xf32, #tpu.memory_space<hbm>> -> memref<128x128xf32, #tpu.memory_space<hbm>>
        tpu.wait_dma2 semaphore(%arg26 : memref<!tpu.dma_semaphore, #tpu.memory_space<semaphore_mem>>) src(%arg12 : memref<128x128xf32, #tpu.memory_space<vmem>>) dst(%dma_wait3A_980 : memref<128x128xf32, #tpu.memory_space<hbm>>)
      } else {
      }
      %eq3A_609 = arith.constant 43 : i32
      %eq3A_610 = arith.cmpi eq, %sub3A_600, %eq3A_609 : i32
      %and3A_611 = arith.andi %eq3A_3, %eq3A_610 : i1
      %convert_element_type3A_612 = arith.extui %and3A_611 : i1 to i32
      %cond3A_613 = arith.constant 0 : i32
      %cond3A_614 = arith.cmpi ne, %convert_element_type3A_612, %cond3A_613 : i32
      scf.if %cond3A_614 {
        %dma_wait3A_975 = arith.constant 0 : i32
        %dma_wait3A_976 = arith.constant 0 : i32
        %dma_wait3A_977 = tpu.memref_slice %arg12[%dma_wait3A_975, %dma_wait3A_976] : memref<128x128xf32, #tpu.memory_space<vmem>> -> memref<64x128xf32, #tpu.memory_space<vmem>>
        %dma_wait3A_978 = arith.constant 199936 : i32
        %dma_wait3A_979 = arith.constant 0 : i32
        %dma_wait3A_980 = tpu.memref_slice %arg4[%dma_wait3A_978, %dma_wait3A_979] : memref<200000x128xf32, #tpu.memory_space<hbm>> -> memref<64x128xf32, #tpu.memory_space<hbm>>
        %dma_wait3A_981 = arith.constant 199936 : i32
        %dma_wait3A_982 = arith.constant 0 : i32
        %dma_wait3A_983 = tpu.memref_slice %arg4[%dma_wait3A_981, %dma_wait3A_982] : memref<200000x128xf32, #tpu.memory_space<hbm>> -> memref<64x128xf32, #tpu.memory_space<hbm>>
        %dma_wait3A_984 = arith.constant 0 : i32
        %dma_wait3A_985 = arith.constant 0 : i32
        %dma_wait3A_986 = tpu.memref_slice %arg12[%dma_wait3A_984, %dma_wait3A_985] : memref<128x128xf32, #tpu.memory_space<vmem>> -> memref<64x128xf32, #tpu.memory_space<vmem>>
        tpu.wait_dma2 semaphore(%arg26 : memref<!tpu.dma_semaphore, #tpu.memory_space<semaphore_mem>>) src(%dma_wait3A_986 : memref<64x128xf32, #tpu.memory_space<vmem>>) dst(%dma_wait3A_983 : memref<64x128xf32, #tpu.memory_space<hbm>>)
      } else {
      }
      %add3A_615 = arith.constant 7 : i32
      %add3A_616 = arith.addi %add3A_578, %add3A_615 : i32
      %sub3A_617 = arith.constant 1 : i32
      %sub3A_618 = arith.subi %add3A_616, %sub3A_617 : i32
      %mul3A_619 = arith.constant 1 : i32
      %mul3A_620 = arith.muli %mul3A_619, %sub3A_618 : i32
      %add3A_621 = arith.constant 0 : i32
      %add3A_622 = arith.addi %mul3A_620, %add3A_621 : i32
      %mul3A_623 = arith.constant 128 : i32
      %mul3A_624 = arith.muli %add3A_622, %mul3A_623 : i32
      %dma_start3A_625 = arith.constant 0 : i32
      %dma_start3A_626 = arith.constant 0 : i32
      %dma_start3A_627 = tpu.memref_slice %arg12[%dma_start3A_625, %dma_start3A_626] : memref<128x128xf32, #tpu.memory_space<vmem>> -> memref<128x128xf32, #tpu.memory_space<vmem>>
      %dma_start3A_628 = tpu.memref_slice %arg5[%mul3A_624] : memref<6272xi32, #tpu.memory_space<vmem>> -> memref<128xi32, #tpu.memory_space<vmem>>
      %dma_start3A_629 = arith.constant 0 : i32
      %dma_start3A_630 = arith.constant 0 : i32
      %dma_start3A_631 = tpu.memref_slice %arg2[%dma_start3A_629, %dma_start3A_630] : memref<100000x128xf32, #tpu.memory_space<hbm>> -> memref<100000x128xf32, #tpu.memory_space<hbm>>
      tpu.enqueue_indirect_dma source(%dma_start3A_631 : memref<100000x128xf32, #tpu.memory_space<hbm>>) target(%dma_start3A_627 : memref<128x128xf32, #tpu.memory_space<vmem>>) offsets(%dma_start3A_628 : memref<128xi32, #tpu.memory_space<vmem>>) semaphore(%arg19 : memref<!tpu.dma_semaphore, #tpu.memory_space<semaphore_mem>>)
      %add3A_632 = arith.constant 1 : i32
      %add3A_633 = arith.addi %add3A_576, %add3A_632 : i32
      %dma_wait3A_634 = arith.constant 0 : i32
      %dma_wait3A_635 = arith.constant 0 : i32
      %dma_wait3A_636 = tpu.memref_slice %arg7[%dma_wait3A_634, %dma_wait3A_635] : memref<128x128xf32, #tpu.memory_space<vmem>> -> memref<128x128xf32, #tpu.memory_space<vmem>>
      %dma_wait3A_637 = arith.constant 0 : i32
      %dma_wait3A_638 = tpu.memref_slice %arg5[%dma_wait3A_637] : memref<6272xi32, #tpu.memory_space<vmem>> -> memref<128xi32, #tpu.memory_space<vmem>>
      %dma_wait3A_639 = arith.constant 0 : i32
      %dma_wait3A_640 = arith.constant 0 : i32
      %dma_wait3A_641 = tpu.memref_slice %arg2[%dma_wait3A_639, %dma_wait3A_640] : memref<100000x128xf32, #tpu.memory_space<hbm>> -> memref<100000x128xf32, #tpu.memory_space<hbm>>
      tpu.wait_indirect_dma semaphore(%arg14 : memref<!tpu.dma_semaphore, #tpu.memory_space<semaphore_mem>>) src(%dma_wait3A_641 : memref<100000x128xf32, #tpu.memory_space<hbm>>) dst(%dma_wait3A_636 : memref<128x128xf32, #tpu.memory_space<vmem>>)
      %not3A_642 = arith.constant true
      %not3A_643 = arith.xori %eq3A_3, %not3A_642 : i1
      %lt3A_644 = arith.constant 43 : i32
      %lt3A_645 = arith.cmpi slt, %add3A_633, %lt3A_644 : i32
      %or3A_646 = arith.ori %not3A_643, %lt3A_645 : i1
      %convert_element_type3A_647 = arith.extui %or3A_646 : i1 to i32
      %cond3A_648 = arith.constant 0 : i32
      %cond3A_649 = arith.cmpi ne, %convert_element_type3A_647, %cond3A_648 : i32
      scf.if %cond3A_649 {
        %mul3A_975 = arith.constant 128 : i32
        %mul3A_976 = arith.muli %add3A_633, %mul3A_975 : i32
        %add3A_977 = arith.addi %mul3A_2, %mul3A_976 : i32
        %dma_start3A_978 = arith.constant 0 : i32
        %dma_start3A_979 = tpu.memref_slice %arg4[%add3A_977, %dma_start3A_978] : memref<200000x128xf32, #tpu.memory_space<hbm>> -> memref<128x128xf32, #tpu.memory_space<hbm>>
        %dma_start3A_980 = arith.constant 0 : i32
        %dma_start3A_981 = tpu.memref_slice %arg4[%add3A_977, %dma_start3A_980] : memref<200000x128xf32, #tpu.memory_space<hbm>> -> memref<128x128xf32, #tpu.memory_space<hbm>>
        tpu.enqueue_dma source(%arg7 : memref<128x128xf32, #tpu.memory_space<vmem>>) target(%dma_start3A_981 : memref<128x128xf32, #tpu.memory_space<hbm>>) target_semaphore(%arg21 : memref<!tpu.dma_semaphore, #tpu.memory_space<semaphore_mem>>)
      } else {
      }
      %eq3A_650 = arith.constant 43 : i32
      %eq3A_651 = arith.cmpi eq, %add3A_633, %eq3A_650 : i32
      %and3A_652 = arith.andi %eq3A_3, %eq3A_651 : i1
      %convert_element_type3A_653 = arith.extui %and3A_652 : i1 to i32
      %cond3A_654 = arith.constant 0 : i32
      %cond3A_655 = arith.cmpi ne, %convert_element_type3A_653, %cond3A_654 : i32
      scf.if %cond3A_655 {
        %dma_start3A_975 = arith.constant 0 : i32
        %dma_start3A_976 = arith.constant 0 : i32
        %dma_start3A_977 = tpu.memref_slice %arg7[%dma_start3A_975, %dma_start3A_976] : memref<128x128xf32, #tpu.memory_space<vmem>> -> memref<64x128xf32, #tpu.memory_space<vmem>>
        %dma_start3A_978 = arith.constant 199936 : i32
        %dma_start3A_979 = arith.constant 0 : i32
        %dma_start3A_980 = tpu.memref_slice %arg4[%dma_start3A_978, %dma_start3A_979] : memref<200000x128xf32, #tpu.memory_space<hbm>> -> memref<64x128xf32, #tpu.memory_space<hbm>>
        %dma_start3A_981 = arith.constant 199936 : i32
        %dma_start3A_982 = arith.constant 0 : i32
        %dma_start3A_983 = tpu.memref_slice %arg4[%dma_start3A_981, %dma_start3A_982] : memref<200000x128xf32, #tpu.memory_space<hbm>> -> memref<64x128xf32, #tpu.memory_space<hbm>>
        %dma_start3A_984 = arith.constant 0 : i32
        %dma_start3A_985 = arith.constant 0 : i32
        %dma_start3A_986 = tpu.memref_slice %arg7[%dma_start3A_984, %dma_start3A_985] : memref<128x128xf32, #tpu.memory_space<vmem>> -> memref<64x128xf32, #tpu.memory_space<vmem>>
        tpu.enqueue_dma source(%dma_start3A_986 : memref<64x128xf32, #tpu.memory_space<vmem>>) target(%dma_start3A_983 : memref<64x128xf32, #tpu.memory_space<hbm>>) target_semaphore(%arg21 : memref<!tpu.dma_semaphore, #tpu.memory_space<semaphore_mem>>)
      } else {
      }
      %sub3A_656 = arith.constant 1 : i32
      %sub3A_657 = arith.subi %add3A_633, %sub3A_656 : i32
      %not3A_658 = arith.constant true
      %not3A_659 = arith.xori %eq3A_3, %not3A_658 : i1
      %lt3A_660 = arith.constant 43 : i32
      %lt3A_661 = arith.cmpi slt, %sub3A_657, %lt3A_660 : i32
      %or3A_662 = arith.ori %not3A_659, %lt3A_661 : i1
      %convert_element_type3A_663 = arith.extui %or3A_662 : i1 to i32
      %cond3A_664 = arith.constant 0 : i32
      %cond3A_665 = arith.cmpi ne, %convert_element_type3A_663, %cond3A_664 : i32
      scf.if %cond3A_665 {
        %add3A_975 = arith.constant 0 : i32
        %add3A_976 = arith.addi %mul3A_2, %add3A_975 : i32
        %dma_wait3A_977 = arith.constant 0 : i32
        %dma_wait3A_978 = tpu.memref_slice %arg4[%add3A_976, %dma_wait3A_977] : memref<200000x128xf32, #tpu.memory_space<hbm>> -> memref<128x128xf32, #tpu.memory_space<hbm>>
        %dma_wait3A_979 = arith.constant 0 : i32
        %dma_wait3A_980 = tpu.memref_slice %arg4[%add3A_976, %dma_wait3A_979] : memref<200000x128xf32, #tpu.memory_space<hbm>> -> memref<128x128xf32, #tpu.memory_space<hbm>>
        tpu.wait_dma2 semaphore(%arg20 : memref<!tpu.dma_semaphore, #tpu.memory_space<semaphore_mem>>) src(%arg6 : memref<128x128xf32, #tpu.memory_space<vmem>>) dst(%dma_wait3A_980 : memref<128x128xf32, #tpu.memory_space<hbm>>)
      } else {
      }
      %eq3A_666 = arith.constant 43 : i32
      %eq3A_667 = arith.cmpi eq, %sub3A_657, %eq3A_666 : i32
      %and3A_668 = arith.andi %eq3A_3, %eq3A_667 : i1
      %convert_element_type3A_669 = arith.extui %and3A_668 : i1 to i32
      %cond3A_670 = arith.constant 0 : i32
      %cond3A_671 = arith.cmpi ne, %convert_element_type3A_669, %cond3A_670 : i32
      scf.if %cond3A_671 {
        %dma_wait3A_975 = arith.constant 0 : i32
        %dma_wait3A_976 = arith.constant 0 : i32
        %dma_wait3A_977 = tpu.memref_slice %arg6[%dma_wait3A_975, %dma_wait3A_976] : memref<128x128xf32, #tpu.memory_space<vmem>> -> memref<64x128xf32, #tpu.memory_space<vmem>>
        %dma_wait3A_978 = arith.constant 199936 : i32
        %dma_wait3A_979 = arith.constant 0 : i32
        %dma_wait3A_980 = tpu.memref_slice %arg4[%dma_wait3A_978, %dma_wait3A_979] : memref<200000x128xf32, #tpu.memory_space<hbm>> -> memref<64x128xf32, #tpu.memory_space<hbm>>
        %dma_wait3A_981 = arith.constant 199936 : i32
        %dma_wait3A_982 = arith.constant 0 : i32
        %dma_wait3A_983 = tpu.memref_slice %arg4[%dma_wait3A_981, %dma_wait3A_982] : memref<200000x128xf32, #tpu.memory_space<hbm>> -> memref<64x128xf32, #tpu.memory_space<hbm>>
        %dma_wait3A_984 = arith.constant 0 : i32
        %dma_wait3A_985 = arith.constant 0 : i32
        %dma_wait3A_986 = tpu.memref_slice %arg6[%dma_wait3A_984, %dma_wait3A_985] : memref<128x128xf32, #tpu.memory_space<vmem>> -> memref<64x128xf32, #tpu.memory_space<vmem>>
        tpu.wait_dma2 semaphore(%arg20 : memref<!tpu.dma_semaphore, #tpu.memory_space<semaphore_mem>>) src(%dma_wait3A_986 : memref<64x128xf32, #tpu.memory_space<vmem>>) dst(%dma_wait3A_983 : memref<64x128xf32, #tpu.memory_space<hbm>>)
      } else {
      }
      %add3A_672 = arith.constant 7 : i32
      %add3A_673 = arith.addi %add3A_633, %add3A_672 : i32
      %sub3A_674 = arith.constant 1 : i32
      %sub3A_675 = arith.subi %add3A_673, %sub3A_674 : i32
      %mul3A_676 = arith.constant 1 : i32
      %mul3A_677 = arith.muli %mul3A_676, %sub3A_675 : i32
      %add3A_678 = arith.constant 0 : i32
      %add3A_679 = arith.addi %mul3A_677, %add3A_678 : i32
      %mul3A_680 = arith.constant 128 : i32
      %mul3A_681 = arith.muli %add3A_679, %mul3A_680 : i32
      %dma_start3A_682 = arith.constant 0 : i32
      %dma_start3A_683 = arith.constant 0 : i32
      %dma_start3A_684 = tpu.memref_slice %arg6[%dma_start3A_682, %dma_start3A_683] : memref<128x128xf32, #tpu.memory_space<vmem>> -> memref<128x128xf32, #tpu.memory_space<vmem>>
      %dma_start3A_685 = tpu.memref_slice %arg5[%mul3A_681] : memref<6272xi32, #tpu.memory_space<vmem>> -> memref<128xi32, #tpu.memory_space<vmem>>
      %dma_start3A_686 = arith.constant 0 : i32
      %dma_start3A_687 = arith.constant 0 : i32
      %dma_start3A_688 = tpu.memref_slice %arg2[%dma_start3A_686, %dma_start3A_687] : memref<100000x128xf32, #tpu.memory_space<hbm>> -> memref<100000x128xf32, #tpu.memory_space<hbm>>
      tpu.enqueue_indirect_dma source(%dma_start3A_688 : memref<100000x128xf32, #tpu.memory_space<hbm>>) target(%dma_start3A_684 : memref<128x128xf32, #tpu.memory_space<vmem>>) offsets(%dma_start3A_685 : memref<128xi32, #tpu.memory_space<vmem>>) semaphore(%arg13 : memref<!tpu.dma_semaphore, #tpu.memory_space<semaphore_mem>>)
      %add3A_689 = arith.constant 2 : i32
      %add3A_690 = arith.addi %add3A_576, %add3A_689 : i32
      %dma_wait3A_691 = arith.constant 0 : i32
      %dma_wait3A_692 = arith.constant 0 : i32
      %dma_wait3A_693 = tpu.memref_slice %arg8[%dma_wait3A_691, %dma_wait3A_692] : memref<128x128xf32, #tpu.memory_space<vmem>> -> memref<128x128xf32, #tpu.memory_space<vmem>>
      %dma_wait3A_694 = arith.constant 0 : i32
      %dma_wait3A_695 = tpu.memref_slice %arg5[%dma_wait3A_694] : memref<6272xi32, #tpu.memory_space<vmem>> -> memref<128xi32, #tpu.memory_space<vmem>>
      %dma_wait3A_696 = arith.constant 0 : i32
      %dma_wait3A_697 = arith.constant 0 : i32
      %dma_wait3A_698 = tpu.memref_slice %arg2[%dma_wait3A_696, %dma_wait3A_697] : memref<100000x128xf32, #tpu.memory_space<hbm>> -> memref<100000x128xf32, #tpu.memory_space<hbm>>
      tpu.wait_indirect_dma semaphore(%arg15 : memref<!tpu.dma_semaphore, #tpu.memory_space<semaphore_mem>>) src(%dma_wait3A_698 : memref<100000x128xf32, #tpu.memory_space<hbm>>) dst(%dma_wait3A_693 : memref<128x128xf32, #tpu.memory_space<vmem>>)
      %not3A_699 = arith.constant true
      %not3A_700 = arith.xori %eq3A_3, %not3A_699 : i1
      %lt3A_701 = arith.constant 43 : i32
      %lt3A_702 = arith.cmpi slt, %add3A_690, %lt3A_701 : i32
      %or3A_703 = arith.ori %not3A_700, %lt3A_702 : i1
      %convert_element_type3A_704 = arith.extui %or3A_703 : i1 to i32
      %cond3A_705 = arith.constant 0 : i32
      %cond3A_706 = arith.cmpi ne, %convert_element_type3A_704, %cond3A_705 : i32
      scf.if %cond3A_706 {
        %mul3A_975 = arith.constant 128 : i32
        %mul3A_976 = arith.muli %add3A_690, %mul3A_975 : i32
        %add3A_977 = arith.addi %mul3A_2, %mul3A_976 : i32
        %dma_start3A_978 = arith.constant 0 : i32
        %dma_start3A_979 = tpu.memref_slice %arg4[%add3A_977, %dma_start3A_978] : memref<200000x128xf32, #tpu.memory_space<hbm>> -> memref<128x128xf32, #tpu.memory_space<hbm>>
        %dma_start3A_980 = arith.constant 0 : i32
        %dma_start3A_981 = tpu.memref_slice %arg4[%add3A_977, %dma_start3A_980] : memref<200000x128xf32, #tpu.memory_space<hbm>> -> memref<128x128xf32, #tpu.memory_space<hbm>>
        tpu.enqueue_dma source(%arg8 : memref<128x128xf32, #tpu.memory_space<vmem>>) target(%dma_start3A_981 : memref<128x128xf32, #tpu.memory_space<hbm>>) target_semaphore(%arg22 : memref<!tpu.dma_semaphore, #tpu.memory_space<semaphore_mem>>)
      } else {
      }
      %eq3A_707 = arith.constant 43 : i32
      %eq3A_708 = arith.cmpi eq, %add3A_690, %eq3A_707 : i32
      %and3A_709 = arith.andi %eq3A_3, %eq3A_708 : i1
      %convert_element_type3A_710 = arith.extui %and3A_709 : i1 to i32
      %cond3A_711 = arith.constant 0 : i32
      %cond3A_712 = arith.cmpi ne, %convert_element_type3A_710, %cond3A_711 : i32
      scf.if %cond3A_712 {
        %dma_start3A_975 = arith.constant 0 : i32
        %dma_start3A_976 = arith.constant 0 : i32
        %dma_start3A_977 = tpu.memref_slice %arg8[%dma_start3A_975, %dma_start3A_976] : memref<128x128xf32, #tpu.memory_space<vmem>> -> memref<64x128xf32, #tpu.memory_space<vmem>>
        %dma_start3A_978 = arith.constant 199936 : i32
        %dma_start3A_979 = arith.constant 0 : i32
        %dma_start3A_980 = tpu.memref_slice %arg4[%dma_start3A_978, %dma_start3A_979] : memref<200000x128xf32, #tpu.memory_space<hbm>> -> memref<64x128xf32, #tpu.memory_space<hbm>>
        %dma_start3A_981 = arith.constant 199936 : i32
        %dma_start3A_982 = arith.constant 0 : i32
        %dma_start3A_983 = tpu.memref_slice %arg4[%dma_start3A_981, %dma_start3A_982] : memref<200000x128xf32, #tpu.memory_space<hbm>> -> memref<64x128xf32, #tpu.memory_space<hbm>>
        %dma_start3A_984 = arith.constant 0 : i32
        %dma_start3A_985 = arith.constant 0 : i32
        %dma_start3A_986 = tpu.memref_slice %arg8[%dma_start3A_984, %dma_start3A_985] : memref<128x128xf32, #tpu.memory_space<vmem>> -> memref<64x128xf32, #tpu.memory_space<vmem>>
        tpu.enqueue_dma source(%dma_start3A_986 : memref<64x128xf32, #tpu.memory_space<vmem>>) target(%dma_start3A_983 : memref<64x128xf32, #tpu.memory_space<hbm>>) target_semaphore(%arg22 : memref<!tpu.dma_semaphore, #tpu.memory_space<semaphore_mem>>)
      } else {
      }
      %sub3A_713 = arith.constant 1 : i32
      %sub3A_714 = arith.subi %add3A_690, %sub3A_713 : i32
      %not3A_715 = arith.constant true
      %not3A_716 = arith.xori %eq3A_3, %not3A_715 : i1
      %lt3A_717 = arith.constant 43 : i32
      %lt3A_718 = arith.cmpi slt, %sub3A_714, %lt3A_717 : i32
      %or3A_719 = arith.ori %not3A_716, %lt3A_718 : i1
      %convert_element_type3A_720 = arith.extui %or3A_719 : i1 to i32
      %cond3A_721 = arith.constant 0 : i32
      %cond3A_722 = arith.cmpi ne, %convert_element_type3A_720, %cond3A_721 : i32
      scf.if %cond3A_722 {
        %add3A_975 = arith.constant 0 : i32
        %add3A_976 = arith.addi %mul3A_2, %add3A_975 : i32
        %dma_wait3A_977 = arith.constant 0 : i32
        %dma_wait3A_978 = tpu.memref_slice %arg4[%add3A_976, %dma_wait3A_977] : memref<200000x128xf32, #tpu.memory_space<hbm>> -> memref<128x128xf32, #tpu.memory_space<hbm>>
        %dma_wait3A_979 = arith.constant 0 : i32
        %dma_wait3A_980 = tpu.memref_slice %arg4[%add3A_976, %dma_wait3A_979] : memref<200000x128xf32, #tpu.memory_space<hbm>> -> memref<128x128xf32, #tpu.memory_space<hbm>>
        tpu.wait_dma2 semaphore(%arg21 : memref<!tpu.dma_semaphore, #tpu.memory_space<semaphore_mem>>) src(%arg7 : memref<128x128xf32, #tpu.memory_space<vmem>>) dst(%dma_wait3A_980 : memref<128x128xf32, #tpu.memory_space<hbm>>)
      } else {
      }
      %eq3A_723 = arith.constant 43 : i32
      %eq3A_724 = arith.cmpi eq, %sub3A_714, %eq3A_723 : i32
      %and3A_725 = arith.andi %eq3A_3, %eq3A_724 : i1
      %convert_element_type3A_726 = arith.extui %and3A_725 : i1 to i32
      %cond3A_727 = arith.constant 0 : i32
      %cond3A_728 = arith.cmpi ne, %convert_element_type3A_726, %cond3A_727 : i32
      scf.if %cond3A_728 {
        %dma_wait3A_975 = arith.constant 0 : i32
        %dma_wait3A_976 = arith.constant 0 : i32
        %dma_wait3A_977 = tpu.memref_slice %arg7[%dma_wait3A_975, %dma_wait3A_976] : memref<128x128xf32, #tpu.memory_space<vmem>> -> memref<64x128xf32, #tpu.memory_space<vmem>>
        %dma_wait3A_978 = arith.constant 199936 : i32
        %dma_wait3A_979 = arith.constant 0 : i32
        %dma_wait3A_980 = tpu.memref_slice %arg4[%dma_wait3A_978, %dma_wait3A_979] : memref<200000x128xf32, #tpu.memory_space<hbm>> -> memref<64x128xf32, #tpu.memory_space<hbm>>
        %dma_wait3A_981 = arith.constant 199936 : i32
        %dma_wait3A_982 = arith.constant 0 : i32
        %dma_wait3A_983 = tpu.memref_slice %arg4[%dma_wait3A_981, %dma_wait3A_982] : memref<200000x128xf32, #tpu.memory_space<hbm>> -> memref<64x128xf32, #tpu.memory_space<hbm>>
        %dma_wait3A_984 = arith.constant 0 : i32
        %dma_wait3A_985 = arith.constant 0 : i32
        %dma_wait3A_986 = tpu.memref_slice %arg7[%dma_wait3A_984, %dma_wait3A_985] : memref<128x128xf32, #tpu.memory_space<vmem>> -> memref<64x128xf32, #tpu.memory_space<vmem>>
        tpu.wait_dma2 semaphore(%arg21 : memref<!tpu.dma_semaphore, #tpu.memory_space<semaphore_mem>>) src(%dma_wait3A_986 : memref<64x128xf32, #tpu.memory_space<vmem>>) dst(%dma_wait3A_983 : memref<64x128xf32, #tpu.memory_space<hbm>>)
      } else {
      }
      %add3A_729 = arith.constant 7 : i32
      %add3A_730 = arith.addi %add3A_690, %add3A_729 : i32
      %sub3A_731 = arith.constant 1 : i32
      %sub3A_732 = arith.subi %add3A_730, %sub3A_731 : i32
      %mul3A_733 = arith.constant 1 : i32
      %mul3A_734 = arith.muli %mul3A_733, %sub3A_732 : i32
      %add3A_735 = arith.constant 0 : i32
      %add3A_736 = arith.addi %mul3A_734, %add3A_735 : i32
      %mul3A_737 = arith.constant 128 : i32
      %mul3A_738 = arith.muli %add3A_736, %mul3A_737 : i32
      %dma_start3A_739 = arith.constant 0 : i32
      %dma_start3A_740 = arith.constant 0 : i32
      %dma_start3A_741 = tpu.memref_slice %arg7[%dma_start3A_739, %dma_start3A_740] : memref<128x128xf32, #tpu.memory_space<vmem>> -> memref<128x128xf32, #tpu.memory_space<vmem>>
      %dma_start3A_742 = tpu.memref_slice %arg5[%mul3A_738] : memref<6272xi32, #tpu.memory_space<vmem>> -> memref<128xi32, #tpu.memory_space<vmem>>
      %dma_start3A_743 = arith.constant 0 : i32
      %dma_start3A_744 = arith.constant 0 : i32
      %dma_start3A_745 = tpu.memref_slice %arg2[%dma_start3A_743, %dma_start3A_744] : memref<100000x128xf32, #tpu.memory_space<hbm>> -> memref<100000x128xf32, #tpu.memory_space<hbm>>
      tpu.enqueue_indirect_dma source(%dma_start3A_745 : memref<100000x128xf32, #tpu.memory_space<hbm>>) target(%dma_start3A_741 : memref<128x128xf32, #tpu.memory_space<vmem>>) offsets(%dma_start3A_742 : memref<128xi32, #tpu.memory_space<vmem>>) semaphore(%arg14 : memref<!tpu.dma_semaphore, #tpu.memory_space<semaphore_mem>>)
      %add3A_746 = arith.constant 3 : i32
      %add3A_747 = arith.addi %add3A_576, %add3A_746 : i32
      %dma_wait3A_748 = arith.constant 0 : i32
      %dma_wait3A_749 = arith.constant 0 : i32
      %dma_wait3A_750 = tpu.memref_slice %arg9[%dma_wait3A_748, %dma_wait3A_749] : memref<128x128xf32, #tpu.memory_space<vmem>> -> memref<128x128xf32, #tpu.memory_space<vmem>>
      %dma_wait3A_751 = arith.constant 0 : i32
      %dma_wait3A_752 = tpu.memref_slice %arg5[%dma_wait3A_751] : memref<6272xi32, #tpu.memory_space<vmem>> -> memref<128xi32, #tpu.memory_space<vmem>>
      %dma_wait3A_753 = arith.constant 0 : i32
      %dma_wait3A_754 = arith.constant 0 : i32
      %dma_wait3A_755 = tpu.memref_slice %arg2[%dma_wait3A_753, %dma_wait3A_754] : memref<100000x128xf32, #tpu.memory_space<hbm>> -> memref<100000x128xf32, #tpu.memory_space<hbm>>
      tpu.wait_indirect_dma semaphore(%arg16 : memref<!tpu.dma_semaphore, #tpu.memory_space<semaphore_mem>>) src(%dma_wait3A_755 : memref<100000x128xf32, #tpu.memory_space<hbm>>) dst(%dma_wait3A_750 : memref<128x128xf32, #tpu.memory_space<vmem>>)
      %not3A_756 = arith.constant true
      %not3A_757 = arith.xori %eq3A_3, %not3A_756 : i1
      %lt3A_758 = arith.constant 43 : i32
      %lt3A_759 = arith.cmpi slt, %add3A_747, %lt3A_758 : i32
      %or3A_760 = arith.ori %not3A_757, %lt3A_759 : i1
      %convert_element_type3A_761 = arith.extui %or3A_760 : i1 to i32
      %cond3A_762 = arith.constant 0 : i32
      %cond3A_763 = arith.cmpi ne, %convert_element_type3A_761, %cond3A_762 : i32
      scf.if %cond3A_763 {
        %mul3A_975 = arith.constant 128 : i32
        %mul3A_976 = arith.muli %add3A_747, %mul3A_975 : i32
        %add3A_977 = arith.addi %mul3A_2, %mul3A_976 : i32
        %dma_start3A_978 = arith.constant 0 : i32
        %dma_start3A_979 = tpu.memref_slice %arg4[%add3A_977, %dma_start3A_978] : memref<200000x128xf32, #tpu.memory_space<hbm>> -> memref<128x128xf32, #tpu.memory_space<hbm>>
        %dma_start3A_980 = arith.constant 0 : i32
        %dma_start3A_981 = tpu.memref_slice %arg4[%add3A_977, %dma_start3A_980] : memref<200000x128xf32, #tpu.memory_space<hbm>> -> memref<128x128xf32, #tpu.memory_space<hbm>>
        tpu.enqueue_dma source(%arg9 : memref<128x128xf32, #tpu.memory_space<vmem>>) target(%dma_start3A_981 : memref<128x128xf32, #tpu.memory_space<hbm>>) target_semaphore(%arg23 : memref<!tpu.dma_semaphore, #tpu.memory_space<semaphore_mem>>)
      } else {
      }
      %eq3A_764 = arith.constant 43 : i32
      %eq3A_765 = arith.cmpi eq, %add3A_747, %eq3A_764 : i32
      %and3A_766 = arith.andi %eq3A_3, %eq3A_765 : i1
      %convert_element_type3A_767 = arith.extui %and3A_766 : i1 to i32
      %cond3A_768 = arith.constant 0 : i32
      %cond3A_769 = arith.cmpi ne, %convert_element_type3A_767, %cond3A_768 : i32
      scf.if %cond3A_769 {
        %dma_start3A_975 = arith.constant 0 : i32
        %dma_start3A_976 = arith.constant 0 : i32
        %dma_start3A_977 = tpu.memref_slice %arg9[%dma_start3A_975, %dma_start3A_976] : memref<128x128xf32, #tpu.memory_space<vmem>> -> memref<64x128xf32, #tpu.memory_space<vmem>>
        %dma_start3A_978 = arith.constant 199936 : i32
        %dma_start3A_979 = arith.constant 0 : i32
        %dma_start3A_980 = tpu.memref_slice %arg4[%dma_start3A_978, %dma_start3A_979] : memref<200000x128xf32, #tpu.memory_space<hbm>> -> memref<64x128xf32, #tpu.memory_space<hbm>>
        %dma_start3A_981 = arith.constant 199936 : i32
        %dma_start3A_982 = arith.constant 0 : i32
        %dma_start3A_983 = tpu.memref_slice %arg4[%dma_start3A_981, %dma_start3A_982] : memref<200000x128xf32, #tpu.memory_space<hbm>> -> memref<64x128xf32, #tpu.memory_space<hbm>>
        %dma_start3A_984 = arith.constant 0 : i32
        %dma_start3A_985 = arith.constant 0 : i32
        %dma_start3A_986 = tpu.memref_slice %arg9[%dma_start3A_984, %dma_start3A_985] : memref<128x128xf32, #tpu.memory_space<vmem>> -> memref<64x128xf32, #tpu.memory_space<vmem>>
        tpu.enqueue_dma source(%dma_start3A_986 : memref<64x128xf32, #tpu.memory_space<vmem>>) target(%dma_start3A_983 : memref<64x128xf32, #tpu.memory_space<hbm>>) target_semaphore(%arg23 : memref<!tpu.dma_semaphore, #tpu.memory_space<semaphore_mem>>)
      } else {
      }
      %sub3A_770 = arith.constant 1 : i32
      %sub3A_771 = arith.subi %add3A_747, %sub3A_770 : i32
      %not3A_772 = arith.constant true
      %not3A_773 = arith.xori %eq3A_3, %not3A_772 : i1
      %lt3A_774 = arith.constant 43 : i32
      %lt3A_775 = arith.cmpi slt, %sub3A_771, %lt3A_774 : i32
      %or3A_776 = arith.ori %not3A_773, %lt3A_775 : i1
      %convert_element_type3A_777 = arith.extui %or3A_776 : i1 to i32
      %cond3A_778 = arith.constant 0 : i32
      %cond3A_779 = arith.cmpi ne, %convert_element_type3A_777, %cond3A_778 : i32
      scf.if %cond3A_779 {
        %add3A_975 = arith.constant 0 : i32
        %add3A_976 = arith.addi %mul3A_2, %add3A_975 : i32
        %dma_wait3A_977 = arith.constant 0 : i32
        %dma_wait3A_978 = tpu.memref_slice %arg4[%add3A_976, %dma_wait3A_977] : memref<200000x128xf32, #tpu.memory_space<hbm>> -> memref<128x128xf32, #tpu.memory_space<hbm>>
        %dma_wait3A_979 = arith.constant 0 : i32
        %dma_wait3A_980 = tpu.memref_slice %arg4[%add3A_976, %dma_wait3A_979] : memref<200000x128xf32, #tpu.memory_space<hbm>> -> memref<128x128xf32, #tpu.memory_space<hbm>>
        tpu.wait_dma2 semaphore(%arg22 : memref<!tpu.dma_semaphore, #tpu.memory_space<semaphore_mem>>) src(%arg8 : memref<128x128xf32, #tpu.memory_space<vmem>>) dst(%dma_wait3A_980 : memref<128x128xf32, #tpu.memory_space<hbm>>)
      } else {
      }
      %eq3A_780 = arith.constant 43 : i32
      %eq3A_781 = arith.cmpi eq, %sub3A_771, %eq3A_780 : i32
      %and3A_782 = arith.andi %eq3A_3, %eq3A_781 : i1
      %convert_element_type3A_783 = arith.extui %and3A_782 : i1 to i32
      %cond3A_784 = arith.constant 0 : i32
      %cond3A_785 = arith.cmpi ne, %convert_element_type3A_783, %cond3A_784 : i32
      scf.if %cond3A_785 {
        %dma_wait3A_975 = arith.constant 0 : i32
        %dma_wait3A_976 = arith.constant 0 : i32
        %dma_wait3A_977 = tpu.memref_slice %arg8[%dma_wait3A_975, %dma_wait3A_976] : memref<128x128xf32, #tpu.memory_space<vmem>> -> memref<64x128xf32, #tpu.memory_space<vmem>>
        %dma_wait3A_978 = arith.constant 199936 : i32
        %dma_wait3A_979 = arith.constant 0 : i32
        %dma_wait3A_980 = tpu.memref_slice %arg4[%dma_wait3A_978, %dma_wait3A_979] : memref<200000x128xf32, #tpu.memory_space<hbm>> -> memref<64x128xf32, #tpu.memory_space<hbm>>
        %dma_wait3A_981 = arith.constant 199936 : i32
        %dma_wait3A_982 = arith.constant 0 : i32
        %dma_wait3A_983 = tpu.memref_slice %arg4[%dma_wait3A_981, %dma_wait3A_982] : memref<200000x128xf32, #tpu.memory_space<hbm>> -> memref<64x128xf32, #tpu.memory_space<hbm>>
        %dma_wait3A_984 = arith.constant 0 : i32
        %dma_wait3A_985 = arith.constant 0 : i32
        %dma_wait3A_986 = tpu.memref_slice %arg8[%dma_wait3A_984, %dma_wait3A_985] : memref<128x128xf32, #tpu.memory_space<vmem>> -> memref<64x128xf32, #tpu.memory_space<vmem>>
        tpu.wait_dma2 semaphore(%arg22 : memref<!tpu.dma_semaphore, #tpu.memory_space<semaphore_mem>>) src(%dma_wait3A_986 : memref<64x128xf32, #tpu.memory_space<vmem>>) dst(%dma_wait3A_983 : memref<64x128xf32, #tpu.memory_space<hbm>>)
      } else {
      }
      %add3A_786 = arith.constant 7 : i32
      %add3A_787 = arith.addi %add3A_747, %add3A_786 : i32
      %sub3A_788 = arith.constant 1 : i32
      %sub3A_789 = arith.subi %add3A_787, %sub3A_788 : i32
      %mul3A_790 = arith.constant 1 : i32
      %mul3A_791 = arith.muli %mul3A_790, %sub3A_789 : i32
      %add3A_792 = arith.constant 0 : i32
      %add3A_793 = arith.addi %mul3A_791, %add3A_792 : i32
      %mul3A_794 = arith.constant 128 : i32
      %mul3A_795 = arith.muli %add3A_793, %mul3A_794 : i32
      %dma_start3A_796 = arith.constant 0 : i32
      %dma_start3A_797 = arith.constant 0 : i32
      %dma_start3A_798 = tpu.memref_slice %arg8[%dma_start3A_796, %dma_start3A_797] : memref<128x128xf32, #tpu.memory_space<vmem>> -> memref<128x128xf32, #tpu.memory_space<vmem>>
      %dma_start3A_799 = tpu.memref_slice %arg5[%mul3A_795] : memref<6272xi32, #tpu.memory_space<vmem>> -> memref<128xi32, #tpu.memory_space<vmem>>
      %dma_start3A_800 = arith.constant 0 : i32
      %dma_start3A_801 = arith.constant 0 : i32
      %dma_start3A_802 = tpu.memref_slice %arg2[%dma_start3A_800, %dma_start3A_801] : memref<100000x128xf32, #tpu.memory_space<hbm>> -> memref<100000x128xf32, #tpu.memory_space<hbm>>
      tpu.enqueue_indirect_dma source(%dma_start3A_802 : memref<100000x128xf32, #tpu.memory_space<hbm>>) target(%dma_start3A_798 : memref<128x128xf32, #tpu.memory_space<vmem>>) offsets(%dma_start3A_799 : memref<128xi32, #tpu.memory_space<vmem>>) semaphore(%arg15 : memref<!tpu.dma_semaphore, #tpu.memory_space<semaphore_mem>>)
      %add3A_803 = arith.constant 4 : i32
      %add3A_804 = arith.addi %add3A_576, %add3A_803 : i32
      %dma_wait3A_805 = arith.constant 0 : i32
      %dma_wait3A_806 = arith.constant 0 : i32
      %dma_wait3A_807 = tpu.memref_slice %arg10[%dma_wait3A_805, %dma_wait3A_806] : memref<128x128xf32, #tpu.memory_space<vmem>> -> memref<128x128xf32, #tpu.memory_space<vmem>>
      %dma_wait3A_808 = arith.constant 0 : i32
      %dma_wait3A_809 = tpu.memref_slice %arg5[%dma_wait3A_808] : memref<6272xi32, #tpu.memory_space<vmem>> -> memref<128xi32, #tpu.memory_space<vmem>>
      %dma_wait3A_810 = arith.constant 0 : i32
      %dma_wait3A_811 = arith.constant 0 : i32
      %dma_wait3A_812 = tpu.memref_slice %arg2[%dma_wait3A_810, %dma_wait3A_811] : memref<100000x128xf32, #tpu.memory_space<hbm>> -> memref<100000x128xf32, #tpu.memory_space<hbm>>
      tpu.wait_indirect_dma semaphore(%arg17 : memref<!tpu.dma_semaphore, #tpu.memory_space<semaphore_mem>>) src(%dma_wait3A_812 : memref<100000x128xf32, #tpu.memory_space<hbm>>) dst(%dma_wait3A_807 : memref<128x128xf32, #tpu.memory_space<vmem>>)
      %not3A_813 = arith.constant true
      %not3A_814 = arith.xori %eq3A_3, %not3A_813 : i1
      %lt3A_815 = arith.constant 43 : i32
      %lt3A_816 = arith.cmpi slt, %add3A_804, %lt3A_815 : i32
      %or3A_817 = arith.ori %not3A_814, %lt3A_816 : i1
      %convert_element_type3A_818 = arith.extui %or3A_817 : i1 to i32
      %cond3A_819 = arith.constant 0 : i32
      %cond3A_820 = arith.cmpi ne, %convert_element_type3A_818, %cond3A_819 : i32
      scf.if %cond3A_820 {
        %mul3A_975 = arith.constant 128 : i32
        %mul3A_976 = arith.muli %add3A_804, %mul3A_975 : i32
        %add3A_977 = arith.addi %mul3A_2, %mul3A_976 : i32
        %dma_start3A_978 = arith.constant 0 : i32
        %dma_start3A_979 = tpu.memref_slice %arg4[%add3A_977, %dma_start3A_978] : memref<200000x128xf32, #tpu.memory_space<hbm>> -> memref<128x128xf32, #tpu.memory_space<hbm>>
        %dma_start3A_980 = arith.constant 0 : i32
        %dma_start3A_981 = tpu.memref_slice %arg4[%add3A_977, %dma_start3A_980] : memref<200000x128xf32, #tpu.memory_space<hbm>> -> memref<128x128xf32, #tpu.memory_space<hbm>>
        tpu.enqueue_dma source(%arg10 : memref<128x128xf32, #tpu.memory_space<vmem>>) target(%dma_start3A_981 : memref<128x128xf32, #tpu.memory_space<hbm>>) target_semaphore(%arg24 : memref<!tpu.dma_semaphore, #tpu.memory_space<semaphore_mem>>)
      } else {
      }
      %eq3A_821 = arith.constant 43 : i32
      %eq3A_822 = arith.cmpi eq, %add3A_804, %eq3A_821 : i32
      %and3A_823 = arith.andi %eq3A_3, %eq3A_822 : i1
      %convert_element_type3A_824 = arith.extui %and3A_823 : i1 to i32
      %cond3A_825 = arith.constant 0 : i32
      %cond3A_826 = arith.cmpi ne, %convert_element_type3A_824, %cond3A_825 : i32
      scf.if %cond3A_826 {
        %dma_start3A_975 = arith.constant 0 : i32
        %dma_start3A_976 = arith.constant 0 : i32
        %dma_start3A_977 = tpu.memref_slice %arg10[%dma_start3A_975, %dma_start3A_976] : memref<128x128xf32, #tpu.memory_space<vmem>> -> memref<64x128xf32, #tpu.memory_space<vmem>>
        %dma_start3A_978 = arith.constant 199936 : i32
        %dma_start3A_979 = arith.constant 0 : i32
        %dma_start3A_980 = tpu.memref_slice %arg4[%dma_start3A_978, %dma_start3A_979] : memref<200000x128xf32, #tpu.memory_space<hbm>> -> memref<64x128xf32, #tpu.memory_space<hbm>>
        %dma_start3A_981 = arith.constant 199936 : i32
        %dma_start3A_982 = arith.constant 0 : i32
        %dma_start3A_983 = tpu.memref_slice %arg4[%dma_start3A_981, %dma_start3A_982] : memref<200000x128xf32, #tpu.memory_space<hbm>> -> memref<64x128xf32, #tpu.memory_space<hbm>>
        %dma_start3A_984 = arith.constant 0 : i32
        %dma_start3A_985 = arith.constant 0 : i32
        %dma_start3A_986 = tpu.memref_slice %arg10[%dma_start3A_984, %dma_start3A_985] : memref<128x128xf32, #tpu.memory_space<vmem>> -> memref<64x128xf32, #tpu.memory_space<vmem>>
        tpu.enqueue_dma source(%dma_start3A_986 : memref<64x128xf32, #tpu.memory_space<vmem>>) target(%dma_start3A_983 : memref<64x128xf32, #tpu.memory_space<hbm>>) target_semaphore(%arg24 : memref<!tpu.dma_semaphore, #tpu.memory_space<semaphore_mem>>)
      } else {
      }
      %sub3A_827 = arith.constant 1 : i32
      %sub3A_828 = arith.subi %add3A_804, %sub3A_827 : i32
      %not3A_829 = arith.constant true
      %not3A_830 = arith.xori %eq3A_3, %not3A_829 : i1
      %lt3A_831 = arith.constant 43 : i32
      %lt3A_832 = arith.cmpi slt, %sub3A_828, %lt3A_831 : i32
      %or3A_833 = arith.ori %not3A_830, %lt3A_832 : i1
      %convert_element_type3A_834 = arith.extui %or3A_833 : i1 to i32
      %cond3A_835 = arith.constant 0 : i32
      %cond3A_836 = arith.cmpi ne, %convert_element_type3A_834, %cond3A_835 : i32
      scf.if %cond3A_836 {
        %add3A_975 = arith.constant 0 : i32
        %add3A_976 = arith.addi %mul3A_2, %add3A_975 : i32
        %dma_wait3A_977 = arith.constant 0 : i32
        %dma_wait3A_978 = tpu.memref_slice %arg4[%add3A_976, %dma_wait3A_977] : memref<200000x128xf32, #tpu.memory_space<hbm>> -> memref<128x128xf32, #tpu.memory_space<hbm>>
        %dma_wait3A_979 = arith.constant 0 : i32
        %dma_wait3A_980 = tpu.memref_slice %arg4[%add3A_976, %dma_wait3A_979] : memref<200000x128xf32, #tpu.memory_space<hbm>> -> memref<128x128xf32, #tpu.memory_space<hbm>>
        tpu.wait_dma2 semaphore(%arg23 : memref<!tpu.dma_semaphore, #tpu.memory_space<semaphore_mem>>) src(%arg9 : memref<128x128xf32, #tpu.memory_space<vmem>>) dst(%dma_wait3A_980 : memref<128x128xf32, #tpu.memory_space<hbm>>)
      } else {
      }
      %eq3A_837 = arith.constant 43 : i32
      %eq3A_838 = arith.cmpi eq, %sub3A_828, %eq3A_837 : i32
      %and3A_839 = arith.andi %eq3A_3, %eq3A_838 : i1
      %convert_element_type3A_840 = arith.extui %and3A_839 : i1 to i32
      %cond3A_841 = arith.constant 0 : i32
      %cond3A_842 = arith.cmpi ne, %convert_element_type3A_840, %cond3A_841 : i32
      scf.if %cond3A_842 {
        %dma_wait3A_975 = arith.constant 0 : i32
        %dma_wait3A_976 = arith.constant 0 : i32
        %dma_wait3A_977 = tpu.memref_slice %arg9[%dma_wait3A_975, %dma_wait3A_976] : memref<128x128xf32, #tpu.memory_space<vmem>> -> memref<64x128xf32, #tpu.memory_space<vmem>>
        %dma_wait3A_978 = arith.constant 199936 : i32
        %dma_wait3A_979 = arith.constant 0 : i32
        %dma_wait3A_980 = tpu.memref_slice %arg4[%dma_wait3A_978, %dma_wait3A_979] : memref<200000x128xf32, #tpu.memory_space<hbm>> -> memref<64x128xf32, #tpu.memory_space<hbm>>
        %dma_wait3A_981 = arith.constant 199936 : i32
        %dma_wait3A_982 = arith.constant 0 : i32
        %dma_wait3A_983 = tpu.memref_slice %arg4[%dma_wait3A_981, %dma_wait3A_982] : memref<200000x128xf32, #tpu.memory_space<hbm>> -> memref<64x128xf32, #tpu.memory_space<hbm>>
        %dma_wait3A_984 = arith.constant 0 : i32
        %dma_wait3A_985 = arith.constant 0 : i32
        %dma_wait3A_986 = tpu.memref_slice %arg9[%dma_wait3A_984, %dma_wait3A_985] : memref<128x128xf32, #tpu.memory_space<vmem>> -> memref<64x128xf32, #tpu.memory_space<vmem>>
        tpu.wait_dma2 semaphore(%arg23 : memref<!tpu.dma_semaphore, #tpu.memory_space<semaphore_mem>>) src(%dma_wait3A_986 : memref<64x128xf32, #tpu.memory_space<vmem>>) dst(%dma_wait3A_983 : memref<64x128xf32, #tpu.memory_space<hbm>>)
      } else {
      }
      %add3A_843 = arith.constant 7 : i32
      %add3A_844 = arith.addi %add3A_804, %add3A_843 : i32
      %sub3A_845 = arith.constant 1 : i32
      %sub3A_846 = arith.subi %add3A_844, %sub3A_845 : i32
      %mul3A_847 = arith.constant 1 : i32
      %mul3A_848 = arith.muli %mul3A_847, %sub3A_846 : i32
      %add3A_849 = arith.constant 0 : i32
      %add3A_850 = arith.addi %mul3A_848, %add3A_849 : i32
      %mul3A_851 = arith.constant 128 : i32
      %mul3A_852 = arith.muli %add3A_850, %mul3A_851 : i32
      %dma_start3A_853 = arith.constant 0 : i32
      %dma_start3A_854 = arith.constant 0 : i32
      %dma_start3A_855 = tpu.memref_slice %arg9[%dma_start3A_853, %dma_start3A_854] : memref<128x128xf32, #tpu.memory_space<vmem>> -> memref<128x128xf32, #tpu.memory_space<vmem>>
      %dma_start3A_856 = tpu.memref_slice %arg5[%mul3A_852] : memref<6272xi32, #tpu.memory_space<vmem>> -> memref<128xi32, #tpu.memory_space<vmem>>
      %dma_start3A_857 = arith.constant 0 : i32
      %dma_start3A_858 = arith.constant 0 : i32
      %dma_start3A_859 = tpu.memref_slice %arg2[%dma_start3A_857, %dma_start3A_858] : memref<100000x128xf32, #tpu.memory_space<hbm>> -> memref<100000x128xf32, #tpu.memory_space<hbm>>
      tpu.enqueue_indirect_dma source(%dma_start3A_859 : memref<100000x128xf32, #tpu.memory_space<hbm>>) target(%dma_start3A_855 : memref<128x128xf32, #tpu.memory_space<vmem>>) offsets(%dma_start3A_856 : memref<128xi32, #tpu.memory_space<vmem>>) semaphore(%arg16 : memref<!tpu.dma_semaphore, #tpu.memory_space<semaphore_mem>>)
      %add3A_860 = arith.constant 5 : i32
      %add3A_861 = arith.addi %add3A_576, %add3A_860 : i32
      %dma_wait3A_862 = arith.constant 0 : i32
      %dma_wait3A_863 = arith.constant 0 : i32
      %dma_wait3A_864 = tpu.memref_slice %arg11[%dma_wait3A_862, %dma_wait3A_863] : memref<128x128xf32, #tpu.memory_space<vmem>> -> memref<128x128xf32, #tpu.memory_space<vmem>>
      %dma_wait3A_865 = arith.constant 0 : i32
      %dma_wait3A_866 = tpu.memref_slice %arg5[%dma_wait3A_865] : memref<6272xi32, #tpu.memory_space<vmem>> -> memref<128xi32, #tpu.memory_space<vmem>>
      %dma_wait3A_867 = arith.constant 0 : i32
      %dma_wait3A_868 = arith.constant 0 : i32
      %dma_wait3A_869 = tpu.memref_slice %arg2[%dma_wait3A_867, %dma_wait3A_868] : memref<100000x128xf32, #tpu.memory_space<hbm>> -> memref<100000x128xf32, #tpu.memory_space<hbm>>
      tpu.wait_indirect_dma semaphore(%arg18 : memref<!tpu.dma_semaphore, #tpu.memory_space<semaphore_mem>>) src(%dma_wait3A_869 : memref<100000x128xf32, #tpu.memory_space<hbm>>) dst(%dma_wait3A_864 : memref<128x128xf32, #tpu.memory_space<vmem>>)
      %not3A_870 = arith.constant true
      %not3A_871 = arith.xori %eq3A_3, %not3A_870 : i1
      %lt3A_872 = arith.constant 43 : i32
      %lt3A_873 = arith.cmpi slt, %add3A_861, %lt3A_872 : i32
      %or3A_874 = arith.ori %not3A_871, %lt3A_873 : i1
      %convert_element_type3A_875 = arith.extui %or3A_874 : i1 to i32
      %cond3A_876 = arith.constant 0 : i32
      %cond3A_877 = arith.cmpi ne, %convert_element_type3A_875, %cond3A_876 : i32
      scf.if %cond3A_877 {
        %mul3A_975 = arith.constant 128 : i32
        %mul3A_976 = arith.muli %add3A_861, %mul3A_975 : i32
        %add3A_977 = arith.addi %mul3A_2, %mul3A_976 : i32
        %dma_start3A_978 = arith.constant 0 : i32
        %dma_start3A_979 = tpu.memref_slice %arg4[%add3A_977, %dma_start3A_978] : memref<200000x128xf32, #tpu.memory_space<hbm>> -> memref<128x128xf32, #tpu.memory_space<hbm>>
        %dma_start3A_980 = arith.constant 0 : i32
        %dma_start3A_981 = tpu.memref_slice %arg4[%add3A_977, %dma_start3A_980] : memref<200000x128xf32, #tpu.memory_space<hbm>> -> memref<128x128xf32, #tpu.memory_space<hbm>>
        tpu.enqueue_dma source(%arg11 : memref<128x128xf32, #tpu.memory_space<vmem>>) target(%dma_start3A_981 : memref<128x128xf32, #tpu.memory_space<hbm>>) target_semaphore(%arg25 : memref<!tpu.dma_semaphore, #tpu.memory_space<semaphore_mem>>)
      } else {
      }
      %eq3A_878 = arith.constant 43 : i32
      %eq3A_879 = arith.cmpi eq, %add3A_861, %eq3A_878 : i32
      %and3A_880 = arith.andi %eq3A_3, %eq3A_879 : i1
      %convert_element_type3A_881 = arith.extui %and3A_880 : i1 to i32
      %cond3A_882 = arith.constant 0 : i32
      %cond3A_883 = arith.cmpi ne, %convert_element_type3A_881, %cond3A_882 : i32
      scf.if %cond3A_883 {
        %dma_start3A_975 = arith.constant 0 : i32
        %dma_start3A_976 = arith.constant 0 : i32
        %dma_start3A_977 = tpu.memref_slice %arg11[%dma_start3A_975, %dma_start3A_976] : memref<128x128xf32, #tpu.memory_space<vmem>> -> memref<64x128xf32, #tpu.memory_space<vmem>>
        %dma_start3A_978 = arith.constant 199936 : i32
        %dma_start3A_979 = arith.constant 0 : i32
        %dma_start3A_980 = tpu.memref_slice %arg4[%dma_start3A_978, %dma_start3A_979] : memref<200000x128xf32, #tpu.memory_space<hbm>> -> memref<64x128xf32, #tpu.memory_space<hbm>>
        %dma_start3A_981 = arith.constant 199936 : i32
        %dma_start3A_982 = arith.constant 0 : i32
        %dma_start3A_983 = tpu.memref_slice %arg4[%dma_start3A_981, %dma_start3A_982] : memref<200000x128xf32, #tpu.memory_space<hbm>> -> memref<64x128xf32, #tpu.memory_space<hbm>>
        %dma_start3A_984 = arith.constant 0 : i32
        %dma_start3A_985 = arith.constant 0 : i32
        %dma_start3A_986 = tpu.memref_slice %arg11[%dma_start3A_984, %dma_start3A_985] : memref<128x128xf32, #tpu.memory_space<vmem>> -> memref<64x128xf32, #tpu.memory_space<vmem>>
        tpu.enqueue_dma source(%dma_start3A_986 : memref<64x128xf32, #tpu.memory_space<vmem>>) target(%dma_start3A_983 : memref<64x128xf32, #tpu.memory_space<hbm>>) target_semaphore(%arg25 : memref<!tpu.dma_semaphore, #tpu.memory_space<semaphore_mem>>)
      } else {
      }
      %sub3A_884 = arith.constant 1 : i32
      %sub3A_885 = arith.subi %add3A_861, %sub3A_884 : i32
      %not3A_886 = arith.constant true
      %not3A_887 = arith.xori %eq3A_3, %not3A_886 : i1
      %lt3A_888 = arith.constant 43 : i32
      %lt3A_889 = arith.cmpi slt, %sub3A_885, %lt3A_888 : i32
      %or3A_890 = arith.ori %not3A_887, %lt3A_889 : i1
      %convert_element_type3A_891 = arith.extui %or3A_890 : i1 to i32
      %cond3A_892 = arith.constant 0 : i32
      %cond3A_893 = arith.cmpi ne, %convert_element_type3A_891, %cond3A_892 : i32
      scf.if %cond3A_893 {
        %add3A_975 = arith.constant 0 : i32
        %add3A_976 = arith.addi %mul3A_2, %add3A_975 : i32
        %dma_wait3A_977 = arith.constant 0 : i32
        %dma_wait3A_978 = tpu.memref_slice %arg4[%add3A_976, %dma_wait3A_977] : memref<200000x128xf32, #tpu.memory_space<hbm>> -> memref<128x128xf32, #tpu.memory_space<hbm>>
        %dma_wait3A_979 = arith.constant 0 : i32
        %dma_wait3A_980 = tpu.memref_slice %arg4[%add3A_976, %dma_wait3A_979] : memref<200000x128xf32, #tpu.memory_space<hbm>> -> memref<128x128xf32, #tpu.memory_space<hbm>>
        tpu.wait_dma2 semaphore(%arg24 : memref<!tpu.dma_semaphore, #tpu.memory_space<semaphore_mem>>) src(%arg10 : memref<128x128xf32, #tpu.memory_space<vmem>>) dst(%dma_wait3A_980 : memref<128x128xf32, #tpu.memory_space<hbm>>)
      } else {
      }
      %eq3A_894 = arith.constant 43 : i32
      %eq3A_895 = arith.cmpi eq, %sub3A_885, %eq3A_894 : i32
      %and3A_896 = arith.andi %eq3A_3, %eq3A_895 : i1
      %convert_element_type3A_897 = arith.extui %and3A_896 : i1 to i32
      %cond3A_898 = arith.constant 0 : i32
      %cond3A_899 = arith.cmpi ne, %convert_element_type3A_897, %cond3A_898 : i32
      scf.if %cond3A_899 {
        %dma_wait3A_975 = arith.constant 0 : i32
        %dma_wait3A_976 = arith.constant 0 : i32
        %dma_wait3A_977 = tpu.memref_slice %arg10[%dma_wait3A_975, %dma_wait3A_976] : memref<128x128xf32, #tpu.memory_space<vmem>> -> memref<64x128xf32, #tpu.memory_space<vmem>>
        %dma_wait3A_978 = arith.constant 199936 : i32
        %dma_wait3A_979 = arith.constant 0 : i32
        %dma_wait3A_980 = tpu.memref_slice %arg4[%dma_wait3A_978, %dma_wait3A_979] : memref<200000x128xf32, #tpu.memory_space<hbm>> -> memref<64x128xf32, #tpu.memory_space<hbm>>
        %dma_wait3A_981 = arith.constant 199936 : i32
        %dma_wait3A_982 = arith.constant 0 : i32
        %dma_wait3A_983 = tpu.memref_slice %arg4[%dma_wait3A_981, %dma_wait3A_982] : memref<200000x128xf32, #tpu.memory_space<hbm>> -> memref<64x128xf32, #tpu.memory_space<hbm>>
        %dma_wait3A_984 = arith.constant 0 : i32
        %dma_wait3A_985 = arith.constant 0 : i32
        %dma_wait3A_986 = tpu.memref_slice %arg10[%dma_wait3A_984, %dma_wait3A_985] : memref<128x128xf32, #tpu.memory_space<vmem>> -> memref<64x128xf32, #tpu.memory_space<vmem>>
        tpu.wait_dma2 semaphore(%arg24 : memref<!tpu.dma_semaphore, #tpu.memory_space<semaphore_mem>>) src(%dma_wait3A_986 : memref<64x128xf32, #tpu.memory_space<vmem>>) dst(%dma_wait3A_983 : memref<64x128xf32, #tpu.memory_space<hbm>>)
      } else {
      }
      %add3A_900 = arith.constant 7 : i32
      %add3A_901 = arith.addi %add3A_861, %add3A_900 : i32
      %sub3A_902 = arith.constant 1 : i32
      %sub3A_903 = arith.subi %add3A_901, %sub3A_902 : i32
      %mul3A_904 = arith.constant 1 : i32
      %mul3A_905 = arith.muli %mul3A_904, %sub3A_903 : i32
      %add3A_906 = arith.constant 0 : i32
      %add3A_907 = arith.addi %mul3A_905, %add3A_906 : i32
      %mul3A_908 = arith.constant 128 : i32
      %mul3A_909 = arith.muli %add3A_907, %mul3A_908 : i32
      %dma_start3A_910 = arith.constant 0 : i32
      %dma_start3A_911 = arith.constant 0 : i32
      %dma_start3A_912 = tpu.memref_slice %arg10[%dma_start3A_910, %dma_start3A_911] : memref<128x128xf32, #tpu.memory_space<vmem>> -> memref<128x128xf32, #tpu.memory_space<vmem>>
      %dma_start3A_913 = tpu.memref_slice %arg5[%mul3A_909] : memref<6272xi32, #tpu.memory_space<vmem>> -> memref<128xi32, #tpu.memory_space<vmem>>
      %dma_start3A_914 = arith.constant 0 : i32
      %dma_start3A_915 = arith.constant 0 : i32
      %dma_start3A_916 = tpu.memref_slice %arg2[%dma_start3A_914, %dma_start3A_915] : memref<100000x128xf32, #tpu.memory_space<hbm>> -> memref<100000x128xf32, #tpu.memory_space<hbm>>
      tpu.enqueue_indirect_dma source(%dma_start3A_916 : memref<100000x128xf32, #tpu.memory_space<hbm>>) target(%dma_start3A_912 : memref<128x128xf32, #tpu.memory_space<vmem>>) offsets(%dma_start3A_913 : memref<128xi32, #tpu.memory_space<vmem>>) semaphore(%arg17 : memref<!tpu.dma_semaphore, #tpu.memory_space<semaphore_mem>>)
      %add3A_917 = arith.constant 6 : i32
      %add3A_918 = arith.addi %add3A_576, %add3A_917 : i32
      %dma_wait3A_919 = arith.constant 0 : i32
      %dma_wait3A_920 = arith.constant 0 : i32
      %dma_wait3A_921 = tpu.memref_slice %arg12[%dma_wait3A_919, %dma_wait3A_920] : memref<128x128xf32, #tpu.memory_space<vmem>> -> memref<128x128xf32, #tpu.memory_space<vmem>>
      %dma_wait3A_922 = arith.constant 0 : i32
      %dma_wait3A_923 = tpu.memref_slice %arg5[%dma_wait3A_922] : memref<6272xi32, #tpu.memory_space<vmem>> -> memref<128xi32, #tpu.memory_space<vmem>>
      %dma_wait3A_924 = arith.constant 0 : i32
      %dma_wait3A_925 = arith.constant 0 : i32
      %dma_wait3A_926 = tpu.memref_slice %arg2[%dma_wait3A_924, %dma_wait3A_925] : memref<100000x128xf32, #tpu.memory_space<hbm>> -> memref<100000x128xf32, #tpu.memory_space<hbm>>
      tpu.wait_indirect_dma semaphore(%arg19 : memref<!tpu.dma_semaphore, #tpu.memory_space<semaphore_mem>>) src(%dma_wait3A_926 : memref<100000x128xf32, #tpu.memory_space<hbm>>) dst(%dma_wait3A_921 : memref<128x128xf32, #tpu.memory_space<vmem>>)
      %not3A_927 = arith.constant true
      %not3A_928 = arith.xori %eq3A_3, %not3A_927 : i1
      %lt3A_929 = arith.constant 43 : i32
      %lt3A_930 = arith.cmpi slt, %add3A_918, %lt3A_929 : i32
      %or3A_931 = arith.ori %not3A_928, %lt3A_930 : i1
      %convert_element_type3A_932 = arith.extui %or3A_931 : i1 to i32
      %cond3A_933 = arith.constant 0 : i32
      %cond3A_934 = arith.cmpi ne, %convert_element_type3A_932, %cond3A_933 : i32
      scf.if %cond3A_934 {
        %mul3A_975 = arith.constant 128 : i32
        %mul3A_976 = arith.muli %add3A_918, %mul3A_975 : i32
        %add3A_977 = arith.addi %mul3A_2, %mul3A_976 : i32
        %dma_start3A_978 = arith.constant 0 : i32
        %dma_start3A_979 = tpu.memref_slice %arg4[%add3A_977, %dma_start3A_978] : memref<200000x128xf32, #tpu.memory_space<hbm>> -> memref<128x128xf32, #tpu.memory_space<hbm>>
        %dma_start3A_980 = arith.constant 0 : i32
        %dma_start3A_981 = tpu.memref_slice %arg4[%add3A_977, %dma_start3A_980] : memref<200000x128xf32, #tpu.memory_space<hbm>> -> memref<128x128xf32, #tpu.memory_space<hbm>>
        tpu.enqueue_dma source(%arg12 : memref<128x128xf32, #tpu.memory_space<vmem>>) target(%dma_start3A_981 : memref<128x128xf32, #tpu.memory_space<hbm>>) target_semaphore(%arg26 : memref<!tpu.dma_semaphore, #tpu.memory_space<semaphore_mem>>)
      } else {
      }
      %eq3A_935 = arith.constant 43 : i32
      %eq3A_936 = arith.cmpi eq, %add3A_918, %eq3A_935 : i32
      %and3A_937 = arith.andi %eq3A_3, %eq3A_936 : i1
      %convert_element_type3A_938 = arith.extui %and3A_937 : i1 to i32
      %cond3A_939 = arith.constant 0 : i32
      %cond3A_940 = arith.cmpi ne, %convert_element_type3A_938, %cond3A_939 : i32
      scf.if %cond3A_940 {
        %dma_start3A_975 = arith.constant 0 : i32
        %dma_start3A_976 = arith.constant 0 : i32
        %dma_start3A_977 = tpu.memref_slice %arg12[%dma_start3A_975, %dma_start3A_976] : memref<128x128xf32, #tpu.memory_space<vmem>> -> memref<64x128xf32, #tpu.memory_space<vmem>>
        %dma_start3A_978 = arith.constant 199936 : i32
        %dma_start3A_979 = arith.constant 0 : i32
        %dma_start3A_980 = tpu.memref_slice %arg4[%dma_start3A_978, %dma_start3A_979] : memref<200000x128xf32, #tpu.memory_space<hbm>> -> memref<64x128xf32, #tpu.memory_space<hbm>>
        %dma_start3A_981 = arith.constant 199936 : i32
        %dma_start3A_982 = arith.constant 0 : i32
        %dma_start3A_983 = tpu.memref_slice %arg4[%dma_start3A_981, %dma_start3A_982] : memref<200000x128xf32, #tpu.memory_space<hbm>> -> memref<64x128xf32, #tpu.memory_space<hbm>>
        %dma_start3A_984 = arith.constant 0 : i32
        %dma_start3A_985 = arith.constant 0 : i32
        %dma_start3A_986 = tpu.memref_slice %arg12[%dma_start3A_984, %dma_start3A_985] : memref<128x128xf32, #tpu.memory_space<vmem>> -> memref<64x128xf32, #tpu.memory_space<vmem>>
        tpu.enqueue_dma source(%dma_start3A_986 : memref<64x128xf32, #tpu.memory_space<vmem>>) target(%dma_start3A_983 : memref<64x128xf32, #tpu.memory_space<hbm>>) target_semaphore(%arg26 : memref<!tpu.dma_semaphore, #tpu.memory_space<semaphore_mem>>)
      } else {
      }
      %sub3A_941 = arith.constant 1 : i32
      %sub3A_942 = arith.subi %add3A_918, %sub3A_941 : i32
      %not3A_943 = arith.constant true
      %not3A_944 = arith.xori %eq3A_3, %not3A_943 : i1
      %lt3A_945 = arith.constant 43 : i32
      %lt3A_946 = arith.cmpi slt, %sub3A_942, %lt3A_945 : i32
      %or3A_947 = arith.ori %not3A_944, %lt3A_946 : i1
      %convert_element_type3A_948 = arith.extui %or3A_947 : i1 to i32
      %cond3A_949 = arith.constant 0 : i32
      %cond3A_950 = arith.cmpi ne, %convert_element_type3A_948, %cond3A_949 : i32
      scf.if %cond3A_950 {
        %add3A_975 = arith.constant 0 : i32
        %add3A_976 = arith.addi %mul3A_2, %add3A_975 : i32
        %dma_wait3A_977 = arith.constant 0 : i32
        %dma_wait3A_978 = tpu.memref_slice %arg4[%add3A_976, %dma_wait3A_977] : memref<200000x128xf32, #tpu.memory_space<hbm>> -> memref<128x128xf32, #tpu.memory_space<hbm>>
        %dma_wait3A_979 = arith.constant 0 : i32
        %dma_wait3A_980 = tpu.memref_slice %arg4[%add3A_976, %dma_wait3A_979] : memref<200000x128xf32, #tpu.memory_space<hbm>> -> memref<128x128xf32, #tpu.memory_space<hbm>>
        tpu.wait_dma2 semaphore(%arg25 : memref<!tpu.dma_semaphore, #tpu.memory_space<semaphore_mem>>) src(%arg11 : memref<128x128xf32, #tpu.memory_space<vmem>>) dst(%dma_wait3A_980 : memref<128x128xf32, #tpu.memory_space<hbm>>)
      } else {
      }
      %eq3A_951 = arith.constant 43 : i32
      %eq3A_952 = arith.cmpi eq, %sub3A_942, %eq3A_951 : i32
      %and3A_953 = arith.andi %eq3A_3, %eq3A_952 : i1
      %convert_element_type3A_954 = arith.extui %and3A_953 : i1 to i32
      %cond3A_955 = arith.constant 0 : i32
      %cond3A_956 = arith.cmpi ne, %convert_element_type3A_954, %cond3A_955 : i32
      scf.if %cond3A_956 {
        %dma_wait3A_975 = arith.constant 0 : i32
        %dma_wait3A_976 = arith.constant 0 : i32
        %dma_wait3A_977 = tpu.memref_slice %arg11[%dma_wait3A_975, %dma_wait3A_976] : memref<128x128xf32, #tpu.memory_space<vmem>> -> memref<64x128xf32, #tpu.memory_space<vmem>>
        %dma_wait3A_978 = arith.constant 199936 : i32
        %dma_wait3A_979 = arith.constant 0 : i32
        %dma_wait3A_980 = tpu.memref_slice %arg4[%dma_wait3A_978, %dma_wait3A_979] : memref<200000x128xf32, #tpu.memory_space<hbm>> -> memref<64x128xf32, #tpu.memory_space<hbm>>
        %dma_wait3A_981 = arith.constant 199936 : i32
        %dma_wait3A_982 = arith.constant 0 : i32
        %dma_wait3A_983 = tpu.memref_slice %arg4[%dma_wait3A_981, %dma_wait3A_982] : memref<200000x128xf32, #tpu.memory_space<hbm>> -> memref<64x128xf32, #tpu.memory_space<hbm>>
        %dma_wait3A_984 = arith.constant 0 : i32
        %dma_wait3A_985 = arith.constant 0 : i32
        %dma_wait3A_986 = tpu.memref_slice %arg11[%dma_wait3A_984, %dma_wait3A_985] : memref<128x128xf32, #tpu.memory_space<vmem>> -> memref<64x128xf32, #tpu.memory_space<vmem>>
        tpu.wait_dma2 semaphore(%arg25 : memref<!tpu.dma_semaphore, #tpu.memory_space<semaphore_mem>>) src(%dma_wait3A_986 : memref<64x128xf32, #tpu.memory_space<vmem>>) dst(%dma_wait3A_983 : memref<64x128xf32, #tpu.memory_space<hbm>>)
      } else {
      }
      %add3A_957 = arith.constant 7 : i32
      %add3A_958 = arith.addi %add3A_918, %add3A_957 : i32
      %sub3A_959 = arith.constant 1 : i32
      %sub3A_960 = arith.subi %add3A_958, %sub3A_959 : i32
      %mul3A_961 = arith.constant 1 : i32
      %mul3A_962 = arith.muli %mul3A_961, %sub3A_960 : i32
      %add3A_963 = arith.constant 0 : i32
      %add3A_964 = arith.addi %mul3A_962, %add3A_963 : i32
      %mul3A_965 = arith.constant 128 : i32
      %mul3A_966 = arith.muli %add3A_964, %mul3A_965 : i32
      %dma_start3A_967 = arith.constant 0 : i32
      %dma_start3A_968 = arith.constant 0 : i32
      %dma_start3A_969 = tpu.memref_slice %arg11[%dma_start3A_967, %dma_start3A_968] : memref<128x128xf32, #tpu.memory_space<vmem>> -> memref<128x128xf32, #tpu.memory_space<vmem>>
      %dma_start3A_970 = tpu.memref_slice %arg5[%mul3A_966] : memref<6272xi32, #tpu.memory_space<vmem>> -> memref<128xi32, #tpu.memory_space<vmem>>
      %dma_start3A_971 = arith.constant 0 : i32
      %dma_start3A_972 = arith.constant 0 : i32
      %dma_start3A_973 = tpu.memref_slice %arg2[%dma_start3A_971, %dma_start3A_972] : memref<100000x128xf32, #tpu.memory_space<hbm>> -> memref<100000x128xf32, #tpu.memory_space<hbm>>
      tpu.enqueue_indirect_dma source(%dma_start3A_973 : memref<100000x128xf32, #tpu.memory_space<hbm>>) target(%dma_start3A_969 : memref<128x128xf32, #tpu.memory_space<vmem>>) offsets(%dma_start3A_970 : memref<128xi32, #tpu.memory_space<vmem>>) semaphore(%arg18 : memref<!tpu.dma_semaphore, #tpu.memory_space<semaphore_mem>>)
      %scan3A_974 = arith.constant 0 : i32
      scf.yield %scan3A_974 : i32
    }
    %scan3A_326 = arith.constant 5 : i32
    %dma_wait3A_327 = arith.constant 0 : i32
    %dma_wait3A_328 = arith.constant 0 : i32
    %dma_wait3A_329 = tpu.memref_slice %arg6[%dma_wait3A_327, %dma_wait3A_328] : memref<128x128xf32, #tpu.memory_space<vmem>> -> memref<128x128xf32, #tpu.memory_space<vmem>>
    %dma_wait3A_330 = arith.constant 0 : i32
    %dma_wait3A_331 = tpu.memref_slice %arg5[%dma_wait3A_330] : memref<6272xi32, #tpu.memory_space<vmem>> -> memref<128xi32, #tpu.memory_space<vmem>>
    %dma_wait3A_332 = arith.constant 0 : i32
    %dma_wait3A_333 = arith.constant 0 : i32
    %dma_wait3A_334 = tpu.memref_slice %arg2[%dma_wait3A_332, %dma_wait3A_333] : memref<100000x128xf32, #tpu.memory_space<hbm>> -> memref<100000x128xf32, #tpu.memory_space<hbm>>
    tpu.wait_indirect_dma semaphore(%arg13 : memref<!tpu.dma_semaphore, #tpu.memory_space<semaphore_mem>>) src(%dma_wait3A_334 : memref<100000x128xf32, #tpu.memory_space<hbm>>) dst(%dma_wait3A_329 : memref<128x128xf32, #tpu.memory_space<vmem>>)
    %not3A_335 = arith.constant true
    %not3A_336 = arith.xori %eq3A_3, %not3A_335 : i1
    %or3A_337 = arith.constant true
    %or3A_338 = arith.ori %not3A_336, %or3A_337 : i1
    %convert_element_type3A_339 = arith.extui %or3A_338 : i1 to i32
    %cond3A_340 = arith.constant 0 : i32
    %cond3A_341 = arith.cmpi ne, %convert_element_type3A_339, %cond3A_340 : i32
    scf.if %cond3A_341 {
      %add3A_571 = arith.constant 5376 : i32
      %add3A_572 = arith.addi %mul3A_2, %add3A_571 : i32
      %dma_start3A_573 = arith.constant 0 : i32
      %dma_start3A_574 = tpu.memref_slice %arg4[%add3A_572, %dma_start3A_573] : memref<200000x128xf32, #tpu.memory_space<hbm>> -> memref<128x128xf32, #tpu.memory_space<hbm>>
      %dma_start3A_575 = arith.constant 0 : i32
      %dma_start3A_576 = tpu.memref_slice %arg4[%add3A_572, %dma_start3A_575] : memref<200000x128xf32, #tpu.memory_space<hbm>> -> memref<128x128xf32, #tpu.memory_space<hbm>>
      tpu.enqueue_dma source(%arg6 : memref<128x128xf32, #tpu.memory_space<vmem>>) target(%dma_start3A_576 : memref<128x128xf32, #tpu.memory_space<hbm>>) target_semaphore(%arg20 : memref<!tpu.dma_semaphore, #tpu.memory_space<semaphore_mem>>)
    } else {
    }
    %and3A_342 = arith.constant false
    %and3A_343 = arith.andi %eq3A_3, %and3A_342 : i1
    %convert_element_type3A_344 = arith.extui %and3A_343 : i1 to i32
    %cond3A_345 = arith.constant 0 : i32
    %cond3A_346 = arith.cmpi ne, %convert_element_type3A_344, %cond3A_345 : i32
    scf.if %cond3A_346 {
      %dma_start3A_571 = arith.constant 0 : i32
      %dma_start3A_572 = arith.constant 0 : i32
      %dma_start3A_573 = tpu.memref_slice %arg6[%dma_start3A_571, %dma_start3A_572] : memref<128x128xf32, #tpu.memory_space<vmem>> -> memref<64x128xf32, #tpu.memory_space<vmem>>
      %dma_start3A_574 = arith.constant 199936 : i32
      %dma_start3A_575 = arith.constant 0 : i32
      %dma_start3A_576 = tpu.memref_slice %arg4[%dma_start3A_574, %dma_start3A_575] : memref<200000x128xf32, #tpu.memory_space<hbm>> -> memref<64x128xf32, #tpu.memory_space<hbm>>
      %dma_start3A_577 = arith.constant 199936 : i32
      %dma_start3A_578 = arith.constant 0 : i32
      %dma_start3A_579 = tpu.memref_slice %arg4[%dma_start3A_577, %dma_start3A_578] : memref<200000x128xf32, #tpu.memory_space<hbm>> -> memref<64x128xf32, #tpu.memory_space<hbm>>
      %dma_start3A_580 = arith.constant 0 : i32
      %dma_start3A_581 = arith.constant 0 : i32
      %dma_start3A_582 = tpu.memref_slice %arg6[%dma_start3A_580, %dma_start3A_581] : memref<128x128xf32, #tpu.memory_space<vmem>> -> memref<64x128xf32, #tpu.memory_space<vmem>>
      tpu.enqueue_dma source(%dma_start3A_582 : memref<64x128xf32, #tpu.memory_space<vmem>>) target(%dma_start3A_579 : memref<64x128xf32, #tpu.memory_space<hbm>>) target_semaphore(%arg20 : memref<!tpu.dma_semaphore, #tpu.memory_space<semaphore_mem>>)
    } else {
    }
    %not3A_347 = arith.constant true
    %not3A_348 = arith.xori %eq3A_3, %not3A_347 : i1
    %or3A_349 = arith.constant true
    %or3A_350 = arith.ori %not3A_348, %or3A_349 : i1
    %convert_element_type3A_351 = arith.extui %or3A_350 : i1 to i32
    %cond3A_352 = arith.constant 0 : i32
    %cond3A_353 = arith.cmpi ne, %convert_element_type3A_351, %cond3A_352 : i32
    scf.if %cond3A_353 {
      %add3A_571 = arith.constant 0 : i32
      %add3A_572 = arith.addi %mul3A_2, %add3A_571 : i32
      %dma_wait3A_573 = arith.constant 0 : i32
      %dma_wait3A_574 = tpu.memref_slice %arg4[%add3A_572, %dma_wait3A_573] : memref<200000x128xf32, #tpu.memory_space<hbm>> -> memref<128x128xf32, #tpu.memory_space<hbm>>
      %dma_wait3A_575 = arith.constant 0 : i32
      %dma_wait3A_576 = tpu.memref_slice %arg4[%add3A_572, %dma_wait3A_575] : memref<200000x128xf32, #tpu.memory_space<hbm>> -> memref<128x128xf32, #tpu.memory_space<hbm>>
      tpu.wait_dma2 semaphore(%arg26 : memref<!tpu.dma_semaphore, #tpu.memory_space<semaphore_mem>>) src(%arg12 : memref<128x128xf32, #tpu.memory_space<vmem>>) dst(%dma_wait3A_576 : memref<128x128xf32, #tpu.memory_space<hbm>>)
    } else {
    }
    %and3A_354 = arith.constant false
    %and3A_355 = arith.andi %eq3A_3, %and3A_354 : i1
    %convert_element_type3A_356 = arith.extui %and3A_355 : i1 to i32
    %cond3A_357 = arith.constant 0 : i32
    %cond3A_358 = arith.cmpi ne, %convert_element_type3A_356, %cond3A_357 : i32
    scf.if %cond3A_358 {
      %dma_wait3A_571 = arith.constant 0 : i32
      %dma_wait3A_572 = arith.constant 0 : i32
      %dma_wait3A_573 = tpu.memref_slice %arg12[%dma_wait3A_571, %dma_wait3A_572] : memref<128x128xf32, #tpu.memory_space<vmem>> -> memref<64x128xf32, #tpu.memory_space<vmem>>
      %dma_wait3A_574 = arith.constant 199936 : i32
      %dma_wait3A_575 = arith.constant 0 : i32
      %dma_wait3A_576 = tpu.memref_slice %arg4[%dma_wait3A_574, %dma_wait3A_575] : memref<200000x128xf32, #tpu.memory_space<hbm>> -> memref<64x128xf32, #tpu.memory_space<hbm>>
      %dma_wait3A_577 = arith.constant 199936 : i32
      %dma_wait3A_578 = arith.constant 0 : i32
      %dma_wait3A_579 = tpu.memref_slice %arg4[%dma_wait3A_577, %dma_wait3A_578] : memref<200000x128xf32, #tpu.memory_space<hbm>> -> memref<64x128xf32, #tpu.memory_space<hbm>>
      %dma_wait3A_580 = arith.constant 0 : i32
      %dma_wait3A_581 = arith.constant 0 : i32
      %dma_wait3A_582 = tpu.memref_slice %arg12[%dma_wait3A_580, %dma_wait3A_581] : memref<128x128xf32, #tpu.memory_space<vmem>> -> memref<64x128xf32, #tpu.memory_space<vmem>>
      tpu.wait_dma2 semaphore(%arg26 : memref<!tpu.dma_semaphore, #tpu.memory_space<semaphore_mem>>) src(%dma_wait3A_582 : memref<64x128xf32, #tpu.memory_space<vmem>>) dst(%dma_wait3A_579 : memref<64x128xf32, #tpu.memory_space<hbm>>)
    } else {
    }
    %dma_start3A_359 = arith.constant 0 : i32
    %dma_start3A_360 = arith.constant 0 : i32
    %dma_start3A_361 = tpu.memref_slice %arg12[%dma_start3A_359, %dma_start3A_360] : memref<128x128xf32, #tpu.memory_space<vmem>> -> memref<128x128xf32, #tpu.memory_space<vmem>>
    %dma_start3A_362 = arith.constant 6144 : i32
    %dma_start3A_363 = tpu.memref_slice %arg5[%dma_start3A_362] : memref<6272xi32, #tpu.memory_space<vmem>> -> memref<128xi32, #tpu.memory_space<vmem>>
    %dma_start3A_364 = arith.constant 0 : i32
    %dma_start3A_365 = arith.constant 0 : i32
    %dma_start3A_366 = tpu.memref_slice %arg2[%dma_start3A_364, %dma_start3A_365] : memref<100000x128xf32, #tpu.memory_space<hbm>> -> memref<100000x128xf32, #tpu.memory_space<hbm>>
    tpu.enqueue_indirect_dma source(%dma_start3A_366 : memref<100000x128xf32, #tpu.memory_space<hbm>>) target(%dma_start3A_361 : memref<128x128xf32, #tpu.memory_space<vmem>>) offsets(%dma_start3A_363 : memref<128xi32, #tpu.memory_space<vmem>>) semaphore(%arg19 : memref<!tpu.dma_semaphore, #tpu.memory_space<semaphore_mem>>)
    %dma_wait3A_367 = arith.constant 0 : i32
    %dma_wait3A_368 = arith.constant 0 : i32
    %dma_wait3A_369 = tpu.memref_slice %arg7[%dma_wait3A_367, %dma_wait3A_368] : memref<128x128xf32, #tpu.memory_space<vmem>> -> memref<128x128xf32, #tpu.memory_space<vmem>>
    %dma_wait3A_370 = arith.constant 0 : i32
    %dma_wait3A_371 = tpu.memref_slice %arg5[%dma_wait3A_370] : memref<6272xi32, #tpu.memory_space<vmem>> -> memref<128xi32, #tpu.memory_space<vmem>>
    %dma_wait3A_372 = arith.constant 0 : i32
    %dma_wait3A_373 = arith.constant 0 : i32
    %dma_wait3A_374 = tpu.memref_slice %arg2[%dma_wait3A_372, %dma_wait3A_373] : memref<100000x128xf32, #tpu.memory_space<hbm>> -> memref<100000x128xf32, #tpu.memory_space<hbm>>
    tpu.wait_indirect_dma semaphore(%arg14 : memref<!tpu.dma_semaphore, #tpu.memory_space<semaphore_mem>>) src(%dma_wait3A_374 : memref<100000x128xf32, #tpu.memory_space<hbm>>) dst(%dma_wait3A_369 : memref<128x128xf32, #tpu.memory_space<vmem>>)
    %not3A_375 = arith.constant true
    %not3A_376 = arith.xori %eq3A_3, %not3A_375 : i1
    %or3A_377 = arith.constant false
    %or3A_378 = arith.ori %not3A_376, %or3A_377 : i1
    %convert_element_type3A_379 = arith.extui %or3A_378 : i1 to i32
    %cond3A_380 = arith.constant 0 : i32
    %cond3A_381 = arith.cmpi ne, %convert_element_type3A_379, %cond3A_380 : i32
    scf.if %cond3A_381 {
      %add3A_571 = arith.constant 5504 : i32
      %add3A_572 = arith.addi %mul3A_2, %add3A_571 : i32
      %dma_start3A_573 = arith.constant 0 : i32
      %dma_start3A_574 = tpu.memref_slice %arg4[%add3A_572, %dma_start3A_573] : memref<200000x128xf32, #tpu.memory_space<hbm>> -> memref<128x128xf32, #tpu.memory_space<hbm>>
      %dma_start3A_575 = arith.constant 0 : i32
      %dma_start3A_576 = tpu.memref_slice %arg4[%add3A_572, %dma_start3A_575] : memref<200000x128xf32, #tpu.memory_space<hbm>> -> memref<128x128xf32, #tpu.memory_space<hbm>>
      tpu.enqueue_dma source(%arg7 : memref<128x128xf32, #tpu.memory_space<vmem>>) target(%dma_start3A_576 : memref<128x128xf32, #tpu.memory_space<hbm>>) target_semaphore(%arg21 : memref<!tpu.dma_semaphore, #tpu.memory_space<semaphore_mem>>)
    } else {
    }
    %and3A_382 = arith.constant true
    %and3A_383 = arith.andi %eq3A_3, %and3A_382 : i1
    %convert_element_type3A_384 = arith.extui %and3A_383 : i1 to i32
    %cond3A_385 = arith.constant 0 : i32
    %cond3A_386 = arith.cmpi ne, %convert_element_type3A_384, %cond3A_385 : i32
    scf.if %cond3A_386 {
      %dma_start3A_571 = arith.constant 0 : i32
      %dma_start3A_572 = arith.constant 0 : i32
      %dma_start3A_573 = tpu.memref_slice %arg7[%dma_start3A_571, %dma_start3A_572] : memref<128x128xf32, #tpu.memory_space<vmem>> -> memref<64x128xf32, #tpu.memory_space<vmem>>
      %dma_start3A_574 = arith.constant 199936 : i32
      %dma_start3A_575 = arith.constant 0 : i32
      %dma_start3A_576 = tpu.memref_slice %arg4[%dma_start3A_574, %dma_start3A_575] : memref<200000x128xf32, #tpu.memory_space<hbm>> -> memref<64x128xf32, #tpu.memory_space<hbm>>
      %dma_start3A_577 = arith.constant 199936 : i32
      %dma_start3A_578 = arith.constant 0 : i32
      %dma_start3A_579 = tpu.memref_slice %arg4[%dma_start3A_577, %dma_start3A_578] : memref<200000x128xf32, #tpu.memory_space<hbm>> -> memref<64x128xf32, #tpu.memory_space<hbm>>
      %dma_start3A_580 = arith.constant 0 : i32
      %dma_start3A_581 = arith.constant 0 : i32
      %dma_start3A_582 = tpu.memref_slice %arg7[%dma_start3A_580, %dma_start3A_581] : memref<128x128xf32, #tpu.memory_space<vmem>> -> memref<64x128xf32, #tpu.memory_space<vmem>>
      tpu.enqueue_dma source(%dma_start3A_582 : memref<64x128xf32, #tpu.memory_space<vmem>>) target(%dma_start3A_579 : memref<64x128xf32, #tpu.memory_space<hbm>>) target_semaphore(%arg21 : memref<!tpu.dma_semaphore, #tpu.memory_space<semaphore_mem>>)
    } else {
    }
    %dma_wait3A_387 = arith.constant 0 : i32
    %dma_wait3A_388 = arith.constant 0 : i32
    %dma_wait3A_389 = tpu.memref_slice %arg8[%dma_wait3A_387, %dma_wait3A_388] : memref<128x128xf32, #tpu.memory_space<vmem>> -> memref<128x128xf32, #tpu.memory_space<vmem>>
    %dma_wait3A_390 = arith.constant 0 : i32
    %dma_wait3A_391 = tpu.memref_slice %arg5[%dma_wait3A_390] : memref<6272xi32, #tpu.memory_space<vmem>> -> memref<128xi32, #tpu.memory_space<vmem>>
    %dma_wait3A_392 = arith.constant 0 : i32
    %dma_wait3A_393 = arith.constant 0 : i32
    %dma_wait3A_394 = tpu.memref_slice %arg2[%dma_wait3A_392, %dma_wait3A_393] : memref<100000x128xf32, #tpu.memory_space<hbm>> -> memref<100000x128xf32, #tpu.memory_space<hbm>>
    tpu.wait_indirect_dma semaphore(%arg15 : memref<!tpu.dma_semaphore, #tpu.memory_space<semaphore_mem>>) src(%dma_wait3A_394 : memref<100000x128xf32, #tpu.memory_space<hbm>>) dst(%dma_wait3A_389 : memref<128x128xf32, #tpu.memory_space<vmem>>)
    %not3A_395 = arith.constant true
    %not3A_396 = arith.xori %eq3A_3, %not3A_395 : i1
    %or3A_397 = arith.constant false
    %or3A_398 = arith.ori %not3A_396, %or3A_397 : i1
    %convert_element_type3A_399 = arith.extui %or3A_398 : i1 to i32
    %cond3A_400 = arith.constant 0 : i32
    %cond3A_401 = arith.cmpi ne, %convert_element_type3A_399, %cond3A_400 : i32
    scf.if %cond3A_401 {
      %add3A_571 = arith.constant 5632 : i32
      %add3A_572 = arith.addi %mul3A_2, %add3A_571 : i32
      %dma_start3A_573 = arith.constant 0 : i32
      %dma_start3A_574 = tpu.memref_slice %arg4[%add3A_572, %dma_start3A_573] : memref<200000x128xf32, #tpu.memory_space<hbm>> -> memref<128x128xf32, #tpu.memory_space<hbm>>
      %dma_start3A_575 = arith.constant 0 : i32
      %dma_start3A_576 = tpu.memref_slice %arg4[%add3A_572, %dma_start3A_575] : memref<200000x128xf32, #tpu.memory_space<hbm>> -> memref<128x128xf32, #tpu.memory_space<hbm>>
      tpu.enqueue_dma source(%arg8 : memref<128x128xf32, #tpu.memory_space<vmem>>) target(%dma_start3A_576 : memref<128x128xf32, #tpu.memory_space<hbm>>) target_semaphore(%arg22 : memref<!tpu.dma_semaphore, #tpu.memory_space<semaphore_mem>>)
    } else {
    }
    %and3A_402 = arith.constant false
    %and3A_403 = arith.andi %eq3A_3, %and3A_402 : i1
    %convert_element_type3A_404 = arith.extui %and3A_403 : i1 to i32
    %cond3A_405 = arith.constant 0 : i32
    %cond3A_406 = arith.cmpi ne, %convert_element_type3A_404, %cond3A_405 : i32
    scf.if %cond3A_406 {
      %dma_start3A_571 = arith.constant 0 : i32
      %dma_start3A_572 = arith.constant 0 : i32
      %dma_start3A_573 = tpu.memref_slice %arg8[%dma_start3A_571, %dma_start3A_572] : memref<128x128xf32, #tpu.memory_space<vmem>> -> memref<64x128xf32, #tpu.memory_space<vmem>>
      %dma_start3A_574 = arith.constant 199936 : i32
      %dma_start3A_575 = arith.constant 0 : i32
      %dma_start3A_576 = tpu.memref_slice %arg4[%dma_start3A_574, %dma_start3A_575] : memref<200000x128xf32, #tpu.memory_space<hbm>> -> memref<64x128xf32, #tpu.memory_space<hbm>>
      %dma_start3A_577 = arith.constant 199936 : i32
      %dma_start3A_578 = arith.constant 0 : i32
      %dma_start3A_579 = tpu.memref_slice %arg4[%dma_start3A_577, %dma_start3A_578] : memref<200000x128xf32, #tpu.memory_space<hbm>> -> memref<64x128xf32, #tpu.memory_space<hbm>>
      %dma_start3A_580 = arith.constant 0 : i32
      %dma_start3A_581 = arith.constant 0 : i32
      %dma_start3A_582 = tpu.memref_slice %arg8[%dma_start3A_580, %dma_start3A_581] : memref<128x128xf32, #tpu.memory_space<vmem>> -> memref<64x128xf32, #tpu.memory_space<vmem>>
      tpu.enqueue_dma source(%dma_start3A_582 : memref<64x128xf32, #tpu.memory_space<vmem>>) target(%dma_start3A_579 : memref<64x128xf32, #tpu.memory_space<hbm>>) target_semaphore(%arg22 : memref<!tpu.dma_semaphore, #tpu.memory_space<semaphore_mem>>)
    } else {
    }
    %dma_wait3A_407 = arith.constant 0 : i32
    %dma_wait3A_408 = arith.constant 0 : i32
    %dma_wait3A_409 = tpu.memref_slice %arg9[%dma_wait3A_407, %dma_wait3A_408] : memref<128x128xf32, #tpu.memory_space<vmem>> -> memref<128x128xf32, #tpu.memory_space<vmem>>
    %dma_wait3A_410 = arith.constant 0 : i32
    %dma_wait3A_411 = tpu.memref_slice %arg5[%dma_wait3A_410] : memref<6272xi32, #tpu.memory_space<vmem>> -> memref<128xi32, #tpu.memory_space<vmem>>
    %dma_wait3A_412 = arith.constant 0 : i32
    %dma_wait3A_413 = arith.constant 0 : i32
    %dma_wait3A_414 = tpu.memref_slice %arg2[%dma_wait3A_412, %dma_wait3A_413] : memref<100000x128xf32, #tpu.memory_space<hbm>> -> memref<100000x128xf32, #tpu.memory_space<hbm>>
    tpu.wait_indirect_dma semaphore(%arg16 : memref<!tpu.dma_semaphore, #tpu.memory_space<semaphore_mem>>) src(%dma_wait3A_414 : memref<100000x128xf32, #tpu.memory_space<hbm>>) dst(%dma_wait3A_409 : memref<128x128xf32, #tpu.memory_space<vmem>>)
    %not3A_415 = arith.constant true
    %not3A_416 = arith.xori %eq3A_3, %not3A_415 : i1
    %or3A_417 = arith.constant false
    %or3A_418 = arith.ori %not3A_416, %or3A_417 : i1
    %convert_element_type3A_419 = arith.extui %or3A_418 : i1 to i32
    %cond3A_420 = arith.constant 0 : i32
    %cond3A_421 = arith.cmpi ne, %convert_element_type3A_419, %cond3A_420 : i32
    scf.if %cond3A_421 {
      %add3A_571 = arith.constant 5760 : i32
      %add3A_572 = arith.addi %mul3A_2, %add3A_571 : i32
      %dma_start3A_573 = arith.constant 0 : i32
      %dma_start3A_574 = tpu.memref_slice %arg4[%add3A_572, %dma_start3A_573] : memref<200000x128xf32, #tpu.memory_space<hbm>> -> memref<128x128xf32, #tpu.memory_space<hbm>>
      %dma_start3A_575 = arith.constant 0 : i32
      %dma_start3A_576 = tpu.memref_slice %arg4[%add3A_572, %dma_start3A_575] : memref<200000x128xf32, #tpu.memory_space<hbm>> -> memref<128x128xf32, #tpu.memory_space<hbm>>
      tpu.enqueue_dma source(%arg9 : memref<128x128xf32, #tpu.memory_space<vmem>>) target(%dma_start3A_576 : memref<128x128xf32, #tpu.memory_space<hbm>>) target_semaphore(%arg23 : memref<!tpu.dma_semaphore, #tpu.memory_space<semaphore_mem>>)
    } else {
    }
    %and3A_422 = arith.constant false
    %and3A_423 = arith.andi %eq3A_3, %and3A_422 : i1
    %convert_element_type3A_424 = arith.extui %and3A_423 : i1 to i32
    %cond3A_425 = arith.constant 0 : i32
    %cond3A_426 = arith.cmpi ne, %convert_element_type3A_424, %cond3A_425 : i32
    scf.if %cond3A_426 {
      %dma_start3A_571 = arith.constant 0 : i32
      %dma_start3A_572 = arith.constant 0 : i32
      %dma_start3A_573 = tpu.memref_slice %arg9[%dma_start3A_571, %dma_start3A_572] : memref<128x128xf32, #tpu.memory_space<vmem>> -> memref<64x128xf32, #tpu.memory_space<vmem>>
      %dma_start3A_574 = arith.constant 199936 : i32
      %dma_start3A_575 = arith.constant 0 : i32
      %dma_start3A_576 = tpu.memref_slice %arg4[%dma_start3A_574, %dma_start3A_575] : memref<200000x128xf32, #tpu.memory_space<hbm>> -> memref<64x128xf32, #tpu.memory_space<hbm>>
      %dma_start3A_577 = arith.constant 199936 : i32
      %dma_start3A_578 = arith.constant 0 : i32
      %dma_start3A_579 = tpu.memref_slice %arg4[%dma_start3A_577, %dma_start3A_578] : memref<200000x128xf32, #tpu.memory_space<hbm>> -> memref<64x128xf32, #tpu.memory_space<hbm>>
      %dma_start3A_580 = arith.constant 0 : i32
      %dma_start3A_581 = arith.constant 0 : i32
      %dma_start3A_582 = tpu.memref_slice %arg9[%dma_start3A_580, %dma_start3A_581] : memref<128x128xf32, #tpu.memory_space<vmem>> -> memref<64x128xf32, #tpu.memory_space<vmem>>
      tpu.enqueue_dma source(%dma_start3A_582 : memref<64x128xf32, #tpu.memory_space<vmem>>) target(%dma_start3A_579 : memref<64x128xf32, #tpu.memory_space<hbm>>) target_semaphore(%arg23 : memref<!tpu.dma_semaphore, #tpu.memory_space<semaphore_mem>>)
    } else {
    }
    %dma_wait3A_427 = arith.constant 0 : i32
    %dma_wait3A_428 = arith.constant 0 : i32
    %dma_wait3A_429 = tpu.memref_slice %arg10[%dma_wait3A_427, %dma_wait3A_428] : memref<128x128xf32, #tpu.memory_space<vmem>> -> memref<128x128xf32, #tpu.memory_space<vmem>>
    %dma_wait3A_430 = arith.constant 0 : i32
    %dma_wait3A_431 = tpu.memref_slice %arg5[%dma_wait3A_430] : memref<6272xi32, #tpu.memory_space<vmem>> -> memref<128xi32, #tpu.memory_space<vmem>>
    %dma_wait3A_432 = arith.constant 0 : i32
    %dma_wait3A_433 = arith.constant 0 : i32
    %dma_wait3A_434 = tpu.memref_slice %arg2[%dma_wait3A_432, %dma_wait3A_433] : memref<100000x128xf32, #tpu.memory_space<hbm>> -> memref<100000x128xf32, #tpu.memory_space<hbm>>
    tpu.wait_indirect_dma semaphore(%arg17 : memref<!tpu.dma_semaphore, #tpu.memory_space<semaphore_mem>>) src(%dma_wait3A_434 : memref<100000x128xf32, #tpu.memory_space<hbm>>) dst(%dma_wait3A_429 : memref<128x128xf32, #tpu.memory_space<vmem>>)
    %not3A_435 = arith.constant true
    %not3A_436 = arith.xori %eq3A_3, %not3A_435 : i1
    %or3A_437 = arith.constant false
    %or3A_438 = arith.ori %not3A_436, %or3A_437 : i1
    %convert_element_type3A_439 = arith.extui %or3A_438 : i1 to i32
    %cond3A_440 = arith.constant 0 : i32
    %cond3A_441 = arith.cmpi ne, %convert_element_type3A_439, %cond3A_440 : i32
    scf.if %cond3A_441 {
      %add3A_571 = arith.constant 5888 : i32
      %add3A_572 = arith.addi %mul3A_2, %add3A_571 : i32
      %dma_start3A_573 = arith.constant 0 : i32
      %dma_start3A_574 = tpu.memref_slice %arg4[%add3A_572, %dma_start3A_573] : memref<200000x128xf32, #tpu.memory_space<hbm>> -> memref<128x128xf32, #tpu.memory_space<hbm>>
      %dma_start3A_575 = arith.constant 0 : i32
      %dma_start3A_576 = tpu.memref_slice %arg4[%add3A_572, %dma_start3A_575] : memref<200000x128xf32, #tpu.memory_space<hbm>> -> memref<128x128xf32, #tpu.memory_space<hbm>>
      tpu.enqueue_dma source(%arg10 : memref<128x128xf32, #tpu.memory_space<vmem>>) target(%dma_start3A_576 : memref<128x128xf32, #tpu.memory_space<hbm>>) target_semaphore(%arg24 : memref<!tpu.dma_semaphore, #tpu.memory_space<semaphore_mem>>)
    } else {
    }
    %and3A_442 = arith.constant false
    %and3A_443 = arith.andi %eq3A_3, %and3A_442 : i1
    %convert_element_type3A_444 = arith.extui %and3A_443 : i1 to i32
    %cond3A_445 = arith.constant 0 : i32
    %cond3A_446 = arith.cmpi ne, %convert_element_type3A_444, %cond3A_445 : i32
    scf.if %cond3A_446 {
      %dma_start3A_571 = arith.constant 0 : i32
      %dma_start3A_572 = arith.constant 0 : i32
      %dma_start3A_573 = tpu.memref_slice %arg10[%dma_start3A_571, %dma_start3A_572] : memref<128x128xf32, #tpu.memory_space<vmem>> -> memref<64x128xf32, #tpu.memory_space<vmem>>
      %dma_start3A_574 = arith.constant 199936 : i32
      %dma_start3A_575 = arith.constant 0 : i32
      %dma_start3A_576 = tpu.memref_slice %arg4[%dma_start3A_574, %dma_start3A_575] : memref<200000x128xf32, #tpu.memory_space<hbm>> -> memref<64x128xf32, #tpu.memory_space<hbm>>
      %dma_start3A_577 = arith.constant 199936 : i32
      %dma_start3A_578 = arith.constant 0 : i32
      %dma_start3A_579 = tpu.memref_slice %arg4[%dma_start3A_577, %dma_start3A_578] : memref<200000x128xf32, #tpu.memory_space<hbm>> -> memref<64x128xf32, #tpu.memory_space<hbm>>
      %dma_start3A_580 = arith.constant 0 : i32
      %dma_start3A_581 = arith.constant 0 : i32
      %dma_start3A_582 = tpu.memref_slice %arg10[%dma_start3A_580, %dma_start3A_581] : memref<128x128xf32, #tpu.memory_space<vmem>> -> memref<64x128xf32, #tpu.memory_space<vmem>>
      tpu.enqueue_dma source(%dma_start3A_582 : memref<64x128xf32, #tpu.memory_space<vmem>>) target(%dma_start3A_579 : memref<64x128xf32, #tpu.memory_space<hbm>>) target_semaphore(%arg24 : memref<!tpu.dma_semaphore, #tpu.memory_space<semaphore_mem>>)
    } else {
    }
    %dma_wait3A_447 = arith.constant 0 : i32
    %dma_wait3A_448 = arith.constant 0 : i32
    %dma_wait3A_449 = tpu.memref_slice %arg11[%dma_wait3A_447, %dma_wait3A_448] : memref<128x128xf32, #tpu.memory_space<vmem>> -> memref<128x128xf32, #tpu.memory_space<vmem>>
    %dma_wait3A_450 = arith.constant 0 : i32
    %dma_wait3A_451 = tpu.memref_slice %arg5[%dma_wait3A_450] : memref<6272xi32, #tpu.memory_space<vmem>> -> memref<128xi32, #tpu.memory_space<vmem>>
    %dma_wait3A_452 = arith.constant 0 : i32
    %dma_wait3A_453 = arith.constant 0 : i32
    %dma_wait3A_454 = tpu.memref_slice %arg2[%dma_wait3A_452, %dma_wait3A_453] : memref<100000x128xf32, #tpu.memory_space<hbm>> -> memref<100000x128xf32, #tpu.memory_space<hbm>>
    tpu.wait_indirect_dma semaphore(%arg18 : memref<!tpu.dma_semaphore, #tpu.memory_space<semaphore_mem>>) src(%dma_wait3A_454 : memref<100000x128xf32, #tpu.memory_space<hbm>>) dst(%dma_wait3A_449 : memref<128x128xf32, #tpu.memory_space<vmem>>)
    %not3A_455 = arith.constant true
    %not3A_456 = arith.xori %eq3A_3, %not3A_455 : i1
    %or3A_457 = arith.constant false
    %or3A_458 = arith.ori %not3A_456, %or3A_457 : i1
    %convert_element_type3A_459 = arith.extui %or3A_458 : i1 to i32
    %cond3A_460 = arith.constant 0 : i32
    %cond3A_461 = arith.cmpi ne, %convert_element_type3A_459, %cond3A_460 : i32
    scf.if %cond3A_461 {
      %add3A_571 = arith.constant 6016 : i32
      %add3A_572 = arith.addi %mul3A_2, %add3A_571 : i32
      %dma_start3A_573 = arith.constant 0 : i32
      %dma_start3A_574 = tpu.memref_slice %arg4[%add3A_572, %dma_start3A_573] : memref<200000x128xf32, #tpu.memory_space<hbm>> -> memref<128x128xf32, #tpu.memory_space<hbm>>
      %dma_start3A_575 = arith.constant 0 : i32
      %dma_start3A_576 = tpu.memref_slice %arg4[%add3A_572, %dma_start3A_575] : memref<200000x128xf32, #tpu.memory_space<hbm>> -> memref<128x128xf32, #tpu.memory_space<hbm>>
      tpu.enqueue_dma source(%arg11 : memref<128x128xf32, #tpu.memory_space<vmem>>) target(%dma_start3A_576 : memref<128x128xf32, #tpu.memory_space<hbm>>) target_semaphore(%arg25 : memref<!tpu.dma_semaphore, #tpu.memory_space<semaphore_mem>>)
    } else {
    }
    %and3A_462 = arith.constant false
    %and3A_463 = arith.andi %eq3A_3, %and3A_462 : i1
    %convert_element_type3A_464 = arith.extui %and3A_463 : i1 to i32
    %cond3A_465 = arith.constant 0 : i32
    %cond3A_466 = arith.cmpi ne, %convert_element_type3A_464, %cond3A_465 : i32
    scf.if %cond3A_466 {
      %dma_start3A_571 = arith.constant 0 : i32
      %dma_start3A_572 = arith.constant 0 : i32
      %dma_start3A_573 = tpu.memref_slice %arg11[%dma_start3A_571, %dma_start3A_572] : memref<128x128xf32, #tpu.memory_space<vmem>> -> memref<64x128xf32, #tpu.memory_space<vmem>>
      %dma_start3A_574 = arith.constant 199936 : i32
      %dma_start3A_575 = arith.constant 0 : i32
      %dma_start3A_576 = tpu.memref_slice %arg4[%dma_start3A_574, %dma_start3A_575] : memref<200000x128xf32, #tpu.memory_space<hbm>> -> memref<64x128xf32, #tpu.memory_space<hbm>>
      %dma_start3A_577 = arith.constant 199936 : i32
      %dma_start3A_578 = arith.constant 0 : i32
      %dma_start3A_579 = tpu.memref_slice %arg4[%dma_start3A_577, %dma_start3A_578] : memref<200000x128xf32, #tpu.memory_space<hbm>> -> memref<64x128xf32, #tpu.memory_space<hbm>>
      %dma_start3A_580 = arith.constant 0 : i32
      %dma_start3A_581 = arith.constant 0 : i32
      %dma_start3A_582 = tpu.memref_slice %arg11[%dma_start3A_580, %dma_start3A_581] : memref<128x128xf32, #tpu.memory_space<vmem>> -> memref<64x128xf32, #tpu.memory_space<vmem>>
      tpu.enqueue_dma source(%dma_start3A_582 : memref<64x128xf32, #tpu.memory_space<vmem>>) target(%dma_start3A_579 : memref<64x128xf32, #tpu.memory_space<hbm>>) target_semaphore(%arg25 : memref<!tpu.dma_semaphore, #tpu.memory_space<semaphore_mem>>)
    } else {
    }
    %dma_wait3A_467 = arith.constant 0 : i32
    %dma_wait3A_468 = arith.constant 0 : i32
    %dma_wait3A_469 = tpu.memref_slice %arg12[%dma_wait3A_467, %dma_wait3A_468] : memref<128x128xf32, #tpu.memory_space<vmem>> -> memref<128x128xf32, #tpu.memory_space<vmem>>
    %dma_wait3A_470 = arith.constant 0 : i32
    %dma_wait3A_471 = tpu.memref_slice %arg5[%dma_wait3A_470] : memref<6272xi32, #tpu.memory_space<vmem>> -> memref<128xi32, #tpu.memory_space<vmem>>
    %dma_wait3A_472 = arith.constant 0 : i32
    %dma_wait3A_473 = arith.constant 0 : i32
    %dma_wait3A_474 = tpu.memref_slice %arg2[%dma_wait3A_472, %dma_wait3A_473] : memref<100000x128xf32, #tpu.memory_space<hbm>> -> memref<100000x128xf32, #tpu.memory_space<hbm>>
    tpu.wait_indirect_dma semaphore(%arg19 : memref<!tpu.dma_semaphore, #tpu.memory_space<semaphore_mem>>) src(%dma_wait3A_474 : memref<100000x128xf32, #tpu.memory_space<hbm>>) dst(%dma_wait3A_469 : memref<128x128xf32, #tpu.memory_space<vmem>>)
    %not3A_475 = arith.constant true
    %not3A_476 = arith.xori %eq3A_3, %not3A_475 : i1
    %or3A_477 = arith.constant false
    %or3A_478 = arith.ori %not3A_476, %or3A_477 : i1
    %convert_element_type3A_479 = arith.extui %or3A_478 : i1 to i32
    %cond3A_480 = arith.constant 0 : i32
    %cond3A_481 = arith.cmpi ne, %convert_element_type3A_479, %cond3A_480 : i32
    scf.if %cond3A_481 {
      %add3A_571 = arith.constant 6144 : i32
      %add3A_572 = arith.addi %mul3A_2, %add3A_571 : i32
      %dma_start3A_573 = arith.constant 0 : i32
      %dma_start3A_574 = tpu.memref_slice %arg4[%add3A_572, %dma_start3A_573] : memref<200000x128xf32, #tpu.memory_space<hbm>> -> memref<128x128xf32, #tpu.memory_space<hbm>>
      %dma_start3A_575 = arith.constant 0 : i32
      %dma_start3A_576 = tpu.memref_slice %arg4[%add3A_572, %dma_start3A_575] : memref<200000x128xf32, #tpu.memory_space<hbm>> -> memref<128x128xf32, #tpu.memory_space<hbm>>
      tpu.enqueue_dma source(%arg12 : memref<128x128xf32, #tpu.memory_space<vmem>>) target(%dma_start3A_576 : memref<128x128xf32, #tpu.memory_space<hbm>>) target_semaphore(%arg26 : memref<!tpu.dma_semaphore, #tpu.memory_space<semaphore_mem>>)
    } else {
    }
    %and3A_482 = arith.constant false
    %and3A_483 = arith.andi %eq3A_3, %and3A_482 : i1
    %convert_element_type3A_484 = arith.extui %and3A_483 : i1 to i32
    %cond3A_485 = arith.constant 0 : i32
    %cond3A_486 = arith.cmpi ne, %convert_element_type3A_484, %cond3A_485 : i32
    scf.if %cond3A_486 {
      %dma_start3A_571 = arith.constant 0 : i32
      %dma_start3A_572 = arith.constant 0 : i32
      %dma_start3A_573 = tpu.memref_slice %arg12[%dma_start3A_571, %dma_start3A_572] : memref<128x128xf32, #tpu.memory_space<vmem>> -> memref<64x128xf32, #tpu.memory_space<vmem>>
      %dma_start3A_574 = arith.constant 199936 : i32
      %dma_start3A_575 = arith.constant 0 : i32
      %dma_start3A_576 = tpu.memref_slice %arg4[%dma_start3A_574, %dma_start3A_575] : memref<200000x128xf32, #tpu.memory_space<hbm>> -> memref<64x128xf32, #tpu.memory_space<hbm>>
      %dma_start3A_577 = arith.constant 199936 : i32
      %dma_start3A_578 = arith.constant 0 : i32
      %dma_start3A_579 = tpu.memref_slice %arg4[%dma_start3A_577, %dma_start3A_578] : memref<200000x128xf32, #tpu.memory_space<hbm>> -> memref<64x128xf32, #tpu.memory_space<hbm>>
      %dma_start3A_580 = arith.constant 0 : i32
      %dma_start3A_581 = arith.constant 0 : i32
      %dma_start3A_582 = tpu.memref_slice %arg12[%dma_start3A_580, %dma_start3A_581] : memref<128x128xf32, #tpu.memory_space<vmem>> -> memref<64x128xf32, #tpu.memory_space<vmem>>
      tpu.enqueue_dma source(%dma_start3A_582 : memref<64x128xf32, #tpu.memory_space<vmem>>) target(%dma_start3A_579 : memref<64x128xf32, #tpu.memory_space<hbm>>) target_semaphore(%arg26 : memref<!tpu.dma_semaphore, #tpu.memory_space<semaphore_mem>>)
    } else {
    }
    %not3A_487 = arith.constant true
    %not3A_488 = arith.xori %eq3A_3, %not3A_487 : i1
    %or3A_489 = arith.constant true
    %or3A_490 = arith.ori %not3A_488, %or3A_489 : i1
    %convert_element_type3A_491 = arith.extui %or3A_490 : i1 to i32
    %cond3A_492 = arith.constant 0 : i32
    %cond3A_493 = arith.cmpi ne, %convert_element_type3A_491, %cond3A_492 : i32
    scf.if %cond3A_493 {
      %add3A_571 = arith.constant 0 : i32
      %add3A_572 = arith.addi %mul3A_2, %add3A_571 : i32
      %dma_wait3A_573 = arith.constant 0 : i32
      %dma_wait3A_574 = tpu.memref_slice %arg4[%add3A_572, %dma_wait3A_573] : memref<200000x128xf32, #tpu.memory_space<hbm>> -> memref<128x128xf32, #tpu.memory_space<hbm>>
      %dma_wait3A_575 = arith.constant 0 : i32
      %dma_wait3A_576 = tpu.memref_slice %arg4[%add3A_572, %dma_wait3A_575] : memref<200000x128xf32, #tpu.memory_space<hbm>> -> memref<128x128xf32, #tpu.memory_space<hbm>>
      tpu.wait_dma2 semaphore(%arg20 : memref<!tpu.dma_semaphore, #tpu.memory_space<semaphore_mem>>) src(%arg6 : memref<128x128xf32, #tpu.memory_space<vmem>>) dst(%dma_wait3A_576 : memref<128x128xf32, #tpu.memory_space<hbm>>)
    } else {
    }
    %and3A_494 = arith.constant false
    %and3A_495 = arith.andi %eq3A_3, %and3A_494 : i1
    %convert_element_type3A_496 = arith.extui %and3A_495 : i1 to i32
    %cond3A_497 = arith.constant 0 : i32
    %cond3A_498 = arith.cmpi ne, %convert_element_type3A_496, %cond3A_497 : i32
    scf.if %cond3A_498 {
      %dma_wait3A_571 = arith.constant 0 : i32
      %dma_wait3A_572 = arith.constant 0 : i32
      %dma_wait3A_573 = tpu.memref_slice %arg6[%dma_wait3A_571, %dma_wait3A_572] : memref<128x128xf32, #tpu.memory_space<vmem>> -> memref<64x128xf32, #tpu.memory_space<vmem>>
      %dma_wait3A_574 = arith.constant 199936 : i32
      %dma_wait3A_575 = arith.constant 0 : i32
      %dma_wait3A_576 = tpu.memref_slice %arg4[%dma_wait3A_574, %dma_wait3A_575] : memref<200000x128xf32, #tpu.memory_space<hbm>> -> memref<64x128xf32, #tpu.memory_space<hbm>>
      %dma_wait3A_577 = arith.constant 199936 : i32
      %dma_wait3A_578 = arith.constant 0 : i32
      %dma_wait3A_579 = tpu.memref_slice %arg4[%dma_wait3A_577, %dma_wait3A_578] : memref<200000x128xf32, #tpu.memory_space<hbm>> -> memref<64x128xf32, #tpu.memory_space<hbm>>
      %dma_wait3A_580 = arith.constant 0 : i32
      %dma_wait3A_581 = arith.constant 0 : i32
      %dma_wait3A_582 = tpu.memref_slice %arg6[%dma_wait3A_580, %dma_wait3A_581] : memref<128x128xf32, #tpu.memory_space<vmem>> -> memref<64x128xf32, #tpu.memory_space<vmem>>
      tpu.wait_dma2 semaphore(%arg20 : memref<!tpu.dma_semaphore, #tpu.memory_space<semaphore_mem>>) src(%dma_wait3A_582 : memref<64x128xf32, #tpu.memory_space<vmem>>) dst(%dma_wait3A_579 : memref<64x128xf32, #tpu.memory_space<hbm>>)
    } else {
    }
    %not3A_499 = arith.constant true
    %not3A_500 = arith.xori %eq3A_3, %not3A_499 : i1
    %or3A_501 = arith.constant false
    %or3A_502 = arith.ori %not3A_500, %or3A_501 : i1
    %convert_element_type3A_503 = arith.extui %or3A_502 : i1 to i32
    %cond3A_504 = arith.constant 0 : i32
    %cond3A_505 = arith.cmpi ne, %convert_element_type3A_503, %cond3A_504 : i32
    scf.if %cond3A_505 {
      %add3A_571 = arith.constant 0 : i32
      %add3A_572 = arith.addi %mul3A_2, %add3A_571 : i32
      %dma_wait3A_573 = arith.constant 0 : i32
      %dma_wait3A_574 = tpu.memref_slice %arg4[%add3A_572, %dma_wait3A_573] : memref<200000x128xf32, #tpu.memory_space<hbm>> -> memref<128x128xf32, #tpu.memory_space<hbm>>
      %dma_wait3A_575 = arith.constant 0 : i32
      %dma_wait3A_576 = tpu.memref_slice %arg4[%add3A_572, %dma_wait3A_575] : memref<200000x128xf32, #tpu.memory_space<hbm>> -> memref<128x128xf32, #tpu.memory_space<hbm>>
      tpu.wait_dma2 semaphore(%arg21 : memref<!tpu.dma_semaphore, #tpu.memory_space<semaphore_mem>>) src(%arg7 : memref<128x128xf32, #tpu.memory_space<vmem>>) dst(%dma_wait3A_576 : memref<128x128xf32, #tpu.memory_space<hbm>>)
    } else {
    }
    %and3A_506 = arith.constant true
    %and3A_507 = arith.andi %eq3A_3, %and3A_506 : i1
    %convert_element_type3A_508 = arith.extui %and3A_507 : i1 to i32
    %cond3A_509 = arith.constant 0 : i32
    %cond3A_510 = arith.cmpi ne, %convert_element_type3A_508, %cond3A_509 : i32
    scf.if %cond3A_510 {
      %dma_wait3A_571 = arith.constant 0 : i32
      %dma_wait3A_572 = arith.constant 0 : i32
      %dma_wait3A_573 = tpu.memref_slice %arg7[%dma_wait3A_571, %dma_wait3A_572] : memref<128x128xf32, #tpu.memory_space<vmem>> -> memref<64x128xf32, #tpu.memory_space<vmem>>
      %dma_wait3A_574 = arith.constant 199936 : i32
      %dma_wait3A_575 = arith.constant 0 : i32
      %dma_wait3A_576 = tpu.memref_slice %arg4[%dma_wait3A_574, %dma_wait3A_575] : memref<200000x128xf32, #tpu.memory_space<hbm>> -> memref<64x128xf32, #tpu.memory_space<hbm>>
      %dma_wait3A_577 = arith.constant 199936 : i32
      %dma_wait3A_578 = arith.constant 0 : i32
      %dma_wait3A_579 = tpu.memref_slice %arg4[%dma_wait3A_577, %dma_wait3A_578] : memref<200000x128xf32, #tpu.memory_space<hbm>> -> memref<64x128xf32, #tpu.memory_space<hbm>>
      %dma_wait3A_580 = arith.constant 0 : i32
      %dma_wait3A_581 = arith.constant 0 : i32
      %dma_wait3A_582 = tpu.memref_slice %arg7[%dma_wait3A_580, %dma_wait3A_581] : memref<128x128xf32, #tpu.memory_space<vmem>> -> memref<64x128xf32, #tpu.memory_space<vmem>>
      tpu.wait_dma2 semaphore(%arg21 : memref<!tpu.dma_semaphore, #tpu.memory_space<semaphore_mem>>) src(%dma_wait3A_582 : memref<64x128xf32, #tpu.memory_space<vmem>>) dst(%dma_wait3A_579 : memref<64x128xf32, #tpu.memory_space<hbm>>)
    } else {
    }
    %not3A_511 = arith.constant true
    %not3A_512 = arith.xori %eq3A_3, %not3A_511 : i1
    %or3A_513 = arith.constant false
    %or3A_514 = arith.ori %not3A_512, %or3A_513 : i1
    %convert_element_type3A_515 = arith.extui %or3A_514 : i1 to i32
    %cond3A_516 = arith.constant 0 : i32
    %cond3A_517 = arith.cmpi ne, %convert_element_type3A_515, %cond3A_516 : i32
    scf.if %cond3A_517 {
      %add3A_571 = arith.constant 0 : i32
      %add3A_572 = arith.addi %mul3A_2, %add3A_571 : i32
      %dma_wait3A_573 = arith.constant 0 : i32
      %dma_wait3A_574 = tpu.memref_slice %arg4[%add3A_572, %dma_wait3A_573] : memref<200000x128xf32, #tpu.memory_space<hbm>> -> memref<128x128xf32, #tpu.memory_space<hbm>>
      %dma_wait3A_575 = arith.constant 0 : i32
      %dma_wait3A_576 = tpu.memref_slice %arg4[%add3A_572, %dma_wait3A_575] : memref<200000x128xf32, #tpu.memory_space<hbm>> -> memref<128x128xf32, #tpu.memory_space<hbm>>
      tpu.wait_dma2 semaphore(%arg22 : memref<!tpu.dma_semaphore, #tpu.memory_space<semaphore_mem>>) src(%arg8 : memref<128x128xf32, #tpu.memory_space<vmem>>) dst(%dma_wait3A_576 : memref<128x128xf32, #tpu.memory_space<hbm>>)
    } else {
    }
    %and3A_518 = arith.constant false
    %and3A_519 = arith.andi %eq3A_3, %and3A_518 : i1
    %convert_element_type3A_520 = arith.extui %and3A_519 : i1 to i32
    %cond3A_521 = arith.constant 0 : i32
    %cond3A_522 = arith.cmpi ne, %convert_element_type3A_520, %cond3A_521 : i32
    scf.if %cond3A_522 {
      %dma_wait3A_571 = arith.constant 0 : i32
      %dma_wait3A_572 = arith.constant 0 : i32
      %dma_wait3A_573 = tpu.memref_slice %arg8[%dma_wait3A_571, %dma_wait3A_572] : memref<128x128xf32, #tpu.memory_space<vmem>> -> memref<64x128xf32, #tpu.memory_space<vmem>>
      %dma_wait3A_574 = arith.constant 199936 : i32
      %dma_wait3A_575 = arith.constant 0 : i32
      %dma_wait3A_576 = tpu.memref_slice %arg4[%dma_wait3A_574, %dma_wait3A_575] : memref<200000x128xf32, #tpu.memory_space<hbm>> -> memref<64x128xf32, #tpu.memory_space<hbm>>
      %dma_wait3A_577 = arith.constant 199936 : i32
      %dma_wait3A_578 = arith.constant 0 : i32
      %dma_wait3A_579 = tpu.memref_slice %arg4[%dma_wait3A_577, %dma_wait3A_578] : memref<200000x128xf32, #tpu.memory_space<hbm>> -> memref<64x128xf32, #tpu.memory_space<hbm>>
      %dma_wait3A_580 = arith.constant 0 : i32
      %dma_wait3A_581 = arith.constant 0 : i32
      %dma_wait3A_582 = tpu.memref_slice %arg8[%dma_wait3A_580, %dma_wait3A_581] : memref<128x128xf32, #tpu.memory_space<vmem>> -> memref<64x128xf32, #tpu.memory_space<vmem>>
      tpu.wait_dma2 semaphore(%arg22 : memref<!tpu.dma_semaphore, #tpu.memory_space<semaphore_mem>>) src(%dma_wait3A_582 : memref<64x128xf32, #tpu.memory_space<vmem>>) dst(%dma_wait3A_579 : memref<64x128xf32, #tpu.memory_space<hbm>>)
    } else {
    }
    %not3A_523 = arith.constant true
    %not3A_524 = arith.xori %eq3A_3, %not3A_523 : i1
    %or3A_525 = arith.constant false
    %or3A_526 = arith.ori %not3A_524, %or3A_525 : i1
    %convert_element_type3A_527 = arith.extui %or3A_526 : i1 to i32
    %cond3A_528 = arith.constant 0 : i32
    %cond3A_529 = arith.cmpi ne, %convert_element_type3A_527, %cond3A_528 : i32
    scf.if %cond3A_529 {
      %add3A_571 = arith.constant 0 : i32
      %add3A_572 = arith.addi %mul3A_2, %add3A_571 : i32
      %dma_wait3A_573 = arith.constant 0 : i32
      %dma_wait3A_574 = tpu.memref_slice %arg4[%add3A_572, %dma_wait3A_573] : memref<200000x128xf32, #tpu.memory_space<hbm>> -> memref<128x128xf32, #tpu.memory_space<hbm>>
      %dma_wait3A_575 = arith.constant 0 : i32
      %dma_wait3A_576 = tpu.memref_slice %arg4[%add3A_572, %dma_wait3A_575] : memref<200000x128xf32, #tpu.memory_space<hbm>> -> memref<128x128xf32, #tpu.memory_space<hbm>>
      tpu.wait_dma2 semaphore(%arg23 : memref<!tpu.dma_semaphore, #tpu.memory_space<semaphore_mem>>) src(%arg9 : memref<128x128xf32, #tpu.memory_space<vmem>>) dst(%dma_wait3A_576 : memref<128x128xf32, #tpu.memory_space<hbm>>)
    } else {
    }
    %and3A_530 = arith.constant false
    %and3A_531 = arith.andi %eq3A_3, %and3A_530 : i1
    %convert_element_type3A_532 = arith.extui %and3A_531 : i1 to i32
    %cond3A_533 = arith.constant 0 : i32
    %cond3A_534 = arith.cmpi ne, %convert_element_type3A_532, %cond3A_533 : i32
    scf.if %cond3A_534 {
      %dma_wait3A_571 = arith.constant 0 : i32
      %dma_wait3A_572 = arith.constant 0 : i32
      %dma_wait3A_573 = tpu.memref_slice %arg9[%dma_wait3A_571, %dma_wait3A_572] : memref<128x128xf32, #tpu.memory_space<vmem>> -> memref<64x128xf32, #tpu.memory_space<vmem>>
      %dma_wait3A_574 = arith.constant 199936 : i32
      %dma_wait3A_575 = arith.constant 0 : i32
      %dma_wait3A_576 = tpu.memref_slice %arg4[%dma_wait3A_574, %dma_wait3A_575] : memref<200000x128xf32, #tpu.memory_space<hbm>> -> memref<64x128xf32, #tpu.memory_space<hbm>>
      %dma_wait3A_577 = arith.constant 199936 : i32
      %dma_wait3A_578 = arith.constant 0 : i32
      %dma_wait3A_579 = tpu.memref_slice %arg4[%dma_wait3A_577, %dma_wait3A_578] : memref<200000x128xf32, #tpu.memory_space<hbm>> -> memref<64x128xf32, #tpu.memory_space<hbm>>
      %dma_wait3A_580 = arith.constant 0 : i32
      %dma_wait3A_581 = arith.constant 0 : i32
      %dma_wait3A_582 = tpu.memref_slice %arg9[%dma_wait3A_580, %dma_wait3A_581] : memref<128x128xf32, #tpu.memory_space<vmem>> -> memref<64x128xf32, #tpu.memory_space<vmem>>
      tpu.wait_dma2 semaphore(%arg23 : memref<!tpu.dma_semaphore, #tpu.memory_space<semaphore_mem>>) src(%dma_wait3A_582 : memref<64x128xf32, #tpu.memory_space<vmem>>) dst(%dma_wait3A_579 : memref<64x128xf32, #tpu.memory_space<hbm>>)
    } else {
    }
    %not3A_535 = arith.constant true
    %not3A_536 = arith.xori %eq3A_3, %not3A_535 : i1
    %or3A_537 = arith.constant false
    %or3A_538 = arith.ori %not3A_536, %or3A_537 : i1
    %convert_element_type3A_539 = arith.extui %or3A_538 : i1 to i32
    %cond3A_540 = arith.constant 0 : i32
    %cond3A_541 = arith.cmpi ne, %convert_element_type3A_539, %cond3A_540 : i32
    scf.if %cond3A_541 {
      %add3A_571 = arith.constant 0 : i32
      %add3A_572 = arith.addi %mul3A_2, %add3A_571 : i32
      %dma_wait3A_573 = arith.constant 0 : i32
      %dma_wait3A_574 = tpu.memref_slice %arg4[%add3A_572, %dma_wait3A_573] : memref<200000x128xf32, #tpu.memory_space<hbm>> -> memref<128x128xf32, #tpu.memory_space<hbm>>
      %dma_wait3A_575 = arith.constant 0 : i32
      %dma_wait3A_576 = tpu.memref_slice %arg4[%add3A_572, %dma_wait3A_575] : memref<200000x128xf32, #tpu.memory_space<hbm>> -> memref<128x128xf32, #tpu.memory_space<hbm>>
      tpu.wait_dma2 semaphore(%arg24 : memref<!tpu.dma_semaphore, #tpu.memory_space<semaphore_mem>>) src(%arg10 : memref<128x128xf32, #tpu.memory_space<vmem>>) dst(%dma_wait3A_576 : memref<128x128xf32, #tpu.memory_space<hbm>>)
    } else {
    }
    %and3A_542 = arith.constant false
    %and3A_543 = arith.andi %eq3A_3, %and3A_542 : i1
    %convert_element_type3A_544 = arith.extui %and3A_543 : i1 to i32
    %cond3A_545 = arith.constant 0 : i32
    %cond3A_546 = arith.cmpi ne, %convert_element_type3A_544, %cond3A_545 : i32
    scf.if %cond3A_546 {
      %dma_wait3A_571 = arith.constant 0 : i32
      %dma_wait3A_572 = arith.constant 0 : i32
      %dma_wait3A_573 = tpu.memref_slice %arg10[%dma_wait3A_571, %dma_wait3A_572] : memref<128x128xf32, #tpu.memory_space<vmem>> -> memref<64x128xf32, #tpu.memory_space<vmem>>
      %dma_wait3A_574 = arith.constant 199936 : i32
      %dma_wait3A_575 = arith.constant 0 : i32
      %dma_wait3A_576 = tpu.memref_slice %arg4[%dma_wait3A_574, %dma_wait3A_575] : memref<200000x128xf32, #tpu.memory_space<hbm>> -> memref<64x128xf32, #tpu.memory_space<hbm>>
      %dma_wait3A_577 = arith.constant 199936 : i32
      %dma_wait3A_578 = arith.constant 0 : i32
      %dma_wait3A_579 = tpu.memref_slice %arg4[%dma_wait3A_577, %dma_wait3A_578] : memref<200000x128xf32, #tpu.memory_space<hbm>> -> memref<64x128xf32, #tpu.memory_space<hbm>>
      %dma_wait3A_580 = arith.constant 0 : i32
      %dma_wait3A_581 = arith.constant 0 : i32
      %dma_wait3A_582 = tpu.memref_slice %arg10[%dma_wait3A_580, %dma_wait3A_581] : memref<128x128xf32, #tpu.memory_space<vmem>> -> memref<64x128xf32, #tpu.memory_space<vmem>>
      tpu.wait_dma2 semaphore(%arg24 : memref<!tpu.dma_semaphore, #tpu.memory_space<semaphore_mem>>) src(%dma_wait3A_582 : memref<64x128xf32, #tpu.memory_space<vmem>>) dst(%dma_wait3A_579 : memref<64x128xf32, #tpu.memory_space<hbm>>)
    } else {
    }
    %not3A_547 = arith.constant true
    %not3A_548 = arith.xori %eq3A_3, %not3A_547 : i1
    %or3A_549 = arith.constant false
    %or3A_550 = arith.ori %not3A_548, %or3A_549 : i1
    %convert_element_type3A_551 = arith.extui %or3A_550 : i1 to i32
    %cond3A_552 = arith.constant 0 : i32
    %cond3A_553 = arith.cmpi ne, %convert_element_type3A_551, %cond3A_552 : i32
    scf.if %cond3A_553 {
      %add3A_571 = arith.constant 0 : i32
      %add3A_572 = arith.addi %mul3A_2, %add3A_571 : i32
      %dma_wait3A_573 = arith.constant 0 : i32
      %dma_wait3A_574 = tpu.memref_slice %arg4[%add3A_572, %dma_wait3A_573] : memref<200000x128xf32, #tpu.memory_space<hbm>> -> memref<128x128xf32, #tpu.memory_space<hbm>>
      %dma_wait3A_575 = arith.constant 0 : i32
      %dma_wait3A_576 = tpu.memref_slice %arg4[%add3A_572, %dma_wait3A_575] : memref<200000x128xf32, #tpu.memory_space<hbm>> -> memref<128x128xf32, #tpu.memory_space<hbm>>
      tpu.wait_dma2 semaphore(%arg25 : memref<!tpu.dma_semaphore, #tpu.memory_space<semaphore_mem>>) src(%arg11 : memref<128x128xf32, #tpu.memory_space<vmem>>) dst(%dma_wait3A_576 : memref<128x128xf32, #tpu.memory_space<hbm>>)
    } else {
    }
    %and3A_554 = arith.constant false
    %and3A_555 = arith.andi %eq3A_3, %and3A_554 : i1
    %convert_element_type3A_556 = arith.extui %and3A_555 : i1 to i32
    %cond3A_557 = arith.constant 0 : i32
    %cond3A_558 = arith.cmpi ne, %convert_element_type3A_556, %cond3A_557 : i32
    scf.if %cond3A_558 {
      %dma_wait3A_571 = arith.constant 0 : i32
      %dma_wait3A_572 = arith.constant 0 : i32
      %dma_wait3A_573 = tpu.memref_slice %arg11[%dma_wait3A_571, %dma_wait3A_572] : memref<128x128xf32, #tpu.memory_space<vmem>> -> memref<64x128xf32, #tpu.memory_space<vmem>>
      %dma_wait3A_574 = arith.constant 199936 : i32
      %dma_wait3A_575 = arith.constant 0 : i32
      %dma_wait3A_576 = tpu.memref_slice %arg4[%dma_wait3A_574, %dma_wait3A_575] : memref<200000x128xf32, #tpu.memory_space<hbm>> -> memref<64x128xf32, #tpu.memory_space<hbm>>
      %dma_wait3A_577 = arith.constant 199936 : i32
      %dma_wait3A_578 = arith.constant 0 : i32
      %dma_wait3A_579 = tpu.memref_slice %arg4[%dma_wait3A_577, %dma_wait3A_578] : memref<200000x128xf32, #tpu.memory_space<hbm>> -> memref<64x128xf32, #tpu.memory_space<hbm>>
      %dma_wait3A_580 = arith.constant 0 : i32
      %dma_wait3A_581 = arith.constant 0 : i32
      %dma_wait3A_582 = tpu.memref_slice %arg11[%dma_wait3A_580, %dma_wait3A_581] : memref<128x128xf32, #tpu.memory_space<vmem>> -> memref<64x128xf32, #tpu.memory_space<vmem>>
      tpu.wait_dma2 semaphore(%arg25 : memref<!tpu.dma_semaphore, #tpu.memory_space<semaphore_mem>>) src(%dma_wait3A_582 : memref<64x128xf32, #tpu.memory_space<vmem>>) dst(%dma_wait3A_579 : memref<64x128xf32, #tpu.memory_space<hbm>>)
    } else {
    }
    %not3A_559 = arith.constant true
    %not3A_560 = arith.xori %eq3A_3, %not3A_559 : i1
    %or3A_561 = arith.constant false
    %or3A_562 = arith.ori %not3A_560, %or3A_561 : i1
    %convert_element_type3A_563 = arith.extui %or3A_562 : i1 to i32
    %cond3A_564 = arith.constant 0 : i32
    %cond3A_565 = arith.cmpi ne, %convert_element_type3A_563, %cond3A_564 : i32
    scf.if %cond3A_565 {
      %add3A_571 = arith.constant 0 : i32
      %add3A_572 = arith.addi %mul3A_2, %add3A_571 : i32
      %dma_wait3A_573 = arith.constant 0 : i32
      %dma_wait3A_574 = tpu.memref_slice %arg4[%add3A_572, %dma_wait3A_573] : memref<200000x128xf32, #tpu.memory_space<hbm>> -> memref<128x128xf32, #tpu.memory_space<hbm>>
      %dma_wait3A_575 = arith.constant 0 : i32
      %dma_wait3A_576 = tpu.memref_slice %arg4[%add3A_572, %dma_wait3A_575] : memref<200000x128xf32, #tpu.memory_space<hbm>> -> memref<128x128xf32, #tpu.memory_space<hbm>>
      tpu.wait_dma2 semaphore(%arg26 : memref<!tpu.dma_semaphore, #tpu.memory_space<semaphore_mem>>) src(%arg12 : memref<128x128xf32, #tpu.memory_space<vmem>>) dst(%dma_wait3A_576 : memref<128x128xf32, #tpu.memory_space<hbm>>)
    } else {
    }
    %and3A_566 = arith.constant false
    %and3A_567 = arith.andi %eq3A_3, %and3A_566 : i1
    %convert_element_type3A_568 = arith.extui %and3A_567 : i1 to i32
    %cond3A_569 = arith.constant 0 : i32
    %cond3A_570 = arith.cmpi ne, %convert_element_type3A_568, %cond3A_569 : i32
    scf.if %cond3A_570 {
      %dma_wait3A_571 = arith.constant 0 : i32
      %dma_wait3A_572 = arith.constant 0 : i32
      %dma_wait3A_573 = tpu.memref_slice %arg12[%dma_wait3A_571, %dma_wait3A_572] : memref<128x128xf32, #tpu.memory_space<vmem>> -> memref<64x128xf32, #tpu.memory_space<vmem>>
      %dma_wait3A_574 = arith.constant 199936 : i32
      %dma_wait3A_575 = arith.constant 0 : i32
      %dma_wait3A_576 = tpu.memref_slice %arg4[%dma_wait3A_574, %dma_wait3A_575] : memref<200000x128xf32, #tpu.memory_space<hbm>> -> memref<64x128xf32, #tpu.memory_space<hbm>>
      %dma_wait3A_577 = arith.constant 199936 : i32
      %dma_wait3A_578 = arith.constant 0 : i32
      %dma_wait3A_579 = tpu.memref_slice %arg4[%dma_wait3A_577, %dma_wait3A_578] : memref<200000x128xf32, #tpu.memory_space<hbm>> -> memref<64x128xf32, #tpu.memory_space<hbm>>
      %dma_wait3A_580 = arith.constant 0 : i32
      %dma_wait3A_581 = arith.constant 0 : i32
      %dma_wait3A_582 = tpu.memref_slice %arg12[%dma_wait3A_580, %dma_wait3A_581] : memref<128x128xf32, #tpu.memory_space<vmem>> -> memref<64x128xf32, #tpu.memory_space<vmem>>
      tpu.wait_dma2 semaphore(%arg26 : memref<!tpu.dma_semaphore, #tpu.memory_space<semaphore_mem>>) src(%dma_wait3A_582 : memref<64x128xf32, #tpu.memory_space<vmem>>) dst(%dma_wait3A_579 : memref<64x128xf32, #tpu.memory_space<hbm>>)
    } else {
    }
    return
  }
}

</mosaic_0001>

<sc_bundles>
// kernel: _gather.3.cloned.1.call-start
scs
__scs_entry_jumppad:
0x0: {  	(pc) =	sbr.rel $0x88, $3  }
0x1: {  	(tag) =	ssettag $0x0;
	lr =	simm.s32 $0x1  }
0x2: {  	[smem:$0x3F9F] =	sst lr;
	_ =	strace $0xD0000000  }
0x3: {  	_ = 	snop  }
0x4: {  	_ = 	snop  }
0x5: {  	_ = 	snop  }
0x6: {  	_ = 	snop  }
0x7: {  	_ = 	snop  }
__scs_overlays_trampoline_lowered:
0x8: {  	[smem:$0x3FAE] =	sst s0  }
0x9: {  	[smem:$0x3FAF] =	sst s1  }
0xa: {  	[smem:$0x3FB0] =	sst s2  }
0xb: {  	[smem:$0x3FB1] =	sst s3  }
0xc: {  	[smem:$0x3FB2] =	sst s4  }
0xd: {  	[smem:$0x3FB3] =	sst s5  }
0xe: {  	[smem:$0x3FB4] =	sst s6  }
0xf: {  	[smem:$0x3FB5] =	sst s7  }
0x10: {  	[smem:$0x3FB6] =	sst s8  }
0x11: {  	[smem:$0x3FB7] =	sst s9;
	s0 =	simm.s32 @!p0 $0x0  }
0x12: {  	s1 =	sld [smem:$0x3F9D];
	s0 =	simm.s32 @p0 $0x1  }
0x13: {  	[smem:$0x3FB8] =	sst s0;
	s0 =	simm.s32 @!p1 $0x0  }
0x14: {  	s2 =	sld [smem:$0x3F9C];
	s0 =	simm.s32 @p1 $0x1  }
0x15: {  	[smem:$0x3FB9] =	sst s0;
	s0 =	simm.s32 @!p2 $0x0  }
0x16: {  	s3 =	sld [smem:$0x3FDB];
	s0 =	simm.s32 @p2 $0x1  }
0x17: {  	s4 =	simm.s32 $0x1BF5;
	[smem:$0x3FBB] =	sst s0  }
0x18: {  	s0 =	sld [smem:$0x3F9E];
	_ =	swait.ge [sflag:s4], $0x0  }
0x19: {  	s7 =	sld [smem:$0x3F9F]  }
0x1a: {  	s8 =	sadd.s32 $0xFFFFE003, lr  }
0x1b: {  	s9 =	sadd.s32 $0xFFFFFEF7, lr;
	s5 =	simm.s32 $0xFFFFFFFF;
	p2 =	slt.u32 s8, $0xFFFFF086  }
0x1c: {  	p1 =	slt.u32 s9, $0xF7A;
	s5 =	simm.s32 @!p2 $0x0  }
0x1d: {  	s5 =	simm.s32 @p1 $0x1;
	p0 =	seq.s32 s7, s2  }
0x1e: {  	s7 =	smul.u32 @!p0 $0xF7A, s2;
	p2 =	seq.s32 @!p0 s5, $0x0  }
0x1f: {  	s9 =	smul.u32 $0xF7A, s1;
	s8 =	simm.s32 @!p0 $0x1BF5;
	p2 =	por !p2, p0  }
0x20: {  	[sflag:s8] =	ssyncset.s32 @!p0 $0xFFFFF086;
	s6 =	sadd.s32 @!p0 s3, s7;
	s7 =	simm.s32 @!p0 $0x108  }
0x21: {  	s3 =	sadd.s32 s3, s9;
	s6 =	sadd.s32 @!p0 $0x88, s6;
	s7 =	simm.s32 @p2 $0x1082  }
0x22: {  	[simem:s7], [sflag:s8] =	dma.local @!p0 [hbm:s6], $0xF7A  }
0x23: {  	s9 =	sor.u32 $0xD0000000, s2;
	s6 =	simm.s32 $0x108;
	_ =	swait.ge @!p0 [sflag:s8], $0x0  }
0x24: {  	s3 =	sadd.s32 $0x88, s3;
	s6 =	simm.s32 @!p1 $0x1082;
	[sflag:s4] =	ssyncset.s32 $0xFFFFF086  }
0x25: {  	[simem:s6], [sflag:s4] =	dma.local [hbm:s3], $0xF7A  }
0x26: {  	[smem:$0x3F9F] =	sst s1;
	(tag) =	ssettag s2;
	_ =	strace s9  }
0x27: {  	s1 =	sld [smem:$0x3FAF]  }
0x28: {  	s2 =	sld [smem:$0x3FB0]  }
0x29: {  	s4 =	sld [smem:$0x3FB2]  }
0x2a: {  	p0 =	seq.s32 s5, $0x0;
	s5 =	sld [smem:$0x3FB3]  }
0x2b: {  	s6 =	sld [smem:$0x3FB4]  }
0x2c: {  	s7 =	sld [smem:$0x3FB5]  }
0x2d: {  	s3 =	simm.s32 $0x108;
	s8 =	sld [smem:$0x3FB6]  }
0x2e: {  	s3 =	simm.s32 @!p0 $0x1082;
	s9 =	sld [smem:$0x3FB7]  }
0x2f: {  	lr =	sadd.s32 s0, s3;
	s0 =	sld [smem:$0x3FAE]  }
0x30: {  	s3 =	sld [smem:$0x3FB1]  }
0x31: {  	[smem:$0x3FBA] =	sst s10  }
0x32: {  	s10 =	sld [smem:$0x3FB8];
	_ =	sdelay $0x3  }
0x33: {  	p0 =	seq.s32 s10, $0x1;
	s10 =	sld [smem:$0x3FBA];
	_ =	sdelay $0x3  }
0x34: {  	[smem:$0x3FBA] =	sst s10  }
0x35: {  	s10 =	sld [smem:$0x3FB9];
	_ =	sdelay $0x3  }
0x36: {  	p1 =	seq.s32 s10, $0x1;
	s10 =	sld [smem:$0x3FBA];
	_ =	sdelay $0x3  }
0x37: {  	[smem:$0x3FBA] =	sst s10  }
0x38: {  	s10 =	sld [smem:$0x3FBB]  }
0x39: {  	_ = 	snop;
	(pc) =	sbr.ind lr, $3  }
0x3a: {  	_ = 	snop  }
0x3b: {  	_ = 	snop  }
0x3c: {  	p2 =	seq.s32 s10, $0x1;
	s10 =	sld [smem:$0x3FBA]  }
0x3d: {  	_ =	shalt  }
0x3e: {  	_ =	shalt  }
0x3f: {  	_ =	shalt  }
0x40: {  	_ =	shalt  }
0x41: {  	_ =	shalt  }
0x42: {  	_ =	shalt  }
0x43: {  	_ =	shalt  }
0x44: {  	_ =	shalt  }
0x45: {  	_ =	shalt  }
0x46: {  	_ =	shalt  }
0x47: {  	_ =	shalt  }
0x48: {  	_ =	shalt  }
0x49: {  	_ =	shalt  }
0x4a: {  	_ =	shalt  }
0x4b: {  	_ =	shalt  }
0x4c: {  	_ =	shalt  }
0x4d: {  	_ =	shalt  }
0x4e: {  	_ =	shalt  }
0x4f: {  	_ =	shalt  }
0x50: {  	_ =	shalt  }
0x51: {  	_ =	shalt  }
0x52: {  	_ =	shalt  }
0x53: {  	_ =	shalt  }
0x54: {  	_ =	shalt  }
0x55: {  	_ =	shalt  }
0x56: {  	_ =	shalt  }
0x57: {  	_ =	shalt  }
0x58: {  	_ =	shalt  }
0x59: {  	_ =	shalt  }
0x5a: {  	_ =	shalt  }
0x5b: {  	_ =	shalt  }
0x5c: {  	_ =	shalt  }
0x5d: {  	_ =	shalt  }
0x5e: {  	_ =	shalt  }
0x5f: {  	_ =	shalt  }
0x60: {  	_ =	shalt  }
0x61: {  	_ =	shalt  }
0x62: {  	_ =	shalt  }
0x63: {  	_ =	shalt  }
0x64: {  	_ =	shalt  }
0x65: {  	_ =	shalt  }
0x66: {  	_ =	shalt  }
0x67: {  	_ =	shalt  }
0x68: {  	_ =	shalt  }
0x69: {  	_ =	shalt  }
0x6a: {  	_ =	shalt  }
0x6b: {  	_ =	shalt  }
0x6c: {  	_ =	shalt  }
0x6d: {  	_ =	shalt  }
0x6e: {  	_ =	shalt  }
0x6f: {  	_ =	shalt  }
0x70: {  	_ =	shalt  }
0x71: {  	_ =	shalt  }
0x72: {  	_ =	shalt  }
0x73: {  	_ =	shalt  }
0x74: {  	_ =	shalt  }
0x75: {  	_ =	shalt  }
0x76: {  	_ =	shalt  }
0x77: {  	_ =	shalt  }
0x78: {  	_ =	shalt  }
0x79: {  	_ =	shalt  }
0x7a: {  	_ =	shalt  }
0x7b: {  	_ =	shalt  }
0x7c: {  	_ =	shalt  }
0x7d: {  	_ =	shalt  }
0x7e: {  	_ =	shalt  }
0x7f: {  	_ =	shalt  }
0x80: {  	_ =	shalt  }
0x81: {  	_ =	shalt  }
0x82: {  	_ =	shalt  }
0x83: {  	_ =	shalt  }
0x84: {  	_ =	shalt  }
0x85: {  	_ =	shalt  }
0x86: {  	_ =	shalt  }
0x87: {  	_ =	shalt  }
.Lfunc_end0:
.L_simem_size_0:
called_computation_lowered:
.L_overlay_start_0:
0x88: {  	s2 =	sld [smem:$0x3FD9]  }
0x89: {  	s3 =	sld [smem:$0x3FFE];
	_ =	sdelay $0x1  }
0x8a: {  	s1 =	srdreg.scid  }
0x8b: {  	s0 =	sand.u32 $0x1, s1  }
0x8c: {  	s18 =	sshll.u32 s0, $0xA;
	s2 =	sadd.s32 s3, s2  }
0x8d: {  	s2 =	sadd.s32 s2, s18  }
0x8e: {  	[smem:$0x3FC6] =	sst s2  }
0x8f: {  	_ = 	snop  }
0x90: {  	s2 =	sld [smem:$0x3FC9]  }
0x91: {  	s19 =	sld [smem:$0x3FC8]  }
0x92: {  	s4 =	sld [smem:$0x3FD0];
	(tm) =	ssettm $0x1  }
0x93: {  	s5 =	sld [smem:$0x3FFB];
	_ =	sdelay $0x3  }
0x94: {  	_ =	strace s5  }
0x95: {  	s5 =	sld [smem:$0x3FFC];
	_ =	sdelay $0x3  }
0x96: {  	_ =	strace s5  }
0x97: {  	s5 =	sld [smem:$0x3FFD];
	_ =	sdelay $0x3  }
0x98: {  	_ =	strace s5  }
0x99: {  	_ =	strace $0x8FFFFFFF  }
0x9a: {  	s20 =	sld [smem:$0x3FDB];
	_ =	sdelay $0x1  }
0x9b: {  	s6 =	simm.s32 $_scs_section_size  }
0x9c: {  	s7 =	simm.s32 $_size__tile_overlayer_lowered;
	s8 =	simm.s32 $_tile_overlayer_lowered  }
0x9d: {  	s23 =	simm.s32 $0x1BFF;
	s22 =	sshll.u32 s8, $0x1;
	s5 =	sadd.s32 s6, s20  }
0x9e: {  	s9 =	simm.s32 $0x0;
	s21 =	sshll.u32 s7, $0x1;
	s7 =	sadd.s32 s22, s5  }
0x9f: {  	[timem:s9], [sflag:s23] =	dma.local [hbm:s7], s21  }
0xa0: {  	_ =	swait.ge [sflag:s23], s21  }
0xa1: {  	s6 =	ssub.s32 $0x0, s21;
	[sflag:s23] =	ssyncset.done $0x0  }
0xa2: {  	[sflag:s23] =	ssyncadd.s32 s6;
	_ =	sdelay $0x1  }
0xa3: {  	s24 =	simm.s32 $0x1B8B  }
0xa4: {  	_ =	swait.ge [sflag:s24], $0x1  }
0xa5: {  	[sflag:s24] =	ssyncset.done $0x0  }
0xa6: {  	s25 =	simm.s32 $0x1B8E;
	[sflag:s24] =	ssyncadd.s32 $0xFFFFFFFF  }
0xa7: {  	s26 =	simm.s32 $execute0_lowered;
	[smem:$0x3FD2] =	sst s25  }
0xa8: {  	s6 =	sshll.u32 s26, $0x1;
	_ =	strace $0x80000046;
	[dreg:$0x1] =	wrdreg $0xFFFFFFFF  }
0xa9: {  	s28 =	simm.s32 $_size_execute0_lowered;
	s5 =	sadd.s32 s5, s6;
	[dreg:$0x0] =	wrdreg $0x0  }
0xaa: {  	s6 =	sshll.u32 s28, $0x1;
	[dreg:$0x2] =	wrdreg s5  }
0xab: {  	[dreg:$0x3] =	wrdreg s6  }
0xac: {  	[dreg:$0x4] =	wrdreg $0xC0  }
0xad: {  	_ =	task [dreg:s9], $0x5FFFF  }
0xae: {  	[dreg:$0x1] =	wrdreg $0xFFFFFFFF  }
0xaf: {  	[dreg:$0x0] =	wrdreg $0x60  }
0xb0: {  	[dreg:$0x2] =	wrdreg s2  }
0xb1: {  	[dreg:$0x3] =	wrdreg s19  }
0xb2: {  	[dreg:$0x4] =	wrdreg s4  }
0xb3: {  	[dreg:$0x5] =	wrdreg $0x9  }
0xb4: {  	_ =	task.clear_ibuf [dreg:s9], $0x6FFFF;
	_ =	strace $0x90000046  }
0xb5: {  	s29 =	simm.s32 $0x9;
	_ =	strace $0x80000048  }
0xb6: {  	_ =	swait.ge [sflag:s29], $0x1  }
0xb7: {  	[sflag:s29] =	ssyncadd.s32 $0xFFFFFFFF  }
0xb8: {  	_ =	strace $0x90000048  }
0xb9: {  	_ =	sfence  }
0xba: {  	s30 =	sld [smem:$0x0];
	_ =	sdelay $0x2  }
0xbb: {  	s31 =	sshll.u32 s1, $0xD;
	s1 =	sshrl.u32 s1, $0x2  }
0xbc: {  	s3 =	sand.u32 $0x4000, s31;
	s1 =	sadd.s32 s1, s30  }
0xbd: {  	s0 =	sor.u32 s3, s0;
	s1 =	sshll.u32 s1, $0x11  }
0xbe: {  	s0 =	sor.u32 s1, s0  }
0xbf: {  	s0 =	sadd.s32 $0x8F2B, s0  }
0xc0: {  	[sflag:s0] =	ssyncadd.remote.s32 $0x1  }
0xc1: {  	_ =	sfence.sel $0xFFFF  }
0xc2: {  	[dreg:$0x0] =	wrdreg $0xFFFFFFFF;
	(pc) =	sbr.abs _section_cstart, $3  }
0xc3: {  	[dreg:$0x1] =	wrdreg $0xFFFFFFFF  }
0xc4: {  	_ =	task.clear_ibuf [dreg:s9], $0x2FFFF;
	_ =	strace $0x9FFFFFFF  }
0xc5: {  	(tm) =	ssettm $0x7FFFFFFF  }
tec
execute0_lowered:
.L_overlay_start_1:
0x0: {  	(tag) =	ssettag $0x1  }
0x1: {  	s1 =	rddreg [dreg:$0x0]  }
0x2: {  	s0 =	srdreg.scid;
	s2 =	rddreg [dreg:$0x1]  }
0x3: {  	s10 =	stileid.u32;
	s23 =	rddreg [dreg:$0x2]  }
0x4: {  	s4 =	simm.s32 $0x0;
	s0 =	sand.u32 $0x1, s0;
	s3 =	sshll.u32 s10, $0x1  }
0x5: {  	s28 =	simm.s32 $0x19880;
	s29 =	simm.s32 $0x6;
	s3 =	sor.u32 s0, s3  }
0x6: {  	s30 =	simm.s32 $0x7;
	[smem:$0x7FF] =	sst s4;
	s5 =	smul.u32 $0x310, s3  }
0x7: {  	s6 =	ssub.s32 $0x2, s0;
	_ =	strace $0x80000047;
	s7 =	smul.u32 $0xC4000, s3  }
0x8: {  	s8 =	sshrl.u32 s6, $0x1;
	s9 =	smul.u32 $0x18800, s3;
	s5 =	sadd.s32 s2, s5  }
0x9: {  	s6 =	ssub.s32 s6, s8;
	s2 =	sadd.s32 $0x5EF0, s2;
	[dreg:$0x4] =	wrdreg s5  }
0xa: {  	s20 =	sshrl.u32 s7, $0x3;
	s21 =	sadd.s32 s23, s9;
	[dreg:$0x5] =	wrdreg s2  }
0xb: {  	s6 =	smax.u32 s6, $0x1;
	[dreg:$0x6] =	wrdreg s21;
	s22 =	sadd.s32 s23, s20  }
0xc: {  	s31 =	simm.s32 $0xB;
	[dreg:$0x14] =	wrdreg s6;
	s5 =	sadd.s32 $0x800, s22  }
0xd: {  	s0 =	smul.u32 $0xC4000, s0;
	s24 =	sadd.s32 $0x1000, s22;
	[dreg:$0x7] =	wrdreg s5  }
0xe: {  	p0 =	seq.s32 s3, $0x1F;
	s25 =	sadd.s32 $0x1800, s22;
	[dreg:$0x8] =	wrdreg s24  }
0xf: {  	s8 =	smul.u32 $0x188000, s10;
	s26 =	sadd.s32 $0x2000, s22;
	[dreg:$0x9] =	wrdreg s25  }
0x10: {  	p1 =	sne.s32 s3, $0x1F;
	s7 =	sadd.s32 $0x2800, s22;
	[dreg:$0xa] =	wrdreg s26  }
0x11: {  	s0 =	sadd.s32 s0, s8;
	s9 =	sadd.s32 $0x3000, s22;
	[dreg:$0xb] =	wrdreg s7  }
0x12: {  	s6 =	simm.s32 $0x5880;
	s10 =	sadd.s32 $0x15000, s22;
	[dreg:$0xc] =	wrdreg s9  }
0x13: {  	s8 =	simm.s32 $0x2;
	s11 =	sadd.s32 $0x15800, s22;
	[dreg:$0xd] =	wrdreg s10  }
0x14: {  	s12 =	sadd.s32 $0x16000, s22;
	s13 =	sadd.s32 $0x16800, s22;
	[dreg:$0xe] =	wrdreg s11  }
0x15: {  	s14 =	sadd.s32 $0x17000, s22;
	s15 =	sadd.s32 $0x17800, s22;
	[dreg:$0xf] =	wrdreg s12  }
0x16: {  	s2 =	sadd.s32 $0x18000, s22;
	s16 =	sadd.s32 $0x34000, s0;
	[dreg:$0x10] =	wrdreg s13  }
0x17: {  	v0 =	vlaneseq.u32;
	s17 =	sadd.s32 $0x2C000, s0;
	s20 =	sadd.s32 $0x28000, s0;
	[dreg:$0x11] =	wrdreg s14  }
0x18: {  	v1 =	vor.u32 $0x10, v0;
	s21 =	sadd.s32 $0x24000, s0;
	s22 =	sadd.s32 $0x20000, s0;
	[dreg:$0x12] =	wrdreg s15  }
0x19: {  	v2 =	vor.u32 $0x20, v0;
	v3 =	vor.u32 $0x30, v0;
	v4 =	vor.u32 $0x40, v0;
	[dreg:$0x13] =	wrdreg s2;
	s5 =	sadd.s32 $0x30000, s0;
	s2 =	sshrl.u32 s16, $0x3  }
0x1a: {  	v5 =	vor.u32 $0x50, v0;
	v6 =	vor.u32 $0x60, v0;
	v7 =	vor.u32 $0x70, v0;
	s19 =	sshrl.u32 s17, $0x3;
	s3 =	sshrl.u32 s21, $0x3;
	s25 =	sshrl.u32 s22, $0x3  }
0x1b: {  	v8 =	vor.u32 $0x80, v0;
	v9 =	vor.u32 $0x90, v0;
	v10 =	vor.u32 $0xA0, v0;
	s0 =	sadd.s32 $0x1C000, s0;
	s26 =	sadd.s32 $0x30D000, s23;
	s11 =	simm.s32 $0xD880  }
0x1c: {  	v11 =	vor.u32 $0xB0, v0;
	v12 =	vor.u32 $0xC0, v0;
	v13 =	vor.u32 $0xD0, v0;
	s10 =	simm.s32 $0x11880;
	s12 =	simm.s32 $0x15880;
	s7 =	simm.s32 $0x1  }
0x1d: {  	v14 =	vor.u32 $0xE0, v0;
	v15 =	vor.u32 $0xF0, v0;
	v16 =	vor.u32 $0x100, v0;
	s9 =	simm.s32 $0x8;
	s13 =	simm.s32 $0x3;
	s14 =	simm.s32 $0x9  }
0x1e: {  	v17 =	vor.u32 $0x110, v0;
	v18 =	vor.u32 $0x120, v0;
	v19 =	vor.u32 $0x130, v0;
	s15 =	simm.s32 $0x4;
	s21 =	simm.s32 $0xB;
	s22 =	simm.s32 $0xC  }
0x1f: {  	v20 =	vor.u32 $0x140, v0;
	v21 =	vor.u32 $0x150, v0;
	v22 =	vor.u32 $0x160, v0;
	s16 =	simm.s32 $0xD;
	s17 =	simm.s32 $0xE;
	[dreg:$0x1b] =	wrdreg s0  }
0x20: {  	v23 =	vor.u32 $0x170, v0;
	v24 =	vor.u32 $0x180, v0;
	v25 =	vor.u32 $0x190, v0;
	s5 =	sshrl.u32 s5, $0x3;
	s2 =	sadd.s32 s2, s23;
	[dreg:$0x1c] =	wrdreg s26  }
0x21: {  	v26 =	vor.u32 $0x1A0, v0;
	v27 =	vor.u32 $0x1B0, v0;
	v28 =	vor.u32 $0x1C0, v0;
	s24 =	sadd.s32 s3, s23;
	[dreg:$0x15] =	wrdreg s2;
	s18 =	sadd.s32 s5, s23  }
0x22: {  	v29 =	vor.u32 $0x1D0, v0;
	v30 =	vor.u32 $0x1E0, v0;
	v31 =	vor.u32 $0x1F0, v0;
	s2 =	sadd.s32 s19, s23;
	[dreg:$0x19] =	wrdreg s24;
	s5 =	simm.s32 $0x1880  }
0x23: {  	v32 =	vor.u32 $0x200, v0;
	v33 =	vor.u32 $0x210, v0;
	v34 =	vor.u32 $0x220, v0;
	s24 =	simm.s32 $0x9880;
	[dreg:$0x17] =	wrdreg s2;
	s2 =	sshrl.u32 s20, $0x3  }
0x24: {  	v35 =	vor.u32 $0x230, v0;
	v36 =	vor.u32 $0x240, v0;
	v37 =	vor.u32 $0x250, v0;
	s19 =	simm.s32 $0x0;
	[dreg:$0x16] =	wrdreg s18;
	s2 =	sadd.s32 s2, s23  }
0x25: {  	v38 =	vor.u32 $0x260, v0;
	v39 =	vor.u32 $0x270, v0;
	v40 =	vor.u32 $0x280, v0;
	s18 =	simm.s32 $0xA;
	[dreg:$0x18] =	wrdreg s2;
	s2 =	sadd.s32 s25, s23  }
0x26: {  	v41 =	vor.u32 $0x290, v0;
	v42 =	vor.u32 $0x2A0, v0;
	v43 =	vor.u32 $0x2B0, v0;
	s20 =	simm.s32 $0x5;
	[dreg:$0x1a] =	wrdreg s2;
	s2 =	simm.s32 $0x80  }
.LBB2_1:
0x27: {  	s0 =	rddreg @!p0 [dreg:$0x4]  }
0x28: {  	[tilespmem:s4], [sflag:$0xF] =	stream.linear.gather @!p0 [hbm4b:s0+s4], $0x1880, $0x38;
	[tilespmem:$0x1D880] =	vst v63  }
0x29: {  	[dreg:$0x1d] =	wrdreg s19;
	s0 =	simm.s32 @!p0 $0xF  }
0x2a: {  	_ =	swait.ge @!p0 [sflag:s0], $0x1880  }
0x2b: {  	[sflag:s0] =	ssyncset.done @!p0 $0x0  }
0x2c: {  	[sflag:s0] =	ssyncadd.s32 @!p0 $0xFFFFE780;
	s0 =	rddreg @p0 [dreg:$0x5]  }
0x2d: {  	[tilespmem:s4], [sflag:$0xF] =	stream.linear.gather @p0 [hbm4b:s0+s4], $0x15C0, $0x38;
	[tilespmem:$0x1D880] =	vst v63  }
0x2e: {  	s0 =	simm.s32 @p0 $0xF  }
0x2f: {  	_ =	swait.ge @p0 [sflag:s0], $0x15C0  }
0x30: {  	[sflag:s0] =	ssyncset.done @p0 $0x0  }
0x31: {  	[sflag:s0] =	ssyncadd.s32 @p0 $0xFFFFEA40  }
0x32: {  	[tilespmem:$0x15C0] =	vst @p0 v0  }
0x33: {  	[tilespmem:$0x15D0] =	vst @p0 v1  }
0x34: {  	[tilespmem:$0x15E0] =	vst @p0 v2  }
0x35: {  	[tilespmem:$0x15F0] =	vst @p0 v3  }
0x36: {  	[tilespmem:$0x1600] =	vst @p0 v4  }
0x37: {  	[tilespmem:$0x1610] =	vst @p0 v5  }
0x38: {  	[tilespmem:$0x1620] =	vst @p0 v6  }
0x39: {  	[tilespmem:$0x1630] =	vst @p0 v7  }
0x3a: {  	[tilespmem:$0x1640] =	vst @p0 v8  }
0x3b: {  	[tilespmem:$0x1650] =	vst @p0 v9  }
0x3c: {  	[tilespmem:$0x1660] =	vst @p0 v10  }
0x3d: {  	[tilespmem:$0x1670] =	vst @p0 v11  }
0x3e: {  	[tilespmem:$0x1680] =	vst @p0 v12  }
0x3f: {  	[tilespmem:$0x1690] =	vst @p0 v13  }
0x40: {  	[tilespmem:$0x16A0] =	vst @p0 v14  }
0x41: {  	[tilespmem:$0x16B0] =	vst @p0 v15  }
0x42: {  	[tilespmem:$0x16C0] =	vst @p0 v16  }
0x43: {  	[tilespmem:$0x16D0] =	vst @p0 v17  }
0x44: {  	[tilespmem:$0x16E0] =	vst @p0 v18  }
0x45: {  	[tilespmem:$0x16F0] =	vst @p0 v19  }
0x46: {  	[tilespmem:$0x1700] =	vst @p0 v20  }
0x47: {  	[tilespmem:$0x1710] =	vst @p0 v21  }
0x48: {  	[tilespmem:$0x1720] =	vst @p0 v22  }
0x49: {  	[tilespmem:$0x1730] =	vst @p0 v23  }
0x4a: {  	[tilespmem:$0x1740] =	vst @p0 v24  }
0x4b: {  	[tilespmem:$0x1750] =	vst @p0 v25  }
0x4c: {  	[tilespmem:$0x1760] =	vst @p0 v26  }
0x4d: {  	[tilespmem:$0x1770] =	vst @p0 v27  }
0x4e: {  	[tilespmem:$0x1780] =	vst @p0 v28  }
0x4f: {  	[tilespmem:$0x1790] =	vst @p0 v29  }
0x50: {  	[tilespmem:$0x17A0] =	vst @p0 v30  }
0x51: {  	[tilespmem:$0x17B0] =	vst @p0 v31  }
0x52: {  	[tilespmem:$0x17C0] =	vst @p0 v32  }
0x53: {  	[tilespmem:$0x17D0] =	vst @p0 v33  }
0x54: {  	[tilespmem:$0x17E0] =	vst @p0 v34  }
0x55: {  	[tilespmem:$0x17F0] =	vst @p0 v35  }
0x56: {  	[tilespmem:$0x1800] =	vst @p0 v36  }
0x57: {  	[tilespmem:$0x1810] =	vst @p0 v37  }
0x58: {  	[tilespmem:$0x1820] =	vst @p0 v38  }
0x59: {  	[tilespmem:$0x1830] =	vst @p0 v39  }
0x5a: {  	[tilespmem:$0x1840] =	vst @p0 v40  }
0x5b: {  	[tilespmem:$0x1850] =	vst @p0 v41  }
0x5c: {  	[tilespmem:$0x1860] =	vst @p0 v42  }
0x5d: {  	s0 =	simm.s32 $0x0;
	[tilespmem:$0x1870] =	vst @p0 v43  }
0x5e: {  	[tilespmem:s5], [sflag:$0x1] =	stream.indirect.gather [hbm4b:s1+s2], $0x80, s0, s2, $0xb8;
	[tilespmem:$0x1D880] =	vst v63  }
0x5f: {  	_ = 	snop  }
0x60: {  	[tilespmem:s6], [sflag:$0x2] =	stream.indirect.gather [hbm4b:s1+s2], $0x80, s2, s2, $0xb8;
	[tilespmem:$0x1D880] =	vst v63  }
0x61: {  	s3 =	simm.s32 $0x100  }
0x62: {  	[tilespmem:s24], [sflag:$0x3] =	stream.indirect.gather [hbm4b:s1+s2], $0x80, s3, s2, $0xb8;
	[tilespmem:$0x1D880] =	vst v63  }
0x63: {  	s25 =	simm.s32 $0x180  }
0x64: {  	[tilespmem:s11], [sflag:$0x4] =	stream.indirect.gather [hbm4b:s1+s2], $0x80, s25, s2, $0xb8;
	[tilespmem:$0x1D880] =	vst v63  }
0x65: {  	s26 =	simm.s32 $0x200  }
0x66: {  	[tilespmem:s10], [sflag:$0x5] =	stream.indirect.gather [hbm4b:s1+s2], $0x80, s26, s2, $0xb8;
	[tilespmem:$0x1D880] =	vst v63  }
0x67: {  	s19 =	simm.s32 $0x280  }
0x68: {  	[tilespmem:s12], [sflag:$0x6] =	stream.indirect.gather [hbm4b:s1+s2], $0x80, s19, s2, $0xb8;
	[tilespmem:$0x1D880] =	vst v63  }
0x69: {  	_ =	swait.ge [sflag:s7], $0x4000  }
0x6a: {  	[sflag:s7] =	ssyncset.done $0x0  }
0x6b: {  	s25 =	rddreg [dreg:$0x6];
	[sflag:s7] =	ssyncadd.s32 $0xFFFFC000  }
0x6c: {  	[hbm4b:s25+s0] =	stream.linear.scatter [tilespmem:s5], [sflag:$0x8], $0x4000, $0x38;
	[tilespmem:$0x1D880] =	vst v63  }
0x6d: {  	s26 =	simm.s32 $0x300  }
0x6e: {  	[tilespmem:s28], [sflag:$0x7] =	stream.indirect.gather [hbm4b:s1+s2], $0x80, s26, s2, $0xb8;
	[tilespmem:$0x1D880] =	vst v63  }
0x6f: {  	_ =	swait.ge [sflag:s8], $0x4000  }
0x70: {  	[sflag:s8] =	ssyncset.done $0x0  }
0x71: {  	s19 =	rddreg [dreg:$0x7];
	[sflag:s8] =	ssyncadd.s32 $0xFFFFC000  }
0x72: {  	[hbm4b:s19+s0] =	stream.linear.scatter [tilespmem:s6], [sflag:$0x9], $0x4000, $0x38;
	[tilespmem:$0x1D880] =	vst v63  }
0x73: {  	_ =	swait.ge [sflag:s9], $0x4000  }
0x74: {  	[sflag:s9] =	ssyncset.done $0x0  }
0x75: {  	s25 =	simm.s32 $0x380;
	[sflag:s9] =	ssyncadd.s32 $0xFFFFC000  }
0x76: {  	[tilespmem:s5], [sflag:$0x1] =	stream.indirect.gather [hbm4b:s1+s2], $0x80, s25, s2, $0xb8;
	[tilespmem:$0x1D880] =	vst v63  }
0x77: {  	_ =	swait.ge [sflag:s13], $0x4000  }
0x78: {  	[sflag:s13] =	ssyncset.done $0x0  }
0x79: {  	s26 =	rddreg [dreg:$0x8];
	[sflag:s13] =	ssyncadd.s32 $0xFFFFC000  }
0x7a: {  	[hbm4b:s26+s0] =	stream.linear.scatter [tilespmem:s24], [sflag:$0xA], $0x4000, $0x38;
	[tilespmem:$0x1D880] =	vst v63  }
0x7b: {  	_ =	swait.ge [sflag:s14], $0x4000  }
0x7c: {  	[sflag:s14] =	ssyncset.done $0x0  }
0x7d: {  	s19 =	simm.s32 $0x400;
	[sflag:s14] =	ssyncadd.s32 $0xFFFFC000  }
0x7e: {  	[tilespmem:s6], [sflag:$0x2] =	stream.indirect.gather [hbm4b:s1+s2], $0x80, s19, s2, $0xb8;
	[tilespmem:$0x1D880] =	vst v63  }
0x7f: {  	_ =	swait.ge [sflag:s15], $0x4000  }
0x80: {  	[sflag:s15] =	ssyncset.done $0x0  }
0x81: {  	s25 =	rddreg [dreg:$0x9];
	[sflag:s15] =	ssyncadd.s32 $0xFFFFC000  }
0x82: {  	[hbm4b:s25+s0] =	stream.linear.scatter [tilespmem:s11], [sflag:$0xB], $0x4000, $0x38;
	[tilespmem:$0x1D880] =	vst v63  }
0x83: {  	_ =	swait.ge [sflag:s18], $0x4000  }
0x84: {  	[sflag:s18] =	ssyncset.done $0x0  }
0x85: {  	s26 =	simm.s32 $0x480;
	[sflag:s18] =	ssyncadd.s32 $0xFFFFC000  }
0x86: {  	[tilespmem:s24], [sflag:$0x3] =	stream.indirect.gather [hbm4b:s1+s2], $0x80, s26, s2, $0xb8;
	[tilespmem:$0x1D880] =	vst v63  }
0x87: {  	_ =	swait.ge [sflag:s20], $0x4000  }
0x88: {  	[sflag:s20] =	ssyncset.done $0x0  }
0x89: {  	s19 =	rddreg [dreg:$0xa];
	[sflag:s20] =	ssyncadd.s32 $0xFFFFC000  }
0x8a: {  	[hbm4b:s19+s0] =	stream.linear.scatter [tilespmem:s10], [sflag:$0xC], $0x4000, $0x38;
	[tilespmem:$0x1D880] =	vst v63  }
0x8b: {  	_ =	swait.ge [sflag:s21], $0x4000  }
0x8c: {  	[sflag:s21] =	ssyncset.done $0x0  }
0x8d: {  	s25 =	simm.s32 $0x500;
	[sflag:s21] =	ssyncadd.s32 $0xFFFFC000  }
0x8e: {  	[tilespmem:s11], [sflag:$0x4] =	stream.indirect.gather [hbm4b:s1+s2], $0x80, s25, s2, $0xb8;
	[tilespmem:$0x1D880] =	vst v63  }
0x8f: {  	_ =	swait.ge [sflag:s29], $0x4000  }
0x90: {  	[sflag:s29] =	ssyncset.done $0x0  }
0x91: {  	s26 =	rddreg [dreg:$0xb];
	[sflag:s29] =	ssyncadd.s32 $0xFFFFC000  }
0x92: {  	[hbm4b:s26+s0] =	stream.linear.scatter [tilespmem:s12], [sflag:$0xD], $0x4000, $0x38;
	[tilespmem:$0x1D880] =	vst v63  }
0x93: {  	_ =	swait.ge [sflag:s22], $0x4000  }
0x94: {  	[sflag:s22] =	ssyncset.done $0x0  }
0x95: {  	s19 =	simm.s32 $0x580;
	[sflag:s22] =	ssyncadd.s32 $0xFFFFC000  }
0x96: {  	[tilespmem:s10], [sflag:$0x5] =	stream.indirect.gather [hbm4b:s1+s2], $0x80, s19, s2, $0xb8;
	[tilespmem:$0x1D880] =	vst v63  }
0x97: {  	_ =	swait.ge [sflag:s30], $0x4000  }
0x98: {  	[sflag:s30] =	ssyncset.done $0x0  }
0x99: {  	s25 =	rddreg [dreg:$0xc];
	[sflag:s30] =	ssyncadd.s32 $0xFFFFC000  }
0x9a: {  	[hbm4b:s25+s0] =	stream.linear.scatter [tilespmem:s28], [sflag:$0xE], $0x4000, $0x38;
	[tilespmem:$0x1D880] =	vst v63  }
0x9b: {  	_ =	swait.ge [sflag:s16], $0x4000  }
0x9c: {  	[sflag:s16] =	ssyncset.done $0x0  }
0x9d: {  	s26 =	simm.s32 $0x600;
	[sflag:s16] =	ssyncadd.s32 $0xFFFFC000  }
0x9e: {  	[tilespmem:s12], [sflag:$0x6] =	stream.indirect.gather [hbm4b:s1+s2], $0x80, s26, s2, $0xb8;
	[tilespmem:$0x1D880] =	vst v63  }
0x9f: {  	_ =	swait.ge [sflag:s7], $0x4000  }
0xa0: {  	s25 =	rddreg [dreg:$0x1b]  }
0xa1: {  	[sflag:s7] =	ssyncset.done $0x0;
	s3 =	sshrl.u32 s25, $0x3  }
0xa2: {  	[sflag:s7] =	ssyncadd.s32 $0xFFFFC000;
	s0 =	sadd.s32 s23, s3  }
0xa3: {  	[hbm4b:s0+s4] =	stream.linear.scatter [tilespmem:s5], [sflag:$0x8], $0x4000, $0x38;
	[tilespmem:$0x1D880] =	vst v63  }
0xa4: {  	_ =	swait.ge [sflag:s17], $0x4000  }
0xa5: {  	[sflag:s17] =	ssyncset.done $0x0  }
0xa6: {  	s16 =	simm.s32 $0x680;
	[sflag:s17] =	ssyncadd.s32 $0xFFFFC000  }
0xa7: {  	[tilespmem:s28], [sflag:$0x7] =	stream.indirect.gather [hbm4b:s1+s2], $0x80, s16, s2, $0xb8;
	[tilespmem:$0x1D880] =	vst v63  }
0xa8: {  	_ =	swait.ge [sflag:s8], $0x4000  }
0xa9: {  	[sflag:s8] =	ssyncset.done $0x0  }
0xaa: {  	s26 =	rddreg [dreg:$0x1a];
	[sflag:s8] =	ssyncadd.s32 $0xFFFFC000  }
0xab: {  	[hbm4b:s26+s4] =	stream.linear.scatter [tilespmem:s6], [sflag:$0x9], $0x4000, $0x38;
	[tilespmem:$0x1D880] =	vst v63  }
0xac: {  	_ =	swait.ge [sflag:s9], $0x4000  }
0xad: {  	[sflag:s9] =	ssyncset.done $0x0  }
0xae: {  	s17 =	simm.s32 $0x700;
	[sflag:s9] =	ssyncadd.s32 $0xFFFFC000  }
0xaf: {  	[tilespmem:s5], [sflag:$0x1] =	stream.indirect.gather [hbm4b:s1+s2], $0x80, s17, s2, $0xb8;
	[tilespmem:$0x1D880] =	vst v63  }
0xb0: {  	_ =	swait.ge [sflag:s13], $0x4000  }
0xb1: {  	[sflag:s13] =	ssyncset.done $0x0  }
0xb2: {  	s23 =	rddreg [dreg:$0x19];
	[sflag:s13] =	ssyncadd.s32 $0xFFFFC000  }
0xb3: {  	[hbm4b:s23+s4] =	stream.linear.scatter [tilespmem:s24], [sflag:$0xA], $0x4000, $0x38;
	[tilespmem:$0x1D880] =	vst v63  }
0xb4: {  	_ =	swait.ge [sflag:s14], $0x4000  }
0xb5: {  	[sflag:s14] =	ssyncset.done $0x0  }
0xb6: {  	s19 =	simm.s32 $0x780;
	[sflag:s14] =	ssyncadd.s32 $0xFFFFC000  }
0xb7: {  	[tilespmem:s6], [sflag:$0x2] =	stream.indirect.gather [hbm4b:s1+s2], $0x80, s19, s2, $0xb8;
	[tilespmem:$0x1D880] =	vst v63  }
0xb8: {  	_ =	swait.ge [sflag:s15], $0x4000  }
0xb9: {  	[sflag:s15] =	ssyncset.done $0x0  }
0xba: {  	s3 =	rddreg [dreg:$0x18];
	[sflag:s15] =	ssyncadd.s32 $0xFFFFC000  }
0xbb: {  	[hbm4b:s3+s4] =	stream.linear.scatter [tilespmem:s11], [sflag:$0xB], $0x4000, $0x38;
	[tilespmem:$0x1D880] =	vst v63  }
0xbc: {  	_ =	swait.ge [sflag:s18], $0x4000  }
0xbd: {  	[sflag:s18] =	ssyncset.done $0x0  }
0xbe: {  	s7 =	simm.s32 $0x800;
	[sflag:s18] =	ssyncadd.s32 $0xFFFFC000  }
0xbf: {  	[tilespmem:s24], [sflag:$0x3] =	stream.indirect.gather [hbm4b:s1+s2], $0x80, s7, s2, $0xb8;
	[tilespmem:$0x1D880] =	vst v63  }
0xc0: {  	_ =	swait.ge [sflag:s20], $0x4000  }
0xc1: {  	[sflag:s20] =	ssyncset.done $0x0  }
0xc2: {  	s5 =	rddreg [dreg:$0x17];
	[sflag:s20] =	ssyncadd.s32 $0xFFFFC000  }
0xc3: {  	[hbm4b:s5+s4] =	stream.linear.scatter [tilespmem:s10], [sflag:$0xC], $0x4000, $0x38;
	[tilespmem:$0x1D880] =	vst v63  }
0xc4: {  	_ =	swait.ge [sflag:s21], $0x4000  }
0xc5: {  	[sflag:s21] =	ssyncset.done $0x0  }
0xc6: {  	s8 =	simm.s32 $0x880;
	[sflag:s21] =	ssyncadd.s32 $0xFFFFC000  }
0xc7: {  	[tilespmem:s11], [sflag:$0x4] =	stream.indirect.gather [hbm4b:s1+s2], $0x80, s8, s2, $0xb8;
	[tilespmem:$0x1D880] =	vst v63  }
0xc8: {  	s25 =	sadd.s32 $0x1C000, s25;
	s16 =	simm.s32 $0x80;
	_ =	swait.ge [sflag:s29], $0x4000  }
0xc9: {  	s26 =	sadd.s32 $0x3800, s26;
	s9 =	simm.s32 $0xD;
	[sflag:s29] =	ssyncset.done $0x0  }
0xca: {  	s17 =	simm.s32 $0x8;
	s11 =	rddreg [dreg:$0x16];
	[sflag:s29] =	ssyncadd.s32 $0xFFFFC000  }
0xcb: {  	[hbm4b:s11+s4] =	stream.linear.scatter [tilespmem:s12], [sflag:$0xD], $0x4000, $0x38;
	[tilespmem:$0x1D880] =	vst v63  }
0xcc: {  	s13 =	simm.s32 $0x900;
	s14 =	simm.s32 $0x1;
	_ =	swait.ge [sflag:s22], $0x4000  }
0xcd: {  	s19 =	simm.s32 $0x9;
	s18 =	simm.s32 $0x3;
	[sflag:s22] =	ssyncset.done $0x0  }
0xce: {  	s24 =	simm.s32 $0xE00;
	s7 =	simm.s32 $0xC;
	[sflag:s22] =	ssyncadd.s32 $0xFFFFC000  }
0xcf: {  	[tilespmem:s10], [sflag:$0x5] =	stream.indirect.gather [hbm4b:s1+s2], $0x80, s13, s2, $0xb8;
	[tilespmem:$0x1D880] =	vst v63  }
0xd0: {  	s20 =	simm.s32 $0x4;
	s21 =	simm.s32 $0xA;
	_ =	swait.ge [sflag:s30], $0x4000  }
0xd1: {  	s8 =	simm.s32 $0x7;
	s29 =	sadd.s32 $0x3800, s23;
	[sflag:s30] =	ssyncset.done $0x0  }
0xd2: {  	s23 =	sadd.s32 $0x3800, s11;
	s15 =	rddreg [dreg:$0x15];
	[sflag:s30] =	ssyncadd.s32 $0xFFFFC000  }
0xd3: {  	[hbm4b:s15+s4] =	stream.linear.scatter [tilespmem:s28], [sflag:$0xE], $0x4000, $0x38;
	[tilespmem:$0x1D880] =	vst v63  }
0xd4: {  	s22 =	simm.s32 $0x6;
	s30 =	simm.s32 $0x5;
	_ =	swait.ge [sflag:s9], $0x4000  }
0xd5: {  	s0 =	sadd.s32 $0x3800, s15;
	s28 =	sadd.s32 $0x3800, s3;
	[sflag:s9] =	ssyncset.done $0x0  }
0xd6: {  	s3 =	sadd.s32 $0x3800, s5;
	s5 =	simm.s32 $0x980;
	[sflag:s9] =	ssyncadd.s32 $0xFFFFC000  }
.LBB2_2:
0xd7: {  	s12 =	simm.s32 $0x15880  }
0xd8: {  	[tilespmem:s12], [sflag:$0x6] =	stream.indirect.gather [hbm4b:s1+s16], $0x80, s5, s16, $0xb8;
	[tilespmem:$0x1D880] =	vst v63  }
0xd9: {  	_ =	swait.ge [sflag:s14], $0x4000  }
0xda: {  	[sflag:s14] =	ssyncset.done $0x0  }
0xdb: {  	[sflag:s14] =	ssyncadd.s32 $0xFFFFC000  }
0xdc: {  	s15 =	smov.u32 s24;
	s6 =	sshrl.u32 s25, $0x3;
	s13 =	rddreg [dreg:$0x2]  }
0xdd: {  	s10 =	simm.s32 $0x1880;
	s2 =	simm.s32 $0xE;
	s6 =	sadd.s32 s13, s6  }
0xde: {  	[hbm4b:s6+s4] =	stream.linear.scatter [tilespmem:s10], [sflag:$0x8], $0x4000, $0x38;
	[tilespmem:$0x1D880] =	vst v63  }
0xdf: {  	s5 =	sshra.s32 s15, $0x2;
	_ =	swait.ge [sflag:s2], $0x4000  }
0xe0: {  	s11 =	sadd.s32 $0x680, s5;
	[sflag:s2] =	ssyncset.done $0x0  }
0xe1: {  	s13 =	simm.s32 $0x2;
	s4 =	simm.s32 $0x19880;
	[sflag:s2] =	ssyncadd.s32 $0xFFFFC000  }
0xe2: {  	[tilespmem:s4], [sflag:$0x7] =	stream.indirect.gather [hbm4b:s1+s16], $0x80, s11, s16, $0xb8;
	[tilespmem:$0x1D880] =	vst v63  }
0xe3: {  	_ =	swait.ge [sflag:s13], $0x4000  }
0xe4: {  	[sflag:s13] =	ssyncset.done $0x0  }
0xe5: {  	s2 =	simm.s32 $0x0;
	s11 =	simm.s32 $0x5880;
	[sflag:s13] =	ssyncadd.s32 $0xFFFFC000  }
0xe6: {  	[hbm4b:s26+s2] =	stream.linear.scatter [tilespmem:s11], [sflag:$0x9], $0x4000, $0x38;
	[tilespmem:$0x1D880] =	vst v63  }
0xe7: {  	_ =	swait.ge [sflag:s17], $0x4000  }
0xe8: {  	[sflag:s17] =	ssyncset.done $0x0  }
0xe9: {  	s15 =	sadd.s32 $0x700, s5;
	[sflag:s17] =	ssyncadd.s32 $0xFFFFC000  }
0xea: {  	[tilespmem:s10], [sflag:$0x1] =	stream.indirect.gather [hbm4b:s1+s16], $0x80, s15, s16, $0xb8;
	[tilespmem:$0x1D880] =	vst v63  }
0xeb: {  	_ =	swait.ge [sflag:s18], $0x4000  }
0xec: {  	[sflag:s18] =	ssyncset.done $0x0  }
0xed: {  	s15 =	simm.s32 $0x9880;
	[sflag:s18] =	ssyncadd.s32 $0xFFFFC000  }
0xee: {  	[hbm4b:s29+s2] =	stream.linear.scatter [tilespmem:s15], [sflag:$0xA], $0x4000, $0x38;
	[tilespmem:$0x1D880] =	vst v63  }
0xef: {  	_ =	swait.ge [sflag:s19], $0x4000  }
0xf0: {  	[sflag:s19] =	ssyncset.done $0x0  }
0xf1: {  	s10 =	sadd.s32 $0x780, s5;
	[sflag:s19] =	ssyncadd.s32 $0xFFFFC000  }
0xf2: {  	[tilespmem:s11], [sflag:$0x2] =	stream.indirect.gather [hbm4b:s1+s16], $0x80, s10, s16, $0xb8;
	[tilespmem:$0x1D880] =	vst v63  }
0xf3: {  	_ =	swait.ge [sflag:s20], $0x4000  }
0xf4: {  	[sflag:s20] =	ssyncset.done $0x0  }
0xf5: {  	s10 =	simm.s32 $0xD880;
	[sflag:s20] =	ssyncadd.s32 $0xFFFFC000  }
0xf6: {  	[hbm4b:s28+s2] =	stream.linear.scatter [tilespmem:s10], [sflag:$0xB], $0x4000, $0x38;
	[tilespmem:$0x1D880] =	vst v63  }
0xf7: {  	_ =	swait.ge [sflag:s21], $0x4000  }
0xf8: {  	[sflag:s21] =	ssyncset.done $0x0  }
0xf9: {  	s11 =	sadd.s32 $0x800, s5;
	[sflag:s21] =	ssyncadd.s32 $0xFFFFC000  }
0xfa: {  	[tilespmem:s15], [sflag:$0x3] =	stream.indirect.gather [hbm4b:s1+s16], $0x80, s11, s16, $0xb8;
	[tilespmem:$0x1D880] =	vst v63  }
0xfb: {  	_ =	swait.ge [sflag:s30], $0x4000  }
0xfc: {  	[sflag:s30] =	ssyncset.done $0x0  }
0xfd: {  	s11 =	simm.s32 $0x11880;
	[sflag:s30] =	ssyncadd.s32 $0xFFFFC000  }
0xfe: {  	[hbm4b:s3+s2] =	stream.linear.scatter [tilespmem:s11], [sflag:$0xC], $0x4000, $0x38;
	[tilespmem:$0x1D880] =	vst v63  }
0xff: {  	_ =	swait.ge [sflag:s31], $0x4000  }
0x100: {  	[sflag:s31] =	ssyncset.done $0x0  }
0x101: {  	s15 =	sadd.s32 $0x880, s5;
	[sflag:s31] =	ssyncadd.s32 $0xFFFFC000  }
0x102: {  	[tilespmem:s10], [sflag:$0x4] =	stream.indirect.gather [hbm4b:s1+s16], $0x80, s15, s16, $0xb8;
	[tilespmem:$0x1D880] =	vst v63  }
0x103: {  	_ =	swait.ge [sflag:s22], $0x4000  }
0x104: {  	[sflag:s22] =	ssyncset.done $0x0  }
0x105: {  	[sflag:s22] =	ssyncadd.s32 $0xFFFFC000  }
0x106: {  	[hbm4b:s23+s2] =	stream.linear.scatter [tilespmem:s12], [sflag:$0xD], $0x4000, $0x38;
	[tilespmem:$0x1D880] =	vst v63  }
0x107: {  	_ =	swait.ge [sflag:s7], $0x4000  }
0x108: {  	p2 =	sne.s32 s24, $0x3800;
	s24 =	sadd.s32 $0xE00, s24;
	[sflag:s7] =	ssyncset.done $0x0  }
0x109: {  	s25 =	sadd.s32 $0x1C000, s25;
	s15 =	sadd.s32 $0x900, s5;
	[sflag:s7] =	ssyncadd.s32 $0xFFFFC000  }
0x10a: {  	[tilespmem:s11], [sflag:$0x5] =	stream.indirect.gather [hbm4b:s1+s16], $0x80, s15, s16, $0xb8;
	[tilespmem:$0x1D880] =	vst v63  }
0x10b: {  	s6 =	simm.s32 $0x19880;
	s13 =	simm.s32 $0x1880;
	_ =	swait.ge [sflag:s8], $0x4000  }
0x10c: {  	s26 =	sadd.s32 $0x3800, s26;
	s29 =	sadd.s32 $0x3800, s29;
	[sflag:s8] =	ssyncset.done $0x0  }
.Ltmp0:
0x10d: {  	s28 =	sadd.s32 $0x3800, s28;
	[sflag:s8] =	ssyncadd.s32 $0xFFFFC000;
	(pc) =	sbr.rel @p2 .LBB2_2-.Ltmp0, $4  }
0x10e: {  	[hbm4b:s0+s2] =	stream.linear.scatter [tilespmem:s4], [sflag:$0xE], $0x4000, $0x38;
	[tilespmem:$0x1D880] =	vst v63  }
0x10f: {  	s3 =	sadd.s32 $0x3800, s3;
	s10 =	simm.s32 $0x15880;
	_ =	swait.ge [sflag:s9], $0x4000  }
0x110: {  	s5 =	sadd.s32 $0x980, s5;
	s23 =	sadd.s32 $0x3800, s23;
	[sflag:s9] =	ssyncset.done $0x0  }
0x111: {  	s4 =	simm.s32 $0x0;
	s0 =	sadd.s32 $0x3800, s0;
	[sflag:s9] =	ssyncadd.s32 $0xFFFFC000  }
0x112: {  	[tilespmem:s10], [sflag:$0x6] =	stream.indirect.gather [hbm4b:s1+s16], $0x80, s5, s16, $0xb8;
	[tilespmem:$0x1D880] =	vst v63  }
0x113: {  	_ =	swait.ge [sflag:s14], $0x4000  }
0x114: {  	[sflag:s14] =	ssyncset.done $0x0  }
0x115: {  	s23 =	simm.s32 $0xE;
	s0 =	rddreg [dreg:$0xd];
	[sflag:s14] =	ssyncadd.s32 $0xFFFFC000  }
0x116: {  	[hbm4b:s0+s4] =	stream.linear.scatter [tilespmem:s13], [sflag:$0x8], $0x4000, $0x38;
	[tilespmem:$0x1D880] =	vst v63  }
0x117: {  	_ =	swait.ge [sflag:s23], $0x4000  }
0x118: {  	[sflag:s23] =	ssyncset.done $0x0  }
0x119: {  	s24 =	simm.s32 $0x1800;
	s25 =	simm.s32 $0x2;
	[sflag:s23] =	ssyncadd.s32 $0xFFFFC000  }
0x11a: {  	[tilespmem:s6], [sflag:$0x7] =	stream.indirect.gather [hbm4b:s1+s16], $0x80, s24, s16, $0xb8;
	[tilespmem:$0x1D880] =	vst v63  }
0x11b: {  	_ =	swait.ge [sflag:s25], $0x4000  }
0x11c: {  	s3 =	simm.s32 @p1 $0x5880;
	[sflag:s25] =	ssyncset.done $0x0  }
0x11d: {  	s0 =	simm.s32 @p1 $0x0;
	s5 =	rddreg [dreg:$0xe];
	[sflag:s25] =	ssyncadd.s32 $0xFFFFC000  }
0x11e: {  	[hbm4b:s5+s0] =	stream.linear.scatter @p1 [tilespmem:s3], [sflag:$0x9], $0x4000, $0x38;
	[tilespmem:$0x1D880] =	vst v63  }
0x11f: {  	s3 =	simm.s32 @p1 $0x3  }
0x120: {  	_ =	swait.ge @p1 [sflag:s3], $0x4000  }
0x121: {  	[sflag:s3] =	ssyncset.done @p1 $0x0  }
0x122: {  	s5 =	rddreg [dreg:$0xf];
	[sflag:s3] =	ssyncadd.s32 @p1 $0xFFFFC000;
	s3 =	simm.s32 @p1 $0x9880  }
0x123: {  	[hbm4b:s5+s0] =	stream.linear.scatter @p1 [tilespmem:s3], [sflag:$0xA], $0x4000, $0x38;
	[tilespmem:$0x1D880] =	vst v63  }
0x124: {  	s3 =	simm.s32 @p1 $0x4  }
0x125: {  	_ =	swait.ge @p1 [sflag:s3], $0x4000  }
0x126: {  	[sflag:s3] =	ssyncset.done @p1 $0x0  }
0x127: {  	s5 =	rddreg [dreg:$0x10];
	[sflag:s3] =	ssyncadd.s32 @p1 $0xFFFFC000;
	s3 =	simm.s32 @p1 $0xD880  }
0x128: {  	[hbm4b:s5+s0] =	stream.linear.scatter @p1 [tilespmem:s3], [sflag:$0xB], $0x4000, $0x38;
	[tilespmem:$0x1D880] =	vst v63  }
0x129: {  	s3 =	simm.s32 @p1 $0x5  }
0x12a: {  	_ =	swait.ge @p1 [sflag:s3], $0x4000  }
0x12b: {  	[sflag:s3] =	ssyncset.done @p1 $0x0  }
0x12c: {  	s5 =	rddreg [dreg:$0x11];
	[sflag:s3] =	ssyncadd.s32 @p1 $0xFFFFC000;
	s3 =	simm.s32 @p1 $0x11880  }
0x12d: {  	[hbm4b:s5+s0] =	stream.linear.scatter @p1 [tilespmem:s3], [sflag:$0xC], $0x4000, $0x38;
	[tilespmem:$0x1D880] =	vst v63  }
0x12e: {  	s3 =	simm.s32 @p1 $0x6  }
0x12f: {  	_ =	swait.ge @p1 [sflag:s3], $0x4000  }
0x130: {  	[sflag:s3] =	ssyncset.done @p1 $0x0  }
0x131: {  	s5 =	rddreg [dreg:$0x12];
	[sflag:s3] =	ssyncadd.s32 @p1 $0xFFFFC000;
	s3 =	simm.s32 @p1 $0x15880  }
0x132: {  	[hbm4b:s5+s0] =	stream.linear.scatter @p1 [tilespmem:s3], [sflag:$0xD], $0x4000, $0x38;
	[tilespmem:$0x1D880] =	vst v63  }
0x133: {  	s3 =	simm.s32 @p1 $0x7  }
0x134: {  	_ =	swait.ge @p1 [sflag:s3], $0x4000  }
0x135: {  	[sflag:s3] =	ssyncset.done @p1 $0x0  }
0x136: {  	s5 =	rddreg [dreg:$0x13];
	[sflag:s3] =	ssyncadd.s32 @p1 $0xFFFFC000;
	s3 =	simm.s32 @p1 $0x19880  }
0x137: {  	[hbm4b:s5+s0] =	stream.linear.scatter @p1 [tilespmem:s3], [sflag:$0xE], $0x4000, $0x38;
	[tilespmem:$0x1D880] =	vst v63  }
0x138: {  	s0 =	simm.s32 @p1 $0x8  }
0x139: {  	_ =	swait.ge @p1 [sflag:s0], $0x4000  }
0x13a: {  	[sflag:s0] =	ssyncset.done @p1 $0x0  }
0x13b: {  	[sflag:s0] =	ssyncadd.s32 @p1 $0xFFFFC000;
	s0 =	simm.s32 @p1 $0x9  }
0x13c: {  	_ =	swait.ge @p1 [sflag:s0], $0x4000  }
0x13d: {  	[sflag:s0] =	ssyncset.done @p1 $0x0  }
0x13e: {  	[sflag:s0] =	ssyncadd.s32 @p1 $0xFFFFC000;
	s0 =	simm.s32 @p1 $0xA  }
0x13f: {  	_ =	swait.ge @p1 [sflag:s0], $0x4000  }
0x140: {  	[sflag:s0] =	ssyncset.done @p1 $0x0  }
0x141: {  	[sflag:s0] =	ssyncadd.s32 @p1 $0xFFFFC000;
	s0 =	simm.s32 @p1 $0xB  }
0x142: {  	_ =	swait.ge @p1 [sflag:s0], $0x4000  }
0x143: {  	[sflag:s0] =	ssyncset.done @p1 $0x0  }
0x144: {  	[sflag:s0] =	ssyncadd.s32 @p1 $0xFFFFC000;
	s0 =	simm.s32 @p1 $0xC  }
0x145: {  	_ =	swait.ge @p1 [sflag:s0], $0x4000  }
0x146: {  	[sflag:s0] =	ssyncset.done @p1 $0x0  }
0x147: {  	[sflag:s0] =	ssyncadd.s32 @p1 $0xFFFFC000;
	s0 =	simm.s32 @p1 $0xD  }
0x148: {  	_ =	swait.ge @p1 [sflag:s0], $0x4000  }
0x149: {  	[sflag:s0] =	ssyncset.done @p1 $0x0  }
0x14a: {  	[sflag:s0] =	ssyncadd.s32 @p1 $0xFFFFC000;
	s0 =	simm.s32 @p1 $0xE  }
0x14b: {  	_ =	swait.ge @p1 [sflag:s0], $0x4000  }
0x14c: {  	s3 =	simm.s32 @!p1 $0x5880;
	[sflag:s0] =	ssyncset.done @p1 $0x0  }
0x14d: {  	s5 =	rddreg [dreg:$0x1c];
	[sflag:s0] =	ssyncadd.s32 @p1 $0xFFFFC000;
	s0 =	simm.s32 @!p1 $0x0  }
0x14e: {  	[hbm4b:s5+s0] =	stream.linear.scatter @!p1 [tilespmem:s3], [sflag:$0x9], $0x2000, $0x38;
	[tilespmem:$0x1D880] =	vst v63  }
0x14f: {  	s0 =	simm.s32 @!p1 $0x3  }
0x150: {  	_ =	swait.ge @!p1 [sflag:s0], $0x4000  }
0x151: {  	[sflag:s0] =	ssyncset.done @!p1 $0x0  }
0x152: {  	[sflag:s0] =	ssyncadd.s32 @!p1 $0xFFFFC000;
	s0 =	simm.s32 @!p1 $0x4  }
0x153: {  	_ =	swait.ge @!p1 [sflag:s0], $0x4000  }
0x154: {  	[sflag:s0] =	ssyncset.done @!p1 $0x0  }
0x155: {  	[sflag:s0] =	ssyncadd.s32 @!p1 $0xFFFFC000;
	s0 =	simm.s32 @!p1 $0x5  }
0x156: {  	_ =	swait.ge @!p1 [sflag:s0], $0x4000  }
0x157: {  	[sflag:s0] =	ssyncset.done @!p1 $0x0  }
0x158: {  	[sflag:s0] =	ssyncadd.s32 @!p1 $0xFFFFC000;
	s0 =	simm.s32 @!p1 $0x6  }
0x159: {  	_ =	swait.ge @!p1 [sflag:s0], $0x4000  }
0x15a: {  	[sflag:s0] =	ssyncset.done @!p1 $0x0  }
0x15b: {  	[sflag:s0] =	ssyncadd.s32 @!p1 $0xFFFFC000;
	s0 =	simm.s32 @!p1 $0x7  }
0x15c: {  	_ =	swait.ge @!p1 [sflag:s0], $0x4000  }
0x15d: {  	[sflag:s0] =	ssyncset.done @!p1 $0x0  }
0x15e: {  	[sflag:s0] =	ssyncadd.s32 @!p1 $0xFFFFC000;
	s0 =	simm.s32 @!p1 $0x8  }
0x15f: {  	s11 =	simm.s32 $0xD880;
	_ =	swait.ge @!p1 [sflag:s0], $0x4000  }
0x160: {  	s10 =	simm.s32 $0x11880;
	s12 =	simm.s32 $0x15880;
	[sflag:s0] =	ssyncset.done @!p1 $0x0  }
0x161: {  	s7 =	simm.s32 $0x1;
	[sflag:s0] =	ssyncadd.s32 @!p1 $0xFFFFC000;
	s0 =	simm.s32 @!p1 $0x9  }
0x162: {  	s28 =	simm.s32 $0x19880;
	s8 =	simm.s32 $0x2;
	_ =	swait.ge @!p1 [sflag:s0], $0x2000  }
0x163: {  	s9 =	simm.s32 $0x8;
	s15 =	simm.s32 $0x4;
	s19 =	rddreg [dreg:$0x1d]  }
0x164: {  	s18 =	simm.s32 $0xA;
	s26 =	rddreg [dreg:$0x14];
	s19 =	sadd.s32 $0x1, s19  }
0x165: {  	s20 =	simm.s32 $0x5;
	s21 =	simm.s32 $0xB;
	p2 =	sne.s32 s19, s26  }
.Ltmp1:
0x166: {  	s29 =	simm.s32 $0x6;
	s22 =	simm.s32 $0xC;
	(pc) =	sbr.rel @p2 .LBB2_1-.Ltmp1, $4  }
0x167: {  	s30 =	simm.s32 $0x7;
	s17 =	simm.s32 $0xE;
	s2 =	simm.s32 $0x80  }
0x168: {  	s14 =	simm.s32 $0x9;
	s13 =	simm.s32 $0x3;
	[sflag:s0] =	ssyncset.done @!p1 $0x0  }
0x169: {  	s6 =	simm.s32 $0x5880;
	s24 =	simm.s32 $0x9880;
	[sflag:s0] =	ssyncadd.s32 @!p1 $0xFFFFE000  }
0x16a: {  	s16 =	simm.s32 $0xD;
	s5 =	simm.s32 $0x1880;
	s23 =	rddreg [dreg:$0x2]  }
0x16b: {  	_ =	sfence.sel $0x180000  }
0x16c: {  	[bflag:$0x0] =	sbarrier.arrive $0xFFFF  }
0x16d: {  	_ =	strace $0x90000047  }
0x16e: {  	s0 =	stileid.u32;
	[bflag:$0x2] =	sbarrier.arrive $0xFFFF  }
0x16f: {  	p0 =	sne.s32 s0, $0x0;
	s0 =	rddreg [dreg:$0x3]  }
0x170: {  	s0 =	sadd.s32 @!p0 $0x100000, s0  }
0x171: {  	[sflag:s0] =	ssyncadd.tile.s32 @!p0 $0x1;
	_ =	shalt  }
.Lfunc_end2:
_tile_overlayer_lowered:
.L_overlay_start_2:
0x172: {  	(tag) =	ssettag $0x2  }
0x173: {  	s0 =	rddreg [dreg:$0x0];
	s2 =	stileid.u32  }
0x174: {  	s1 =	rddreg [dreg:$0x1];
	p0 =	sne.s32 s2, $0x0  }
0x175: {  	s3 =	rddreg [dreg:$0x2];
	[bflag:$0x3] =	sbarrier.arrive $0xFFFF;
	s2 =	simm.s32 @!p0 $0x1C0F  }
0x176: {  	[timem:s3], [sflag:s2] =	dma.local @!p0 [hbm:s0], s1  }
0x177: {  	s0 =	simm.s32 @!p0 $0xF  }
0x178: {  	_ =	swait.ge @!p0 [sflag:s0], s1  }
0x179: {  	s1 =	ssub.s32 @!p0 $0x0, s1;
	[sflag:s0] =	ssyncset.done @!p0 $0x0  }
0x17a: {  	[sflag:s0] =	ssyncadd.s32 @!p0 s1  }
0x17b: {  	[bflag:$0x3] =	sbarrier.arrive $0xFFFF  }
0x17c: {  	_ =	shalt  }

</sc_bundles>
